<compile_context>
chip_gen: v7x
topology: tpu7x:2x2x1
jax: 0.10.2.dev20260603
libtpu: 0.0.44.dev20260713+nightly
codegen_flags: <defaults>
</compile_context>

<pallas_src>
import functools

import jax
import jax.numpy as jnp
from jax import lax
from jax.experimental import pallas as pl
from jax.experimental.pallas import tpu as pltpu
from jax.experimental.pallas import tpu_sc as plsc

N_CLS = 1000
FEAT = 128
BATCH = 16384
PROTO_M = 0.99
TEMP = 0.1

PAD_CLS = 1024
NCORES = 2
NSUB = 16
LANES = 16
NW = NCORES * NSUB
CPW = PAD_CLS // NW
CHUNK = 128
SUBS = 4
SUBLEN = CHUNK // SUBS
RV = FEAT // LANES
HIT_CAP = BATCH + CHUNK


def _rsqrt_newton(s):
    i = lax.bitcast_convert_type(s, jnp.int32)
    i = jnp.int32(0x5F3759DF) - lax.shift_right_logical(i, 1)
    y = lax.bitcast_convert_type(i, jnp.float32)
    for _ in range(3):
        y = y * (jnp.float32(1.5) - jnp.float32(0.5) * s * y * y)
    return y


def _ema_body(feat_hbm, lbl_hbm, proto_hbm, out_hbm,
              labels_v, hit_id, hit_lb, protos_v,
              idx_a, idx_b, feat_a, feat_b, sem_a, sem_b):
    wid = lax.axis_index("c") * NSUB + lax.axis_index("s")
    lo = wid * CPW
    pltpu.sync_copy(lbl_hbm, labels_v)
    pltpu.sync_copy(proto_hbm.at[pl.ds(lo, CPW)], protos_v)
    iota = lax.iota(jnp.int32, LANES)

    def scan_step(i, off):
        b0 = i * (2 * LANES)
        lb0 = labels_v[pl.ds(b0, LANES)]
        lb1 = labels_v[pl.ds(b0 + LANES, LANES)]
        m0 = (lb0 >= lo) & (lb0 < lo + CPW)
        m1 = (lb1 >= lo) & (lb1 < lo + CPW)
        cs0 = plsc.cumsum(m0.astype(jnp.int32))
        cs1 = plsc.cumsum(m1.astype(jnp.int32))
        pos0 = off + cs0 - 1
        off1 = off + cs0[LANES - 1]
        pos1 = off1 + cs1 - 1
        plsc.store_scatter(hit_id, [pos0], iota + b0, mask=m0)
        plsc.store_scatter(hit_lb, [pos0], lb0 - lo, mask=m0)
        plsc.store_scatter(hit_id, [pos1], iota + (b0 + LANES), mask=m1)
        plsc.store_scatter(hit_lb, [pos1], lb1 - lo, mask=m1)
        return off1 + cs1[LANES - 1]

    cnt = lax.fori_loop(0, BATCH // (2 * LANES), scan_step, jnp.int32(0))
    nchunks = (cnt + (CHUNK - 1)) // CHUNK

    def build_idx(ci, idx_v):
        base = ci * CHUNK
        for j in range(SUBS):
            for t in range(SUBLEN // LANES):
                o = j * SUBLEN + t * LANES
                ids = hit_id[pl.ds(base + o, LANES)]
                pos = (base + o) + iota
                idx_v[j, pl.ds(t * LANES, LANES)] = jnp.where(pos < cnt, ids, 0)

    def start_gather(idx_v, feat_v, sem):
        for j in range(SUBS):
            pltpu.async_copy(feat_hbm.at[idx_v.at[j]],
                             feat_v.at[pl.ds(j * SUBLEN, SUBLEN)], sem)

    def wait_gather(idx_v, feat_v, sem):
        for j in range(SUBS):
            pltpu.make_async_copy(feat_hbm.at[idx_v.at[j]],
                                  feat_v.at[pl.ds(j * SUBLEN, SUBLEN)],
                                  sem).wait()

    def process_chunk(ci, feat_v):
        base = ci * CHUNK
        nh = jnp.minimum(CHUNK, cnt - base)

        def hit_step(k, c2):
            slot = hit_lb[pl.ds(base + k, LANES)][0]
            rows = []
            sq = []
            for r in range(RV):
                pr = protos_v[slot, pl.ds(r * LANES, LANES)]
                fr = feat_v[k, pl.ds(r * LANES, LANES)]
                nr = pr * PROTO_M + fr * (1.0 - PROTO_M)
                rows.append(nr)
                sq.append(nr * nr)
            while len(sq) > 1:
                sq = [a + b for a, b in zip(sq[::2], sq[1::2])]
            s = jnp.maximum(jnp.sum(sq[0]), jnp.float32(1e-24))
            inv = _rsqrt_newton(s)
            for r in range(RV):
                protos_v[slot, pl.ds(r * LANES, LANES)] = rows[r] * inv
            return c2

        lax.fori_loop(0, nh, hit_step, 0)

    @pl.when(nchunks > 0)
    def _():
        build_idx(0, idx_a)
        start_gather(idx_a, feat_a, sem_a)

    def pair_step(h, carry):
        ca = 2 * h

        @pl.when(ca < nchunks)
        def _():
            @pl.when(ca + 1 < nchunks)
            def _():
                build_idx(ca + 1, idx_b)
                start_gather(idx_b, feat_b, sem_b)
            wait_gather(idx_a, feat_a, sem_a)
            process_chunk(ca, feat_a)

        @pl.when(ca + 1 < nchunks)
        def _():
            @pl.when(ca + 2 < nchunks)
            def _():
                build_idx(ca + 2, idx_a)
                start_gather(idx_a, feat_a, sem_a)
            wait_gather(idx_b, feat_b, sem_b)
            process_chunk(ca + 1, feat_b)

        return carry

    lax.fori_loop(0, (nchunks + 1) // 2, pair_step, 0)
    pltpu.sync_copy(protos_v, out_hbm.at[pl.ds(lo, CPW)])


_ema_call = functools.partial(
    pl.kernel,
    out_type=jax.ShapeDtypeStruct((PAD_CLS, FEAT), jnp.float32),
    mesh=plsc.VectorSubcoreMesh(core_axis_name="c", subcore_axis_name="s"),
    scratch_types=[
        pltpu.VMEM((BATCH,), jnp.int32),
        pltpu.VMEM((HIT_CAP,), jnp.int32),
        pltpu.VMEM((HIT_CAP,), jnp.int32),
        pltpu.VMEM((CPW, FEAT), jnp.float32),
        pltpu.VMEM((SUBS, SUBLEN), jnp.int32),
        pltpu.VMEM((SUBS, SUBLEN), jnp.int32),
        pltpu.VMEM((CHUNK, FEAT), jnp.float32),
        pltpu.VMEM((CHUNK, FEAT), jnp.float32),
        pltpu.SemaphoreType.DMA,
        pltpu.SemaphoreType.DMA,
    ],
    compiler_params=pltpu.CompilerParams(needs_layout_passes=False),
)(_ema_body)


ROWS = 256


def _loss_body(a_ref, b_ref, out_ref, acc_ref):
    i = pl.program_id(0)
    a = a_ref[...]
    b = b_ref[...]
    logits = lax.dot_general(a, b, (((1,), (1,)), ((), ())),
                             preferred_element_type=jnp.float32)
    e = jnp.exp(logits * (1.0 / TEMP))
    row = i * ROWS + lax.broadcasted_iota(jnp.int32, (ROWS, PAD_CLS), 0)
    col = lax.broadcasted_iota(jnp.int32, (ROWS, PAD_CLS), 1)
    e = jnp.where((row == col) | (col >= N_CLS), 0.0, e)
    denom = jnp.float32(N_CLS - 1)
    mpn = jnp.log(jnp.sum(e, axis=1, keepdims=True) / denom)
    rows1 = i * ROWS + lax.broadcasted_iota(jnp.int32, (ROWS, 1), 0)
    valid = jnp.logical_not(jnp.isnan(mpn)) & (rows1 < N_CLS)
    bsum = jnp.sum(jnp.where(valid, mpn, 0.0))
    bcnt = jnp.sum(valid.astype(jnp.float32))

    @pl.when(i == 0)
    def _():
        acc_ref[0] = 0.0
        acc_ref[1] = 0.0

    acc_ref[0] += bsum
    acc_ref[1] += bcnt

    @pl.when(i == pl.num_programs(0) - 1)
    def _():
        out_ref[0, 0] = acc_ref[0] / jnp.maximum(acc_ref[1], 1.0)


_loss_call = pl.pallas_call(
    _loss_body,
    grid=(PAD_CLS // ROWS,),
    in_specs=[
        pl.BlockSpec((ROWS, FEAT), lambda i: (i, 0)),
        pl.BlockSpec((PAD_CLS, FEAT), lambda i: (0, 0)),
    ],
    out_specs=pl.BlockSpec(memory_space=pltpu.SMEM),
    out_shape=jax.ShapeDtypeStruct((1, 1), jnp.float32),
    scratch_shapes=[pltpu.SMEM((2,), jnp.float32)],
)


def kernel(features, labels, prototypes):
    protos_p = jnp.pad(prototypes, ((0, PAD_CLS - N_CLS), (0, 0)))
    upd = _ema_call(features, labels.astype(jnp.int32), protos_p)
    loss = _loss_call(upd, upd)
    return loss[0, 0]

# --- scband reference (transcript-rebuilt; emitter-appended) ---
"""Pipeline reference for scband-dis-loss-17325898072321 (READ-ONLY COPY).

The authoritative reference and input builder live on the scoring server;
editing this copy changes nothing except your own understanding.
"""

import jax, jax.numpy as jnp
import numpy as np

N_CLS = 1000
FEAT_DIM = 128
BATCH = 16384
PROTO_M = 0.99
TEMPERATURE = 0.1
BASE_TEMPERATURE = 0.1


def setup_inputs(seed: int = 0) -> dict:
    key = jax.random.key(seed)
    k1, k2, k3 = jax.random.split(key, 3)
    features = jax.random.normal(k1, (BATCH, FEAT_DIM), dtype=jnp.float32)
    labels = jax.random.randint(k2, (BATCH,), 0, N_CLS, dtype=jnp.int32)
    # prototypes buffer: in the torch module this is initialized from data via
    # init_class_prototypes (mean feature per class, L2-normalized). Emulate with
    # random unit-norm rows.
    protos = jax.random.normal(k3, (N_CLS, FEAT_DIM), dtype=jnp.float32)
    protos = protos / jnp.maximum(jnp.linalg.norm(protos, axis=1, keepdims=True), 1e-12)
    return {"features": features, "labels": labels, "prototypes": protos}


def reference(features, labels, prototypes):
    # Sequential EMA prototype update with scatter-overwrite, faithful to the
    # per-sample python loop in the torch forward (later duplicates overwrite earlier).
    def step(protos, j):
        lbl = labels[j]
        row = protos[lbl] * PROTO_M + features[j] * (1.0 - PROTO_M)
        row = row / jnp.maximum(jnp.linalg.norm(row), 1e-12)  # F.normalize(dim=0)
        return protos.at[lbl].set(row), None

    protos, _ = jax.lax.scan(step, prototypes, jnp.arange(features.shape[0]))

    n = protos.shape[0]
    lab = jnp.arange(n).reshape(-1, 1)
    mask = 1.0 - (lab == lab.T).astype(jnp.float32)
    logits = (protos @ protos.T) / TEMPERATURE
    # torch.scatter(ones, 1, arange.view(-1,1), 0) -> zero out the diagonal
    logits_mask = jnp.ones((n, n), dtype=jnp.float32).at[jnp.arange(n), jnp.arange(n)].set(0.0)
    mask = mask * logits_mask
    mean_prob_neg = jnp.log((mask * jnp.exp(logits)).sum(1) / mask.sum(1))
    # torch drops NaN entries; replicate with a masked mean (trace-safe)
    valid = jnp.logical_not(jnp.isnan(mean_prob_neg))
    cnt = jnp.maximum(jnp.sum(valid.astype(jnp.float32)), 1.0)
    loss = (TEMPERATURE / BASE_TEMPERATURE) * jnp.sum(jnp.where(valid, mean_prob_neg, 0.0)) / cnt
    return loss

if __name__ == "__main__":
    import jax
    _d = setup_inputs()
    print(jax.jit(kernel)(*tuple(_d.values())))

</pallas_src>

<mosaic_0001>
#map = affine_map<(d0, d1) -> (0, 0)>
#map1 = affine_map<(d0, d1) -> (0)>
module attributes {stable_mosaic.version = 14 : i64} {
  func.func @_ema_body(%arg0: i32, %arg1: i32, %arg2: memref<16384x128xf32, #tpu.memory_space<hbm>>, %arg3: memref<16384xi32, #tpu.memory_space<hbm>>, %arg4: memref<1024x128xf32, #tpu.memory_space<hbm>>, %arg5: memref<1024x128xf32, #tpu.memory_space<hbm>>, %arg6: memref<16384xi32, #tpu.memory_space<vmem>>, %arg7: memref<16512xi32, #tpu.memory_space<vmem>>, %arg8: memref<16512xi32, #tpu.memory_space<vmem>>, %arg9: memref<32x128xf32, #tpu.memory_space<vmem>>, %arg10: memref<4x32xi32, #tpu.memory_space<vmem>>, %arg11: memref<4x32xi32, #tpu.memory_space<vmem>>, %arg12: memref<128x128xf32, #tpu.memory_space<vmem>>, %arg13: memref<128x128xf32, #tpu.memory_space<vmem>>, %arg14: memref<!tpu.dma_semaphore, #tpu.memory_space<semaphore_mem>>, %arg15: memref<!tpu.dma_semaphore, #tpu.memory_space<semaphore_mem>>) attributes {dimension_semantics = [#tpu.dimension_semantics<core_parallel>, #tpu.dimension_semantics<subcore_parallel>], iteration_bounds = array<i64: 2, 16>, scalar_prefetch = 0 : i64, scratch_operands = 10 : i64, tpu.core_type = #tpu.core_type<sc_vector_subcore>, window_params = [{transform_indices = #map}, {transform_indices = #map1}, {transform_indices = #map}, {transform_indices = #map}]} {
    %mul3A = arith.constant 16 : i32
    %mul3A_0 = arith.muli %arg0, %mul3A : i32
    %add3A = arith.addi %mul3A_0, %arg1 : i32
    %mul3A_1 = arith.constant 32 : i32
    %mul3A_2 = arith.muli %add3A, %mul3A_1 : i32
    "tpu.region"() ({
      %run_scoped3A = tpu.sem_alloc : memref<!tpu.dma_semaphore, #tpu.memory_space<semaphore_mem>>
      tpu.enqueue_dma source(%arg3 : memref<16384xi32, #tpu.memory_space<hbm>>) target(%arg6 : memref<16384xi32, #tpu.memory_space<vmem>>) target_semaphore(%run_scoped3A : memref<!tpu.dma_semaphore, #tpu.memory_space<semaphore_mem>>)
      tpu.wait_dma2 semaphore(%run_scoped3A : memref<!tpu.dma_semaphore, #tpu.memory_space<semaphore_mem>>) src(%arg3 : memref<16384xi32, #tpu.memory_space<hbm>>) dst(%arg6 : memref<16384xi32, #tpu.memory_space<vmem>>)
      tpu.yield
    }) : () -> ()
    "tpu.region"() ({
      %run_scoped3A = tpu.sem_alloc : memref<!tpu.dma_semaphore, #tpu.memory_space<semaphore_mem>>
      %dma_start3A = arith.constant 0 : i32
      %dma_start3A_64 = tpu.memref_slice %arg4[%mul3A_2, %dma_start3A] : memref<1024x128xf32, #tpu.memory_space<hbm>> -> memref<32x128xf32, #tpu.memory_space<hbm>>
      %dma_start3A_65 = arith.constant 0 : i32
      %dma_start3A_66 = tpu.memref_slice %arg4[%mul3A_2, %dma_start3A_65] : memref<1024x128xf32, #tpu.memory_space<hbm>> -> memref<32x128xf32, #tpu.memory_space<hbm>>
      tpu.enqueue_dma source(%dma_start3A_66 : memref<32x128xf32, #tpu.memory_space<hbm>>) target(%arg9 : memref<32x128xf32, #tpu.memory_space<vmem>>) target_semaphore(%run_scoped3A : memref<!tpu.dma_semaphore, #tpu.memory_space<semaphore_mem>>)
      %dma_wait3A = arith.constant 0 : i32
      %dma_wait3A_67 = tpu.memref_slice %arg4[%mul3A_2, %dma_wait3A] : memref<1024x128xf32, #tpu.memory_space<hbm>> -> memref<32x128xf32, #tpu.memory_space<hbm>>
      %dma_wait3A_68 = arith.constant 0 : i32
      %dma_wait3A_69 = tpu.memref_slice %arg4[%mul3A_2, %dma_wait3A_68] : memref<1024x128xf32, #tpu.memory_space<hbm>> -> memref<32x128xf32, #tpu.memory_space<hbm>>
      tpu.wait_dma2 semaphore(%run_scoped3A : memref<!tpu.dma_semaphore, #tpu.memory_space<semaphore_mem>>) src(%dma_wait3A_69 : memref<32x128xf32, #tpu.memory_space<hbm>>) dst(%arg9 : memref<32x128xf32, #tpu.memory_space<vmem>>)
      tpu.yield
    }) : () -> ()
    %iota3A = tpu.iota {dimensions = array<i32: 0>} : vector<16xi32>
    %scan3A = arith.constant 0 : i32
    %scan3A_3 = arith.constant 0 : i32
    %scan3A_4 = arith.constant 512 : i32
    %scan3A_5 = arith.addi %scan3A_3, %scan3A_4 : i32
    %scan3A_6 = arith.constant 1 : i32
    %scan3A_7 = scf.for %scan3A_64 = %scan3A_3 to %scan3A_5 step %scan3A_6 iter_args(%scan3A_65 = %scan3A) -> (i32)  : i32 {
      %mul3A_66 = arith.constant 32 : i32
      %mul3A_67 = arith.muli %scan3A_64, %mul3A_66 : i32
      %get3A = arith.index_cast %mul3A_67 : i32 to index
      %get3A_68 = tpu.vector_load %arg6[%get3A] {strides = array<i32>} : memref<16384xi32, #tpu.memory_space<vmem>>, vector<16xi32>,
      %add3A_69 = arith.constant 16 : i32
      %add3A_70 = arith.addi %mul3A_67, %add3A_69 : i32
      %get3A_71 = arith.index_cast %add3A_70 : i32 to index
      %get3A_72 = tpu.vector_load %arg6[%get3A_71] {strides = array<i32>} : memref<16384xi32, #tpu.memory_space<vmem>>, vector<16xi32>,
      %ge3A = vector.broadcast %mul3A_2 : i32 to vector<16xi32>
      %ge3A_73 = arith.cmpi sge, %get3A_68, %ge3A : vector<16xi32>
      %add3A_74 = arith.constant 32 : i32
      %add3A_75 = arith.addi %mul3A_2, %add3A_74 : i32
      %lt3A = vector.broadcast %add3A_75 : i32 to vector<16xi32>
      %lt3A_76 = arith.cmpi slt, %get3A_68, %lt3A : vector<16xi32>
      %and3A_77 = arith.andi %ge3A_73, %lt3A_76 : vector<16xi1>
      %ge3A_78 = vector.broadcast %mul3A_2 : i32 to vector<16xi32>
      %ge3A_79 = arith.cmpi sge, %get3A_72, %ge3A_78 : vector<16xi32>
      %add3A_80 = arith.constant 32 : i32
      %add3A_81 = arith.addi %mul3A_2, %add3A_80 : i32
      %lt3A_82 = vector.broadcast %add3A_81 : i32 to vector<16xi32>
      %lt3A_83 = arith.cmpi slt, %get3A_72, %lt3A_82 : vector<16xi32>
      %and3A_84 = arith.andi %ge3A_79, %lt3A_83 : vector<16xi1>
      %convert_element_type3A_85 = arith.extui %and3A_77 : vector<16xi1> to vector<16xi32>
      %broadcast_in_dim3A = arith.constant true
      %broadcast_in_dim3A_86 = vector.broadcast %broadcast_in_dim3A : i1 to vector<16xi1>
      %masked_cumsum3A = tpu.scan <sum>, %convert_element_type3A_85 masked %broadcast_in_dim3A_86 : vector<16xi32>, vector<16xi1> -> vector<16xi32>
      %convert_element_type3A_87 = arith.extui %and3A_84 : vector<16xi1> to vector<16xi32>
      %broadcast_in_dim3A_88 = arith.constant true
      %broadcast_in_dim3A_89 = vector.broadcast %broadcast_in_dim3A_88 : i1 to vector<16xi1>
      %masked_cumsum3A_90 = tpu.scan <sum>, %convert_element_type3A_87 masked %broadcast_in_dim3A_89 : vector<16xi32>, vector<16xi1> -> vector<16xi32>
      %add3A_91 = vector.broadcast %scan3A_65 : i32 to vector<16xi32>
      %add3A_92 = arith.addi %add3A_91, %masked_cumsum3A : vector<16xi32>
      %sub3A_93 = arith.constant 1 : i32
      %sub3A_94 = vector.broadcast %sub3A_93 : i32 to vector<16xi32>
      %sub3A_95 = arith.subi %add3A_92, %sub3A_94 : vector<16xi32>
      %slice3A = vector.extract_strided_slice %masked_cumsum3A {offsets = [15], sizes = [1], strides = [1]} : vector<16xi32> to vector<1xi32>
      %squeeze3A = vector.extract %slice3A[0] : i32 from vector<1xi32>
      %add3A_96 = arith.addi %scan3A_65, %squeeze3A : i32
      %add3A_97 = vector.broadcast %add3A_96 : i32 to vector<16xi32>
      %add3A_98 = arith.addi %add3A_97, %masked_cumsum3A_90 : vector<16xi32>
      %sub3A_99 = arith.constant 1 : i32
      %sub3A_100 = vector.broadcast %sub3A_99 : i32 to vector<16xi32>
      %sub3A_101 = arith.subi %add3A_98, %sub3A_100 : vector<16xi32>
      %add3A_102 = vector.broadcast %mul3A_67 : i32 to vector<16xi32>
      %add3A_103 = arith.addi %iota3A, %add3A_102 : vector<16xi32>
      tpu.vector_store_idx %arg7[%sub3A_95], %add3A_103 masked %and3A_77 : memref<16512xi32, #tpu.memory_space<vmem>>[vector<16xi32>], vector<16xi32>, vector<16xi1>
      %sub3A_104 = vector.broadcast %mul3A_2 : i32 to vector<16xi32>
      %sub3A_105 = arith.subi %get3A_68, %sub3A_104 : vector<16xi32>
      tpu.vector_store_idx %arg8[%sub3A_95], %sub3A_105 masked %and3A_77 : memref<16512xi32, #tpu.memory_space<vmem>>[vector<16xi32>], vector<16xi32>, vector<16xi1>
      %add3A_106 = arith.constant 16 : i32
      %add3A_107 = arith.addi %mul3A_67, %add3A_106 : i32
      %add3A_108 = vector.broadcast %add3A_107 : i32 to vector<16xi32>
      %add3A_109 = arith.addi %iota3A, %add3A_108 : vector<16xi32>
      tpu.vector_store_idx %arg7[%sub3A_101], %add3A_109 masked %and3A_84 : memref<16512xi32, #tpu.memory_space<vmem>>[vector<16xi32>], vector<16xi32>, vector<16xi1>
      %sub3A_110 = vector.broadcast %mul3A_2 : i32 to vector<16xi32>
      %sub3A_111 = arith.subi %get3A_72, %sub3A_110 : vector<16xi32>
      tpu.vector_store_idx %arg8[%sub3A_101], %sub3A_111 masked %and3A_84 : memref<16512xi32, #tpu.memory_space<vmem>>[vector<16xi32>], vector<16xi32>, vector<16xi1>
      %slice3A_112 = vector.extract_strided_slice %masked_cumsum3A_90 {offsets = [15], sizes = [1], strides = [1]} : vector<16xi32> to vector<1xi32>
      %squeeze3A_113 = vector.extract %slice3A_112[0] : i32 from vector<1xi32>
      %add3A_114 = arith.addi %add3A_96, %squeeze3A_113 : i32
      scf.yield %add3A_114 : i32
    }
    %scan3A_8 = arith.constant 512 : i32
    %add3A_9 = arith.constant 127 : i32
    %add3A_10 = arith.addi %scan3A_7, %add3A_9 : i32
    %jit3A = arith.constant 128 : i32
    %div3A = arith.divsi %add3A_10, %jit3A : i32
    %sign3A = arith.constant 0 : i32
    %sign3A_11 = arith.cmpi sgt, %add3A_10, %sign3A : i32
    %sign3A_12 = arith.extui %sign3A_11 : i1 to i32
    %sign3A_13 = arith.constant 0 : i32
    %sign3A_14 = arith.cmpi slt, %add3A_10, %sign3A_13 : i32
    %sign3A_15 = arith.extui %sign3A_14 : i1 to i32
    %sign3A_16 = arith.subi %sign3A_12, %sign3A_15 : i32
    %sign3A_17 = arith.constant 0 : i32
    %sign3A_18 = arith.cmpi sgt, %jit3A, %sign3A_17 : i32
    %sign3A_19 = arith.extui %sign3A_18 : i1 to i32
    %sign3A_20 = arith.constant 0 : i32
    %sign3A_21 = arith.cmpi slt, %jit3A, %sign3A_20 : i32
    %sign3A_22 = arith.extui %sign3A_21 : i1 to i32
    %sign3A_23 = arith.subi %sign3A_19, %sign3A_22 : i32
    %ne3A = arith.cmpi ne, %sign3A_16, %sign3A_23 : i32
    %rem3A = arith.remsi %add3A_10, %jit3A : i32
    %ne3A_24 = arith.constant 0 : i32
    %ne3A_25 = arith.cmpi ne, %rem3A, %ne3A_24 : i32
    %and3A = arith.andi %ne3A, %ne3A_25 : i1
    %sub3A = arith.constant 1 : i32
    %sub3A_26 = arith.subi %div3A, %sub3A : i32
    %select_n3A = arith.select %and3A, %sub3A_26, %div3A : i32
    %gt3A = arith.constant 0 : i32
    %gt3A_27 = arith.cmpi sgt, %select_n3A, %gt3A : i32
    %convert_element_type3A = arith.extui %gt3A_27 : i1 to i32
    %cond3A = arith.constant 0 : i32
    %cond3A_28 = arith.cmpi ne, %convert_element_type3A, %cond3A : i32
    scf.if %cond3A_28 {
      %get3A = arith.constant 0 : index
      %get3A_64 = tpu.vector_load %arg7[%get3A] {strides = array<i32>} : memref<16512xi32, #tpu.memory_space<vmem>>, vector<16xi32>,
      %add3A_65 = arith.constant 0 : i32
      %add3A_66 = vector.broadcast %add3A_65 : i32 to vector<16xi32>
      %add3A_67 = arith.addi %add3A_66, %iota3A : vector<16xi32>
      %lt3A = vector.broadcast %scan3A_7 : i32 to vector<16xi32>
      %lt3A_68 = arith.cmpi slt, %add3A_67, %lt3A : vector<16xi32>
      %jit3A_69 = arith.constant 0 : i32
      %broadcast_in_dim3A = vector.broadcast %jit3A_69 : i32 to vector<16xi32>
      %select_n3A_70 = arith.select %lt3A_68, %get3A_64, %broadcast_in_dim3A : vector<16xi1>, vector<16xi32>
      %swap3A = arith.constant 0 : i32
      %swap3A_71 = arith.index_cast %swap3A : i32 to index
      %swap3A_72 = arith.constant 0 : index
      %swap3A_73 = tpu.vector_load %arg10[%swap3A_71, %swap3A_72] {strides = array<i32>} : memref<4x32xi32, #tpu.memory_space<vmem>>, vector<16xi32>,
      tpu.vector_store %arg10[%swap3A_71, %swap3A_72], %select_n3A_70 {strides = array<i32>} : memref<4x32xi32, #tpu.memory_space<vmem>>, vector<16xi32>,
      %get3A_74 = arith.constant 16 : index
      %get3A_75 = tpu.vector_load %arg7[%get3A_74] {strides = array<i32>} : memref<16512xi32, #tpu.memory_space<vmem>>, vector<16xi32>,
      %add3A_76 = arith.constant 16 : i32
      %add3A_77 = vector.broadcast %add3A_76 : i32 to vector<16xi32>
      %add3A_78 = arith.addi %add3A_77, %iota3A : vector<16xi32>
      %lt3A_79 = vector.broadcast %scan3A_7 : i32 to vector<16xi32>
      %lt3A_80 = arith.cmpi slt, %add3A_78, %lt3A_79 : vector<16xi32>
      %jit3A_81 = arith.constant 0 : i32
      %broadcast_in_dim3A_82 = vector.broadcast %jit3A_81 : i32 to vector<16xi32>
      %select_n3A_83 = arith.select %lt3A_80, %get3A_75, %broadcast_in_dim3A_82 : vector<16xi1>, vector<16xi32>
      %swap3A_84 = arith.constant 0 : i32
      %swap3A_85 = arith.index_cast %swap3A_84 : i32 to index
      %swap3A_86 = arith.constant 16 : index
      %swap3A_87 = tpu.vector_load %arg10[%swap3A_85, %swap3A_86] {strides = array<i32>} : memref<4x32xi32, #tpu.memory_space<vmem>>, vector<16xi32>,
      tpu.vector_store %arg10[%swap3A_85, %swap3A_86], %select_n3A_83 {strides = array<i32>} : memref<4x32xi32, #tpu.memory_space<vmem>>, vector<16xi32>,
      %get3A_88 = arith.constant 32 : index
      %get3A_89 = tpu.vector_load %arg7[%get3A_88] {strides = array<i32>} : memref<16512xi32, #tpu.memory_space<vmem>>, vector<16xi32>,
      %add3A_90 = arith.constant 32 : i32
      %add3A_91 = vector.broadcast %add3A_90 : i32 to vector<16xi32>
      %add3A_92 = arith.addi %add3A_91, %iota3A : vector<16xi32>
      %lt3A_93 = vector.broadcast %scan3A_7 : i32 to vector<16xi32>
      %lt3A_94 = arith.cmpi slt, %add3A_92, %lt3A_93 : vector<16xi32>
      %jit3A_95 = arith.constant 0 : i32
      %broadcast_in_dim3A_96 = vector.broadcast %jit3A_95 : i32 to vector<16xi32>
      %select_n3A_97 = arith.select %lt3A_94, %get3A_89, %broadcast_in_dim3A_96 : vector<16xi1>, vector<16xi32>
      %swap3A_98 = arith.constant 1 : i32
      %swap3A_99 = arith.index_cast %swap3A_98 : i32 to index
      %swap3A_100 = arith.constant 0 : index
      %swap3A_101 = tpu.vector_load %arg10[%swap3A_99, %swap3A_100] {strides = array<i32>} : memref<4x32xi32, #tpu.memory_space<vmem>>, vector<16xi32>,
      tpu.vector_store %arg10[%swap3A_99, %swap3A_100], %select_n3A_97 {strides = array<i32>} : memref<4x32xi32, #tpu.memory_space<vmem>>, vector<16xi32>,
      %get3A_102 = arith.constant 48 : index
      %get3A_103 = tpu.vector_load %arg7[%get3A_102] {strides = array<i32>} : memref<16512xi32, #tpu.memory_space<vmem>>, vector<16xi32>,
      %add3A_104 = arith.constant 48 : i32
      %add3A_105 = vector.broadcast %add3A_104 : i32 to vector<16xi32>
      %add3A_106 = arith.addi %add3A_105, %iota3A : vector<16xi32>
      %lt3A_107 = vector.broadcast %scan3A_7 : i32 to vector<16xi32>
      %lt3A_108 = arith.cmpi slt, %add3A_106, %lt3A_107 : vector<16xi32>
      %jit3A_109 = arith.constant 0 : i32
      %broadcast_in_dim3A_110 = vector.broadcast %jit3A_109 : i32 to vector<16xi32>
      %select_n3A_111 = arith.select %lt3A_108, %get3A_103, %broadcast_in_dim3A_110 : vector<16xi1>, vector<16xi32>
      %swap3A_112 = arith.constant 1 : i32
      %swap3A_113 = arith.index_cast %swap3A_112 : i32 to index
      %swap3A_114 = arith.constant 16 : index
      %swap3A_115 = tpu.vector_load %arg10[%swap3A_113, %swap3A_114] {strides = array<i32>} : memref<4x32xi32, #tpu.memory_space<vmem>>, vector<16xi32>,
      tpu.vector_store %arg10[%swap3A_113, %swap3A_114], %select_n3A_111 {strides = array<i32>} : memref<4x32xi32, #tpu.memory_space<vmem>>, vector<16xi32>,
      %get3A_116 = arith.constant 64 : index
      %get3A_117 = tpu.vector_load %arg7[%get3A_116] {strides = array<i32>} : memref<16512xi32, #tpu.memory_space<vmem>>, vector<16xi32>,
      %add3A_118 = arith.constant 64 : i32
      %add3A_119 = vector.broadcast %add3A_118 : i32 to vector<16xi32>
      %add3A_120 = arith.addi %add3A_119, %iota3A : vector<16xi32>
      %lt3A_121 = vector.broadcast %scan3A_7 : i32 to vector<16xi32>
      %lt3A_122 = arith.cmpi slt, %add3A_120, %lt3A_121 : vector<16xi32>
      %jit3A_123 = arith.constant 0 : i32
      %broadcast_in_dim3A_124 = vector.broadcast %jit3A_123 : i32 to vector<16xi32>
      %select_n3A_125 = arith.select %lt3A_122, %get3A_117, %broadcast_in_dim3A_124 : vector<16xi1>, vector<16xi32>
      %swap3A_126 = arith.constant 2 : i32
      %swap3A_127 = arith.index_cast %swap3A_126 : i32 to index
      %swap3A_128 = arith.constant 0 : index
      %swap3A_129 = tpu.vector_load %arg10[%swap3A_127, %swap3A_128] {strides = array<i32>} : memref<4x32xi32, #tpu.memory_space<vmem>>, vector<16xi32>,
      tpu.vector_store %arg10[%swap3A_127, %swap3A_128], %select_n3A_125 {strides = array<i32>} : memref<4x32xi32, #tpu.memory_space<vmem>>, vector<16xi32>,
      %get3A_130 = arith.constant 80 : index
      %get3A_131 = tpu.vector_load %arg7[%get3A_130] {strides = array<i32>} : memref<16512xi32, #tpu.memory_space<vmem>>, vector<16xi32>,
      %add3A_132 = arith.constant 80 : i32
      %add3A_133 = vector.broadcast %add3A_132 : i32 to vector<16xi32>
      %add3A_134 = arith.addi %add3A_133, %iota3A : vector<16xi32>
      %lt3A_135 = vector.broadcast %scan3A_7 : i32 to vector<16xi32>
      %lt3A_136 = arith.cmpi slt, %add3A_134, %lt3A_135 : vector<16xi32>
      %jit3A_137 = arith.constant 0 : i32
      %broadcast_in_dim3A_138 = vector.broadcast %jit3A_137 : i32 to vector<16xi32>
      %select_n3A_139 = arith.select %lt3A_136, %get3A_131, %broadcast_in_dim3A_138 : vector<16xi1>, vector<16xi32>
      %swap3A_140 = arith.constant 2 : i32
      %swap3A_141 = arith.index_cast %swap3A_140 : i32 to index
      %swap3A_142 = arith.constant 16 : index
      %swap3A_143 = tpu.vector_load %arg10[%swap3A_141, %swap3A_142] {strides = array<i32>} : memref<4x32xi32, #tpu.memory_space<vmem>>, vector<16xi32>,
      tpu.vector_store %arg10[%swap3A_141, %swap3A_142], %select_n3A_139 {strides = array<i32>} : memref<4x32xi32, #tpu.memory_space<vmem>>, vector<16xi32>,
      %get3A_144 = arith.constant 96 : index
      %get3A_145 = tpu.vector_load %arg7[%get3A_144] {strides = array<i32>} : memref<16512xi32, #tpu.memory_space<vmem>>, vector<16xi32>,
      %add3A_146 = arith.constant 96 : i32
      %add3A_147 = vector.broadcast %add3A_146 : i32 to vector<16xi32>
      %add3A_148 = arith.addi %add3A_147, %iota3A : vector<16xi32>
      %lt3A_149 = vector.broadcast %scan3A_7 : i32 to vector<16xi32>
      %lt3A_150 = arith.cmpi slt, %add3A_148, %lt3A_149 : vector<16xi32>
      %jit3A_151 = arith.constant 0 : i32
      %broadcast_in_dim3A_152 = vector.broadcast %jit3A_151 : i32 to vector<16xi32>
      %select_n3A_153 = arith.select %lt3A_150, %get3A_145, %broadcast_in_dim3A_152 : vector<16xi1>, vector<16xi32>
      %swap3A_154 = arith.constant 3 : i32
      %swap3A_155 = arith.index_cast %swap3A_154 : i32 to index
      %swap3A_156 = arith.constant 0 : index
      %swap3A_157 = tpu.vector_load %arg10[%swap3A_155, %swap3A_156] {strides = array<i32>} : memref<4x32xi32, #tpu.memory_space<vmem>>, vector<16xi32>,
      tpu.vector_store %arg10[%swap3A_155, %swap3A_156], %select_n3A_153 {strides = array<i32>} : memref<4x32xi32, #tpu.memory_space<vmem>>, vector<16xi32>,
      %get3A_158 = arith.constant 112 : index
      %get3A_159 = tpu.vector_load %arg7[%get3A_158] {strides = array<i32>} : memref<16512xi32, #tpu.memory_space<vmem>>, vector<16xi32>,
      %add3A_160 = arith.constant 112 : i32
      %add3A_161 = vector.broadcast %add3A_160 : i32 to vector<16xi32>
      %add3A_162 = arith.addi %add3A_161, %iota3A : vector<16xi32>
      %lt3A_163 = vector.broadcast %scan3A_7 : i32 to vector<16xi32>
      %lt3A_164 = arith.cmpi slt, %add3A_162, %lt3A_163 : vector<16xi32>
      %jit3A_165 = arith.constant 0 : i32
      %broadcast_in_dim3A_166 = vector.broadcast %jit3A_165 : i32 to vector<16xi32>
      %select_n3A_167 = arith.select %lt3A_164, %get3A_159, %broadcast_in_dim3A_166 : vector<16xi1>, vector<16xi32>
      %swap3A_168 = arith.constant 3 : i32
      %swap3A_169 = arith.index_cast %swap3A_168 : i32 to index
      %swap3A_170 = arith.constant 16 : index
      %swap3A_171 = tpu.vector_load %arg10[%swap3A_169, %swap3A_170] {strides = array<i32>} : memref<4x32xi32, #tpu.memory_space<vmem>>, vector<16xi32>,
      tpu.vector_store %arg10[%swap3A_169, %swap3A_170], %select_n3A_167 {strides = array<i32>} : memref<4x32xi32, #tpu.memory_space<vmem>>, vector<16xi32>,
      %dma_start3A = arith.constant 0 : i32
      %dma_start3A_172 = arith.constant 0 : i32
      %dma_start3A_173 = arith.constant 0 : i32
      %dma_start3A_174 = tpu.memref_slice %arg12[%dma_start3A_172, %dma_start3A_173] : memref<128x128xf32, #tpu.memory_space<vmem>> -> memref<32x128xf32, #tpu.memory_space<vmem>>
      %dma_start3A_175 = arith.constant 0 : i32
      %dma_start3A_176 = tpu.memref_slice %arg10[%dma_start3A, %dma_start3A_175] : memref<4x32xi32, #tpu.memory_space<vmem>> -> memref<1x32xi32, #tpu.memory_space<vmem>>
      %dma_start3A_177 = tpu.memref_squeeze %dma_start3A_176 : memref<1x32xi32, #tpu.memory_space<vmem>> -> memref<32xi32, #tpu.memory_space<vmem>>
      %dma_start3A_178 = arith.constant 0 : i32
      %dma_start3A_179 = arith.constant 0 : i32
      %dma_start3A_180 = tpu.memref_slice %arg2[%dma_start3A_178, %dma_start3A_179] : memref<16384x128xf32, #tpu.memory_space<hbm>> -> memref<16384x128xf32, #tpu.memory_space<hbm>>
      tpu.enqueue_indirect_dma source(%dma_start3A_180 : memref<16384x128xf32, #tpu.memory_space<hbm>>) target(%dma_start3A_174 : memref<32x128xf32, #tpu.memory_space<vmem>>) offsets(%dma_start3A_177 : memref<32xi32, #tpu.memory_space<vmem>>) semaphore(%arg14 : memref<!tpu.dma_semaphore, #tpu.memory_space<semaphore_mem>>)
      %dma_start3A_181 = arith.constant 1 : i32
      %dma_start3A_182 = arith.constant 32 : i32
      %dma_start3A_183 = arith.constant 0 : i32
      %dma_start3A_184 = tpu.memref_slice %arg12[%dma_start3A_182, %dma_start3A_183] : memref<128x128xf32, #tpu.memory_space<vmem>> -> memref<32x128xf32, #tpu.memory_space<vmem>>
      %dma_start3A_185 = arith.constant 0 : i32
      %dma_start3A_186 = tpu.memref_slice %arg10[%dma_start3A_181, %dma_start3A_185] : memref<4x32xi32, #tpu.memory_space<vmem>> -> memref<1x32xi32, #tpu.memory_space<vmem>>
      %dma_start3A_187 = tpu.memref_squeeze %dma_start3A_186 : memref<1x32xi32, #tpu.memory_space<vmem>> -> memref<32xi32, #tpu.memory_space<vmem>>
      %dma_start3A_188 = arith.constant 0 : i32
      %dma_start3A_189 = arith.constant 0 : i32
      %dma_start3A_190 = tpu.memref_slice %arg2[%dma_start3A_188, %dma_start3A_189] : memref<16384x128xf32, #tpu.memory_space<hbm>> -> memref<16384x128xf32, #tpu.memory_space<hbm>>
      tpu.enqueue_indirect_dma source(%dma_start3A_190 : memref<16384x128xf32, #tpu.memory_space<hbm>>) target(%dma_start3A_184 : memref<32x128xf32, #tpu.memory_space<vmem>>) offsets(%dma_start3A_187 : memref<32xi32, #tpu.memory_space<vmem>>) semaphore(%arg14 : memref<!tpu.dma_semaphore, #tpu.memory_space<semaphore_mem>>)
      %dma_start3A_191 = arith.constant 2 : i32
      %dma_start3A_192 = arith.constant 64 : i32
      %dma_start3A_193 = arith.constant 0 : i32
      %dma_start3A_194 = tpu.memref_slice %arg12[%dma_start3A_192, %dma_start3A_193] : memref<128x128xf32, #tpu.memory_space<vmem>> -> memref<32x128xf32, #tpu.memory_space<vmem>>
      %dma_start3A_195 = arith.constant 0 : i32
      %dma_start3A_196 = tpu.memref_slice %arg10[%dma_start3A_191, %dma_start3A_195] : memref<4x32xi32, #tpu.memory_space<vmem>> -> memref<1x32xi32, #tpu.memory_space<vmem>>
      %dma_start3A_197 = tpu.memref_squeeze %dma_start3A_196 : memref<1x32xi32, #tpu.memory_space<vmem>> -> memref<32xi32, #tpu.memory_space<vmem>>
      %dma_start3A_198 = arith.constant 0 : i32
      %dma_start3A_199 = arith.constant 0 : i32
      %dma_start3A_200 = tpu.memref_slice %arg2[%dma_start3A_198, %dma_start3A_199] : memref<16384x128xf32, #tpu.memory_space<hbm>> -> memref<16384x128xf32, #tpu.memory_space<hbm>>
      tpu.enqueue_indirect_dma source(%dma_start3A_200 : memref<16384x128xf32, #tpu.memory_space<hbm>>) target(%dma_start3A_194 : memref<32x128xf32, #tpu.memory_space<vmem>>) offsets(%dma_start3A_197 : memref<32xi32, #tpu.memory_space<vmem>>) semaphore(%arg14 : memref<!tpu.dma_semaphore, #tpu.memory_space<semaphore_mem>>)
      %dma_start3A_201 = arith.constant 3 : i32
      %dma_start3A_202 = arith.constant 96 : i32
      %dma_start3A_203 = arith.constant 0 : i32
      %dma_start3A_204 = tpu.memref_slice %arg12[%dma_start3A_202, %dma_start3A_203] : memref<128x128xf32, #tpu.memory_space<vmem>> -> memref<32x128xf32, #tpu.memory_space<vmem>>
      %dma_start3A_205 = arith.constant 0 : i32
      %dma_start3A_206 = tpu.memref_slice %arg10[%dma_start3A_201, %dma_start3A_205] : memref<4x32xi32, #tpu.memory_space<vmem>> -> memref<1x32xi32, #tpu.memory_space<vmem>>
      %dma_start3A_207 = tpu.memref_squeeze %dma_start3A_206 : memref<1x32xi32, #tpu.memory_space<vmem>> -> memref<32xi32, #tpu.memory_space<vmem>>
      %dma_start3A_208 = arith.constant 0 : i32
      %dma_start3A_209 = arith.constant 0 : i32
      %dma_start3A_210 = tpu.memref_slice %arg2[%dma_start3A_208, %dma_start3A_209] : memref<16384x128xf32, #tpu.memory_space<hbm>> -> memref<16384x128xf32, #tpu.memory_space<hbm>>
      tpu.enqueue_indirect_dma source(%dma_start3A_210 : memref<16384x128xf32, #tpu.memory_space<hbm>>) target(%dma_start3A_204 : memref<32x128xf32, #tpu.memory_space<vmem>>) offsets(%dma_start3A_207 : memref<32xi32, #tpu.memory_space<vmem>>) semaphore(%arg14 : memref<!tpu.dma_semaphore, #tpu.memory_space<semaphore_mem>>)
    } else {
    }
    %add3A_29 = arith.constant 1 : i32
    %add3A_30 = arith.addi %select_n3A, %add3A_29 : i32
    %jit3A_31 = arith.constant 2 : i32
    %div3A_32 = arith.divsi %add3A_30, %jit3A_31 : i32
    %sign3A_33 = arith.constant 0 : i32
    %sign3A_34 = arith.cmpi sgt, %add3A_30, %sign3A_33 : i32
    %sign3A_35 = arith.extui %sign3A_34 : i1 to i32
    %sign3A_36 = arith.constant 0 : i32
    %sign3A_37 = arith.cmpi slt, %add3A_30, %sign3A_36 : i32
    %sign3A_38 = arith.extui %sign3A_37 : i1 to i32
    %sign3A_39 = arith.subi %sign3A_35, %sign3A_38 : i32
    %sign3A_40 = arith.constant 0 : i32
    %sign3A_41 = arith.cmpi sgt, %jit3A_31, %sign3A_40 : i32
    %sign3A_42 = arith.extui %sign3A_41 : i1 to i32
    %sign3A_43 = arith.constant 0 : i32
    %sign3A_44 = arith.cmpi slt, %jit3A_31, %sign3A_43 : i32
    %sign3A_45 = arith.extui %sign3A_44 : i1 to i32
    %sign3A_46 = arith.subi %sign3A_42, %sign3A_45 : i32
    %ne3A_47 = arith.cmpi ne, %sign3A_39, %sign3A_46 : i32
    %rem3A_48 = arith.remsi %add3A_30, %jit3A_31 : i32
    %ne3A_49 = arith.constant 0 : i32
    %ne3A_50 = arith.cmpi ne, %rem3A_48, %ne3A_49 : i32
    %and3A_51 = arith.andi %ne3A_47, %ne3A_50 : i1
    %sub3A_52 = arith.constant 1 : i32
    %sub3A_53 = arith.subi %div3A_32, %sub3A_52 : i32
    %select_n3A_54 = arith.select %and3A_51, %sub3A_53, %div3A_32 : i32
    %while3A = arith.constant 0 : i32
    %while3A_55 = arith.constant 0 : i32
    %while3A_56 = arith.subi %select_n3A_54, %while3A_55 : i32
    %while3A_57 = arith.addi %while3A_55, %while3A_56 : i32
    %while3A_58 = arith.constant 1 : i32
    %while3A_59 = arith.divsi %while3A_56, %while3A_58 : i32
    %while3A_60 = arith.muli %while3A_59, %while3A_58 : i32
    %while3A_61 = arith.addi %while3A_55, %while3A_60 : i32
    %while3A_62 = arith.constant 1 : i32
    scf.for %while3A_64 = %while3A_55 to %while3A_61 step %while3A_62  : i32 {
      %mul3A_65 = arith.constant 2 : i32
      %mul3A_66 = arith.muli %mul3A_65, %while3A_64 : i32
      %lt3A = arith.cmpi slt, %mul3A_66, %select_n3A : i32
      %convert_element_type3A_67 = arith.extui %lt3A : i1 to i32
      %cond3A_68 = arith.constant 0 : i32
      %cond3A_69 = arith.cmpi ne, %convert_element_type3A_67, %cond3A_68 : i32
      scf.if %cond3A_69 {
        %add3A_76 = arith.constant 1 : i32
        %add3A_77 = arith.addi %mul3A_66, %add3A_76 : i32
        %lt3A_78 = arith.cmpi slt, %add3A_77, %select_n3A : i32
        %convert_element_type3A_79 = arith.extui %lt3A_78 : i1 to i32
        %cond3A_80 = arith.constant 0 : i32
        %cond3A_81 = arith.cmpi ne, %convert_element_type3A_79, %cond3A_80 : i32
        scf.if %cond3A_81 {
          %add3A_135 = arith.constant 1 : i32
          %add3A_136 = arith.addi %mul3A_66, %add3A_135 : i32
          %mul3A_137 = arith.constant 128 : i32
          %mul3A_138 = arith.muli %add3A_136, %mul3A_137 : i32
          %add3A_139 = arith.constant 0 : i32
          %add3A_140 = arith.addi %mul3A_138, %add3A_139 : i32
          %get3A = arith.index_cast %add3A_140 : i32 to index
          %get3A_141 = tpu.vector_load %arg7[%get3A] {strides = array<i32>} : memref<16512xi32, #tpu.memory_space<vmem>>, vector<16xi32>,
          %add3A_142 = arith.constant 0 : i32
          %add3A_143 = arith.addi %mul3A_138, %add3A_142 : i32
          %add3A_144 = vector.broadcast %add3A_143 : i32 to vector<16xi32>
          %add3A_145 = arith.addi %add3A_144, %iota3A : vector<16xi32>
          %lt3A_146 = vector.broadcast %scan3A_7 : i32 to vector<16xi32>
          %lt3A_147 = arith.cmpi slt, %add3A_145, %lt3A_146 : vector<16xi32>
          %jit3A_148 = arith.constant 0 : i32
          %broadcast_in_dim3A = vector.broadcast %jit3A_148 : i32 to vector<16xi32>
          %select_n3A_149 = arith.select %lt3A_147, %get3A_141, %broadcast_in_dim3A : vector<16xi1>, vector<16xi32>
          %swap3A = arith.constant 0 : i32
          %swap3A_150 = arith.index_cast %swap3A : i32 to index
          %swap3A_151 = arith.constant 0 : index
          %swap3A_152 = tpu.vector_load %arg11[%swap3A_150, %swap3A_151] {strides = array<i32>} : memref<4x32xi32, #tpu.memory_space<vmem>>, vector<16xi32>,
          tpu.vector_store %arg11[%swap3A_150, %swap3A_151], %select_n3A_149 {strides = array<i32>} : memref<4x32xi32, #tpu.memory_space<vmem>>, vector<16xi32>,
          %add3A_153 = arith.constant 16 : i32
          %add3A_154 = arith.addi %mul3A_138, %add3A_153 : i32
          %get3A_155 = arith.index_cast %add3A_154 : i32 to index
          %get3A_156 = tpu.vector_load %arg7[%get3A_155] {strides = array<i32>} : memref<16512xi32, #tpu.memory_space<vmem>>, vector<16xi32>,
          %add3A_157 = arith.constant 16 : i32
          %add3A_158 = arith.addi %mul3A_138, %add3A_157 : i32
          %add3A_159 = vector.broadcast %add3A_158 : i32 to vector<16xi32>
          %add3A_160 = arith.addi %add3A_159, %iota3A : vector<16xi32>
          %lt3A_161 = vector.broadcast %scan3A_7 : i32 to vector<16xi32>
          %lt3A_162 = arith.cmpi slt, %add3A_160, %lt3A_161 : vector<16xi32>
          %jit3A_163 = arith.constant 0 : i32
          %broadcast_in_dim3A_164 = vector.broadcast %jit3A_163 : i32 to vector<16xi32>
          %select_n3A_165 = arith.select %lt3A_162, %get3A_156, %broadcast_in_dim3A_164 : vector<16xi1>, vector<16xi32>
          %swap3A_166 = arith.constant 0 : i32
          %swap3A_167 = arith.index_cast %swap3A_166 : i32 to index
          %swap3A_168 = arith.constant 16 : index
          %swap3A_169 = tpu.vector_load %arg11[%swap3A_167, %swap3A_168] {strides = array<i32>} : memref<4x32xi32, #tpu.memory_space<vmem>>, vector<16xi32>,
          tpu.vector_store %arg11[%swap3A_167, %swap3A_168], %select_n3A_165 {strides = array<i32>} : memref<4x32xi32, #tpu.memory_space<vmem>>, vector<16xi32>,
          %add3A_170 = arith.constant 32 : i32
          %add3A_171 = arith.addi %mul3A_138, %add3A_170 : i32
          %get3A_172 = arith.index_cast %add3A_171 : i32 to index
          %get3A_173 = tpu.vector_load %arg7[%get3A_172] {strides = array<i32>} : memref<16512xi32, #tpu.memory_space<vmem>>, vector<16xi32>,
          %add3A_174 = arith.constant 32 : i32
          %add3A_175 = arith.addi %mul3A_138, %add3A_174 : i32
          %add3A_176 = vector.broadcast %add3A_175 : i32 to vector<16xi32>
          %add3A_177 = arith.addi %add3A_176, %iota3A : vector<16xi32>
          %lt3A_178 = vector.broadcast %scan3A_7 : i32 to vector<16xi32>
          %lt3A_179 = arith.cmpi slt, %add3A_177, %lt3A_178 : vector<16xi32>
          %jit3A_180 = arith.constant 0 : i32
          %broadcast_in_dim3A_181 = vector.broadcast %jit3A_180 : i32 to vector<16xi32>
          %select_n3A_182 = arith.select %lt3A_179, %get3A_173, %broadcast_in_dim3A_181 : vector<16xi1>, vector<16xi32>
          %swap3A_183 = arith.constant 1 : i32
          %swap3A_184 = arith.index_cast %swap3A_183 : i32 to index
          %swap3A_185 = arith.constant 0 : index
          %swap3A_186 = tpu.vector_load %arg11[%swap3A_184, %swap3A_185] {strides = array<i32>} : memref<4x32xi32, #tpu.memory_space<vmem>>, vector<16xi32>,
          tpu.vector_store %arg11[%swap3A_184, %swap3A_185], %select_n3A_182 {strides = array<i32>} : memref<4x32xi32, #tpu.memory_space<vmem>>, vector<16xi32>,
          %add3A_187 = arith.constant 48 : i32
          %add3A_188 = arith.addi %mul3A_138, %add3A_187 : i32
          %get3A_189 = arith.index_cast %add3A_188 : i32 to index
          %get3A_190 = tpu.vector_load %arg7[%get3A_189] {strides = array<i32>} : memref<16512xi32, #tpu.memory_space<vmem>>, vector<16xi32>,
          %add3A_191 = arith.constant 48 : i32
          %add3A_192 = arith.addi %mul3A_138, %add3A_191 : i32
          %add3A_193 = vector.broadcast %add3A_192 : i32 to vector<16xi32>
          %add3A_194 = arith.addi %add3A_193, %iota3A : vector<16xi32>
          %lt3A_195 = vector.broadcast %scan3A_7 : i32 to vector<16xi32>
          %lt3A_196 = arith.cmpi slt, %add3A_194, %lt3A_195 : vector<16xi32>
          %jit3A_197 = arith.constant 0 : i32
          %broadcast_in_dim3A_198 = vector.broadcast %jit3A_197 : i32 to vector<16xi32>
          %select_n3A_199 = arith.select %lt3A_196, %get3A_190, %broadcast_in_dim3A_198 : vector<16xi1>, vector<16xi32>
          %swap3A_200 = arith.constant 1 : i32
          %swap3A_201 = arith.index_cast %swap3A_200 : i32 to index
          %swap3A_202 = arith.constant 16 : index
          %swap3A_203 = tpu.vector_load %arg11[%swap3A_201, %swap3A_202] {strides = array<i32>} : memref<4x32xi32, #tpu.memory_space<vmem>>, vector<16xi32>,
          tpu.vector_store %arg11[%swap3A_201, %swap3A_202], %select_n3A_199 {strides = array<i32>} : memref<4x32xi32, #tpu.memory_space<vmem>>, vector<16xi32>,
          %add3A_204 = arith.constant 64 : i32
          %add3A_205 = arith.addi %mul3A_138, %add3A_204 : i32
          %get3A_206 = arith.index_cast %add3A_205 : i32 to index
          %get3A_207 = tpu.vector_load %arg7[%get3A_206] {strides = array<i32>} : memref<16512xi32, #tpu.memory_space<vmem>>, vector<16xi32>,
          %add3A_208 = arith.constant 64 : i32
          %add3A_209 = arith.addi %mul3A_138, %add3A_208 : i32
          %add3A_210 = vector.broadcast %add3A_209 : i32 to vector<16xi32>
          %add3A_211 = arith.addi %add3A_210, %iota3A : vector<16xi32>
          %lt3A_212 = vector.broadcast %scan3A_7 : i32 to vector<16xi32>
          %lt3A_213 = arith.cmpi slt, %add3A_211, %lt3A_212 : vector<16xi32>
          %jit3A_214 = arith.constant 0 : i32
          %broadcast_in_dim3A_215 = vector.broadcast %jit3A_214 : i32 to vector<16xi32>
          %select_n3A_216 = arith.select %lt3A_213, %get3A_207, %broadcast_in_dim3A_215 : vector<16xi1>, vector<16xi32>
          %swap3A_217 = arith.constant 2 : i32
          %swap3A_218 = arith.index_cast %swap3A_217 : i32 to index
          %swap3A_219 = arith.constant 0 : index
          %swap3A_220 = tpu.vector_load %arg11[%swap3A_218, %swap3A_219] {strides = array<i32>} : memref<4x32xi32, #tpu.memory_space<vmem>>, vector<16xi32>,
          tpu.vector_store %arg11[%swap3A_218, %swap3A_219], %select_n3A_216 {strides = array<i32>} : memref<4x32xi32, #tpu.memory_space<vmem>>, vector<16xi32>,
          %add3A_221 = arith.constant 80 : i32
          %add3A_222 = arith.addi %mul3A_138, %add3A_221 : i32
          %get3A_223 = arith.index_cast %add3A_222 : i32 to index
          %get3A_224 = tpu.vector_load %arg7[%get3A_223] {strides = array<i32>} : memref<16512xi32, #tpu.memory_space<vmem>>, vector<16xi32>,
          %add3A_225 = arith.constant 80 : i32
          %add3A_226 = arith.addi %mul3A_138, %add3A_225 : i32
          %add3A_227 = vector.broadcast %add3A_226 : i32 to vector<16xi32>
          %add3A_228 = arith.addi %add3A_227, %iota3A : vector<16xi32>
          %lt3A_229 = vector.broadcast %scan3A_7 : i32 to vector<16xi32>
          %lt3A_230 = arith.cmpi slt, %add3A_228, %lt3A_229 : vector<16xi32>
          %jit3A_231 = arith.constant 0 : i32
          %broadcast_in_dim3A_232 = vector.broadcast %jit3A_231 : i32 to vector<16xi32>
          %select_n3A_233 = arith.select %lt3A_230, %get3A_224, %broadcast_in_dim3A_232 : vector<16xi1>, vector<16xi32>
          %swap3A_234 = arith.constant 2 : i32
          %swap3A_235 = arith.index_cast %swap3A_234 : i32 to index
          %swap3A_236 = arith.constant 16 : index
          %swap3A_237 = tpu.vector_load %arg11[%swap3A_235, %swap3A_236] {strides = array<i32>} : memref<4x32xi32, #tpu.memory_space<vmem>>, vector<16xi32>,
          tpu.vector_store %arg11[%swap3A_235, %swap3A_236], %select_n3A_233 {strides = array<i32>} : memref<4x32xi32, #tpu.memory_space<vmem>>, vector<16xi32>,
          %add3A_238 = arith.constant 96 : i32
          %add3A_239 = arith.addi %mul3A_138, %add3A_238 : i32
          %get3A_240 = arith.index_cast %add3A_239 : i32 to index
          %get3A_241 = tpu.vector_load %arg7[%get3A_240] {strides = array<i32>} : memref<16512xi32, #tpu.memory_space<vmem>>, vector<16xi32>,
          %add3A_242 = arith.constant 96 : i32
          %add3A_243 = arith.addi %mul3A_138, %add3A_242 : i32
          %add3A_244 = vector.broadcast %add3A_243 : i32 to vector<16xi32>
          %add3A_245 = arith.addi %add3A_244, %iota3A : vector<16xi32>
          %lt3A_246 = vector.broadcast %scan3A_7 : i32 to vector<16xi32>
          %lt3A_247 = arith.cmpi slt, %add3A_245, %lt3A_246 : vector<16xi32>
          %jit3A_248 = arith.constant 0 : i32
          %broadcast_in_dim3A_249 = vector.broadcast %jit3A_248 : i32 to vector<16xi32>
          %select_n3A_250 = arith.select %lt3A_247, %get3A_241, %broadcast_in_dim3A_249 : vector<16xi1>, vector<16xi32>
          %swap3A_251 = arith.constant 3 : i32
          %swap3A_252 = arith.index_cast %swap3A_251 : i32 to index
          %swap3A_253 = arith.constant 0 : index
          %swap3A_254 = tpu.vector_load %arg11[%swap3A_252, %swap3A_253] {strides = array<i32>} : memref<4x32xi32, #tpu.memory_space<vmem>>, vector<16xi32>,
          tpu.vector_store %arg11[%swap3A_252, %swap3A_253], %select_n3A_250 {strides = array<i32>} : memref<4x32xi32, #tpu.memory_space<vmem>>, vector<16xi32>,
          %add3A_255 = arith.constant 112 : i32
          %add3A_256 = arith.addi %mul3A_138, %add3A_255 : i32
          %get3A_257 = arith.index_cast %add3A_256 : i32 to index
          %get3A_258 = tpu.vector_load %arg7[%get3A_257] {strides = array<i32>} : memref<16512xi32, #tpu.memory_space<vmem>>, vector<16xi32>,
          %add3A_259 = arith.constant 112 : i32
          %add3A_260 = arith.addi %mul3A_138, %add3A_259 : i32
          %add3A_261 = vector.broadcast %add3A_260 : i32 to vector<16xi32>
          %add3A_262 = arith.addi %add3A_261, %iota3A : vector<16xi32>
          %lt3A_263 = vector.broadcast %scan3A_7 : i32 to vector<16xi32>
          %lt3A_264 = arith.cmpi slt, %add3A_262, %lt3A_263 : vector<16xi32>
          %jit3A_265 = arith.constant 0 : i32
          %broadcast_in_dim3A_266 = vector.broadcast %jit3A_265 : i32 to vector<16xi32>
          %select_n3A_267 = arith.select %lt3A_264, %get3A_258, %broadcast_in_dim3A_266 : vector<16xi1>, vector<16xi32>
          %swap3A_268 = arith.constant 3 : i32
          %swap3A_269 = arith.index_cast %swap3A_268 : i32 to index
          %swap3A_270 = arith.constant 16 : index
          %swap3A_271 = tpu.vector_load %arg11[%swap3A_269, %swap3A_270] {strides = array<i32>} : memref<4x32xi32, #tpu.memory_space<vmem>>, vector<16xi32>,
          tpu.vector_store %arg11[%swap3A_269, %swap3A_270], %select_n3A_267 {strides = array<i32>} : memref<4x32xi32, #tpu.memory_space<vmem>>, vector<16xi32>,
          %dma_start3A = arith.constant 0 : i32
          %dma_start3A_272 = arith.constant 0 : i32
          %dma_start3A_273 = arith.constant 0 : i32
          %dma_start3A_274 = tpu.memref_slice %arg13[%dma_start3A_272, %dma_start3A_273] : memref<128x128xf32, #tpu.memory_space<vmem>> -> memref<32x128xf32, #tpu.memory_space<vmem>>
          %dma_start3A_275 = arith.constant 0 : i32
          %dma_start3A_276 = tpu.memref_slice %arg11[%dma_start3A, %dma_start3A_275] : memref<4x32xi32, #tpu.memory_space<vmem>> -> memref<1x32xi32, #tpu.memory_space<vmem>>
          %dma_start3A_277 = tpu.memref_squeeze %dma_start3A_276 : memref<1x32xi32, #tpu.memory_space<vmem>> -> memref<32xi32, #tpu.memory_space<vmem>>
          %dma_start3A_278 = arith.constant 0 : i32
          %dma_start3A_279 = arith.constant 0 : i32
          %dma_start3A_280 = tpu.memref_slice %arg2[%dma_start3A_278, %dma_start3A_279] : memref<16384x128xf32, #tpu.memory_space<hbm>> -> memref<16384x128xf32, #tpu.memory_space<hbm>>
          tpu.enqueue_indirect_dma source(%dma_start3A_280 : memref<16384x128xf32, #tpu.memory_space<hbm>>) target(%dma_start3A_274 : memref<32x128xf32, #tpu.memory_space<vmem>>) offsets(%dma_start3A_277 : memref<32xi32, #tpu.memory_space<vmem>>) semaphore(%arg15 : memref<!tpu.dma_semaphore, #tpu.memory_space<semaphore_mem>>)
          %dma_start3A_281 = arith.constant 1 : i32
          %dma_start3A_282 = arith.constant 32 : i32
          %dma_start3A_283 = arith.constant 0 : i32
          %dma_start3A_284 = tpu.memref_slice %arg13[%dma_start3A_282, %dma_start3A_283] : memref<128x128xf32, #tpu.memory_space<vmem>> -> memref<32x128xf32, #tpu.memory_space<vmem>>
          %dma_start3A_285 = arith.constant 0 : i32
          %dma_start3A_286 = tpu.memref_slice %arg11[%dma_start3A_281, %dma_start3A_285] : memref<4x32xi32, #tpu.memory_space<vmem>> -> memref<1x32xi32, #tpu.memory_space<vmem>>
          %dma_start3A_287 = tpu.memref_squeeze %dma_start3A_286 : memref<1x32xi32, #tpu.memory_space<vmem>> -> memref<32xi32, #tpu.memory_space<vmem>>
          %dma_start3A_288 = arith.constant 0 : i32
          %dma_start3A_289 = arith.constant 0 : i32
          %dma_start3A_290 = tpu.memref_slice %arg2[%dma_start3A_288, %dma_start3A_289] : memref<16384x128xf32, #tpu.memory_space<hbm>> -> memref<16384x128xf32, #tpu.memory_space<hbm>>
          tpu.enqueue_indirect_dma source(%dma_start3A_290 : memref<16384x128xf32, #tpu.memory_space<hbm>>) target(%dma_start3A_284 : memref<32x128xf32, #tpu.memory_space<vmem>>) offsets(%dma_start3A_287 : memref<32xi32, #tpu.memory_space<vmem>>) semaphore(%arg15 : memref<!tpu.dma_semaphore, #tpu.memory_space<semaphore_mem>>)
          %dma_start3A_291 = arith.constant 2 : i32
          %dma_start3A_292 = arith.constant 64 : i32
          %dma_start3A_293 = arith.constant 0 : i32
          %dma_start3A_294 = tpu.memref_slice %arg13[%dma_start3A_292, %dma_start3A_293] : memref<128x128xf32, #tpu.memory_space<vmem>> -> memref<32x128xf32, #tpu.memory_space<vmem>>
          %dma_start3A_295 = arith.constant 0 : i32
          %dma_start3A_296 = tpu.memref_slice %arg11[%dma_start3A_291, %dma_start3A_295] : memref<4x32xi32, #tpu.memory_space<vmem>> -> memref<1x32xi32, #tpu.memory_space<vmem>>
          %dma_start3A_297 = tpu.memref_squeeze %dma_start3A_296 : memref<1x32xi32, #tpu.memory_space<vmem>> -> memref<32xi32, #tpu.memory_space<vmem>>
          %dma_start3A_298 = arith.constant 0 : i32
          %dma_start3A_299 = arith.constant 0 : i32
          %dma_start3A_300 = tpu.memref_slice %arg2[%dma_start3A_298, %dma_start3A_299] : memref<16384x128xf32, #tpu.memory_space<hbm>> -> memref<16384x128xf32, #tpu.memory_space<hbm>>
          tpu.enqueue_indirect_dma source(%dma_start3A_300 : memref<16384x128xf32, #tpu.memory_space<hbm>>) target(%dma_start3A_294 : memref<32x128xf32, #tpu.memory_space<vmem>>) offsets(%dma_start3A_297 : memref<32xi32, #tpu.memory_space<vmem>>) semaphore(%arg15 : memref<!tpu.dma_semaphore, #tpu.memory_space<semaphore_mem>>)
          %dma_start3A_301 = arith.constant 3 : i32
          %dma_start3A_302 = arith.constant 96 : i32
          %dma_start3A_303 = arith.constant 0 : i32
          %dma_start3A_304 = tpu.memref_slice %arg13[%dma_start3A_302, %dma_start3A_303] : memref<128x128xf32, #tpu.memory_space<vmem>> -> memref<32x128xf32, #tpu.memory_space<vmem>>
          %dma_start3A_305 = arith.constant 0 : i32
          %dma_start3A_306 = tpu.memref_slice %arg11[%dma_start3A_301, %dma_start3A_305] : memref<4x32xi32, #tpu.memory_space<vmem>> -> memref<1x32xi32, #tpu.memory_space<vmem>>
          %dma_start3A_307 = tpu.memref_squeeze %dma_start3A_306 : memref<1x32xi32, #tpu.memory_space<vmem>> -> memref<32xi32, #tpu.memory_space<vmem>>
          %dma_start3A_308 = arith.constant 0 : i32
          %dma_start3A_309 = arith.constant 0 : i32
          %dma_start3A_310 = tpu.memref_slice %arg2[%dma_start3A_308, %dma_start3A_309] : memref<16384x128xf32, #tpu.memory_space<hbm>> -> memref<16384x128xf32, #tpu.memory_space<hbm>>
          tpu.enqueue_indirect_dma source(%dma_start3A_310 : memref<16384x128xf32, #tpu.memory_space<hbm>>) target(%dma_start3A_304 : memref<32x128xf32, #tpu.memory_space<vmem>>) offsets(%dma_start3A_307 : memref<32xi32, #tpu.memory_space<vmem>>) semaphore(%arg15 : memref<!tpu.dma_semaphore, #tpu.memory_space<semaphore_mem>>)
        } else {
        }
        %dma_wait3A = arith.constant 0 : i32
        %dma_wait3A_82 = arith.constant 0 : i32
        %dma_wait3A_83 = arith.constant 0 : i32
        %dma_wait3A_84 = tpu.memref_slice %arg12[%dma_wait3A_82, %dma_wait3A_83] : memref<128x128xf32, #tpu.memory_space<vmem>> -> memref<32x128xf32, #tpu.memory_space<vmem>>
        %dma_wait3A_85 = arith.constant 0 : i32
        %dma_wait3A_86 = tpu.memref_slice %arg10[%dma_wait3A, %dma_wait3A_85] : memref<4x32xi32, #tpu.memory_space<vmem>> -> memref<1x32xi32, #tpu.memory_space<vmem>>
        %dma_wait3A_87 = tpu.memref_squeeze %dma_wait3A_86 : memref<1x32xi32, #tpu.memory_space<vmem>> -> memref<32xi32, #tpu.memory_space<vmem>>
        %dma_wait3A_88 = arith.constant 0 : i32
        %dma_wait3A_89 = arith.constant 0 : i32
        %dma_wait3A_90 = tpu.memref_slice %arg2[%dma_wait3A_88, %dma_wait3A_89] : memref<16384x128xf32, #tpu.memory_space<hbm>> -> memref<16384x128xf32, #tpu.memory_space<hbm>>
        tpu.wait_indirect_dma semaphore(%arg14 : memref<!tpu.dma_semaphore, #tpu.memory_space<semaphore_mem>>) src(%dma_wait3A_90 : memref<16384x128xf32, #tpu.memory_space<hbm>>) dst(%dma_wait3A_84 : memref<32x128xf32, #tpu.memory_space<vmem>>)
        %dma_wait3A_91 = arith.constant 1 : i32
        %dma_wait3A_92 = arith.constant 32 : i32
        %dma_wait3A_93 = arith.constant 0 : i32
        %dma_wait3A_94 = tpu.memref_slice %arg12[%dma_wait3A_92, %dma_wait3A_93] : memref<128x128xf32, #tpu.memory_space<vmem>> -> memref<32x128xf32, #tpu.memory_space<vmem>>
        %dma_wait3A_95 = arith.constant 0 : i32
        %dma_wait3A_96 = tpu.memref_slice %arg10[%dma_wait3A_91, %dma_wait3A_95] : memref<4x32xi32, #tpu.memory_space<vmem>> -> memref<1x32xi32, #tpu.memory_space<vmem>>
        %dma_wait3A_97 = tpu.memref_squeeze %dma_wait3A_96 : memref<1x32xi32, #tpu.memory_space<vmem>> -> memref<32xi32, #tpu.memory_space<vmem>>
        %dma_wait3A_98 = arith.constant 0 : i32
        %dma_wait3A_99 = arith.constant 0 : i32
        %dma_wait3A_100 = tpu.memref_slice %arg2[%dma_wait3A_98, %dma_wait3A_99] : memref<16384x128xf32, #tpu.memory_space<hbm>> -> memref<16384x128xf32, #tpu.memory_space<hbm>>
        tpu.wait_indirect_dma semaphore(%arg14 : memref<!tpu.dma_semaphore, #tpu.memory_space<semaphore_mem>>) src(%dma_wait3A_100 : memref<16384x128xf32, #tpu.memory_space<hbm>>) dst(%dma_wait3A_94 : memref<32x128xf32, #tpu.memory_space<vmem>>)
        %dma_wait3A_101 = arith.constant 2 : i32
        %dma_wait3A_102 = arith.constant 64 : i32
        %dma_wait3A_103 = arith.constant 0 : i32
        %dma_wait3A_104 = tpu.memref_slice %arg12[%dma_wait3A_102, %dma_wait3A_103] : memref<128x128xf32, #tpu.memory_space<vmem>> -> memref<32x128xf32, #tpu.memory_space<vmem>>
        %dma_wait3A_105 = arith.constant 0 : i32
        %dma_wait3A_106 = tpu.memref_slice %arg10[%dma_wait3A_101, %dma_wait3A_105] : memref<4x32xi32, #tpu.memory_space<vmem>> -> memref<1x32xi32, #tpu.memory_space<vmem>>
        %dma_wait3A_107 = tpu.memref_squeeze %dma_wait3A_106 : memref<1x32xi32, #tpu.memory_space<vmem>> -> memref<32xi32, #tpu.memory_space<vmem>>
        %dma_wait3A_108 = arith.constant 0 : i32
        %dma_wait3A_109 = arith.constant 0 : i32
        %dma_wait3A_110 = tpu.memref_slice %arg2[%dma_wait3A_108, %dma_wait3A_109] : memref<16384x128xf32, #tpu.memory_space<hbm>> -> memref<16384x128xf32, #tpu.memory_space<hbm>>
        tpu.wait_indirect_dma semaphore(%arg14 : memref<!tpu.dma_semaphore, #tpu.memory_space<semaphore_mem>>) src(%dma_wait3A_110 : memref<16384x128xf32, #tpu.memory_space<hbm>>) dst(%dma_wait3A_104 : memref<32x128xf32, #tpu.memory_space<vmem>>)
        %dma_wait3A_111 = arith.constant 3 : i32
        %dma_wait3A_112 = arith.constant 96 : i32
        %dma_wait3A_113 = arith.constant 0 : i32
        %dma_wait3A_114 = tpu.memref_slice %arg12[%dma_wait3A_112, %dma_wait3A_113] : memref<128x128xf32, #tpu.memory_space<vmem>> -> memref<32x128xf32, #tpu.memory_space<vmem>>
        %dma_wait3A_115 = arith.constant 0 : i32
        %dma_wait3A_116 = tpu.memref_slice %arg10[%dma_wait3A_111, %dma_wait3A_115] : memref<4x32xi32, #tpu.memory_space<vmem>> -> memref<1x32xi32, #tpu.memory_space<vmem>>
        %dma_wait3A_117 = tpu.memref_squeeze %dma_wait3A_116 : memref<1x32xi32, #tpu.memory_space<vmem>> -> memref<32xi32, #tpu.memory_space<vmem>>
        %dma_wait3A_118 = arith.constant 0 : i32
        %dma_wait3A_119 = arith.constant 0 : i32
        %dma_wait3A_120 = tpu.memref_slice %arg2[%dma_wait3A_118, %dma_wait3A_119] : memref<16384x128xf32, #tpu.memory_space<hbm>> -> memref<16384x128xf32, #tpu.memory_space<hbm>>
        tpu.wait_indirect_dma semaphore(%arg14 : memref<!tpu.dma_semaphore, #tpu.memory_space<semaphore_mem>>) src(%dma_wait3A_120 : memref<16384x128xf32, #tpu.memory_space<hbm>>) dst(%dma_wait3A_114 : memref<32x128xf32, #tpu.memory_space<vmem>>)
        %mul3A_121 = arith.constant 128 : i32
        %mul3A_122 = arith.muli %mul3A_66, %mul3A_121 : i32
        %sub3A_123 = arith.subi %scan3A_7, %mul3A_122 : i32
        %min3A = arith.constant 128 : i32
        %min3A_124 = arith.minsi %min3A, %sub3A_123 : i32
        %while3A_125 = arith.constant 0 : i32
        %while3A_126 = arith.constant 0 : i32
        %while3A_127 = arith.subi %min3A_124, %while3A_126 : i32
        %while3A_128 = arith.addi %while3A_126, %while3A_127 : i32
        %while3A_129 = arith.constant 1 : i32
        %while3A_130 = arith.divsi %while3A_127, %while3A_129 : i32
        %while3A_131 = arith.muli %while3A_130, %while3A_129 : i32
        %while3A_132 = arith.addi %while3A_126, %while3A_131 : i32
        %while3A_133 = arith.constant 1 : i32
        scf.for %while3A_135 = %while3A_126 to %while3A_132 step %while3A_133  : i32 {
          %add3A_136 = arith.addi %mul3A_122, %while3A_135 : i32
          %get3A = arith.index_cast %add3A_136 : i32 to index
          %get3A_137 = tpu.vector_load %arg8[%get3A] {strides = array<i32>} : memref<16512xi32, #tpu.memory_space<vmem>>, vector<16xi32>,
          %slice3A = vector.extract_strided_slice %get3A_137 {offsets = [0], sizes = [1], strides = [1]} : vector<16xi32> to vector<1xi32>
          %squeeze3A = vector.extract %slice3A[0] : i32 from vector<1xi32>
          %get3A_138 = arith.index_cast %squeeze3A : i32 to index
          %get3A_139 = arith.constant 0 : index
          %get3A_140 = tpu.vector_load %arg9[%get3A_138, %get3A_139] {strides = array<i32>} : memref<32x128xf32, #tpu.memory_space<vmem>>, vector<16xf32>,
          %get3A_141 = arith.index_cast %while3A_135 : i32 to index
          %get3A_142 = arith.constant 0 : index
          %get3A_143 = tpu.vector_load %arg12[%get3A_141, %get3A_142] {strides = array<i32>} : memref<128x128xf32, #tpu.memory_space<vmem>>, vector<16xf32>,
          %mul3A_144 = arith.constant 9.900000e-01 : f32
          %mul3A_145 = vector.broadcast %mul3A_144 : f32 to vector<16xf32>
          %mul3A_146 = arith.mulf %get3A_140, %mul3A_145 : vector<16xf32>
          %mul3A_147 = arith.constant 0.00999999977 : f32
          %mul3A_148 = vector.broadcast %mul3A_147 : f32 to vector<16xf32>
          %mul3A_149 = arith.mulf %get3A_143, %mul3A_148 : vector<16xf32>
          %add3A_150 = arith.addf %mul3A_146, %mul3A_149 : vector<16xf32>
          %mul3A_151 = arith.mulf %add3A_150, %add3A_150 : vector<16xf32>
          %get3A_152 = arith.index_cast %squeeze3A : i32 to index
          %get3A_153 = arith.constant 16 : index
          %get3A_154 = tpu.vector_load %arg9[%get3A_152, %get3A_153] {strides = array<i32>} : memref<32x128xf32, #tpu.memory_space<vmem>>, vector<16xf32>,
          %get3A_155 = arith.index_cast %while3A_135 : i32 to index
          %get3A_156 = arith.constant 16 : index
          %get3A_157 = tpu.vector_load %arg12[%get3A_155, %get3A_156] {strides = array<i32>} : memref<128x128xf32, #tpu.memory_space<vmem>>, vector<16xf32>,
          %mul3A_158 = arith.constant 9.900000e-01 : f32
          %mul3A_159 = vector.broadcast %mul3A_158 : f32 to vector<16xf32>
          %mul3A_160 = arith.mulf %get3A_154, %mul3A_159 : vector<16xf32>
          %mul3A_161 = arith.constant 0.00999999977 : f32
          %mul3A_162 = vector.broadcast %mul3A_161 : f32 to vector<16xf32>
          %mul3A_163 = arith.mulf %get3A_157, %mul3A_162 : vector<16xf32>
          %add3A_164 = arith.addf %mul3A_160, %mul3A_163 : vector<16xf32>
          %mul3A_165 = arith.mulf %add3A_164, %add3A_164 : vector<16xf32>
          %get3A_166 = arith.index_cast %squeeze3A : i32 to index
          %get3A_167 = arith.constant 32 : index
          %get3A_168 = tpu.vector_load %arg9[%get3A_166, %get3A_167] {strides = array<i32>} : memref<32x128xf32, #tpu.memory_space<vmem>>, vector<16xf32>,
          %get3A_169 = arith.index_cast %while3A_135 : i32 to index
          %get3A_170 = arith.constant 32 : index
          %get3A_171 = tpu.vector_load %arg12[%get3A_169, %get3A_170] {strides = array<i32>} : memref<128x128xf32, #tpu.memory_space<vmem>>, vector<16xf32>,
          %mul3A_172 = arith.constant 9.900000e-01 : f32
          %mul3A_173 = vector.broadcast %mul3A_172 : f32 to vector<16xf32>
          %mul3A_174 = arith.mulf %get3A_168, %mul3A_173 : vector<16xf32>
          %mul3A_175 = arith.constant 0.00999999977 : f32
          %mul3A_176 = vector.broadcast %mul3A_175 : f32 to vector<16xf32>
          %mul3A_177 = arith.mulf %get3A_171, %mul3A_176 : vector<16xf32>
          %add3A_178 = arith.addf %mul3A_174, %mul3A_177 : vector<16xf32>
          %mul3A_179 = arith.mulf %add3A_178, %add3A_178 : vector<16xf32>
          %get3A_180 = arith.index_cast %squeeze3A : i32 to index
          %get3A_181 = arith.constant 48 : index
          %get3A_182 = tpu.vector_load %arg9[%get3A_180, %get3A_181] {strides = array<i32>} : memref<32x128xf32, #tpu.memory_space<vmem>>, vector<16xf32>,
          %get3A_183 = arith.index_cast %while3A_135 : i32 to index
          %get3A_184 = arith.constant 48 : index
          %get3A_185 = tpu.vector_load %arg12[%get3A_183, %get3A_184] {strides = array<i32>} : memref<128x128xf32, #tpu.memory_space<vmem>>, vector<16xf32>,
          %mul3A_186 = arith.constant 9.900000e-01 : f32
          %mul3A_187 = vector.broadcast %mul3A_186 : f32 to vector<16xf32>
          %mul3A_188 = arith.mulf %get3A_182, %mul3A_187 : vector<16xf32>
          %mul3A_189 = arith.constant 0.00999999977 : f32
          %mul3A_190 = vector.broadcast %mul3A_189 : f32 to vector<16xf32>
          %mul3A_191 = arith.mulf %get3A_185, %mul3A_190 : vector<16xf32>
          %add3A_192 = arith.addf %mul3A_188, %mul3A_191 : vector<16xf32>
          %mul3A_193 = arith.mulf %add3A_192, %add3A_192 : vector<16xf32>
          %get3A_194 = arith.index_cast %squeeze3A : i32 to index
          %get3A_195 = arith.constant 64 : index
          %get3A_196 = tpu.vector_load %arg9[%get3A_194, %get3A_195] {strides = array<i32>} : memref<32x128xf32, #tpu.memory_space<vmem>>, vector<16xf32>,
          %get3A_197 = arith.index_cast %while3A_135 : i32 to index
          %get3A_198 = arith.constant 64 : index
          %get3A_199 = tpu.vector_load %arg12[%get3A_197, %get3A_198] {strides = array<i32>} : memref<128x128xf32, #tpu.memory_space<vmem>>, vector<16xf32>,
          %mul3A_200 = arith.constant 9.900000e-01 : f32
          %mul3A_201 = vector.broadcast %mul3A_200 : f32 to vector<16xf32>
          %mul3A_202 = arith.mulf %get3A_196, %mul3A_201 : vector<16xf32>
          %mul3A_203 = arith.constant 0.00999999977 : f32
          %mul3A_204 = vector.broadcast %mul3A_203 : f32 to vector<16xf32>
          %mul3A_205 = arith.mulf %get3A_199, %mul3A_204 : vector<16xf32>
          %add3A_206 = arith.addf %mul3A_202, %mul3A_205 : vector<16xf32>
          %mul3A_207 = arith.mulf %add3A_206, %add3A_206 : vector<16xf32>
          %get3A_208 = arith.index_cast %squeeze3A : i32 to index
          %get3A_209 = arith.constant 80 : index
          %get3A_210 = tpu.vector_load %arg9[%get3A_208, %get3A_209] {strides = array<i32>} : memref<32x128xf32, #tpu.memory_space<vmem>>, vector<16xf32>,
          %get3A_211 = arith.index_cast %while3A_135 : i32 to index
          %get3A_212 = arith.constant 80 : index
          %get3A_213 = tpu.vector_load %arg12[%get3A_211, %get3A_212] {strides = array<i32>} : memref<128x128xf32, #tpu.memory_space<vmem>>, vector<16xf32>,
          %mul3A_214 = arith.constant 9.900000e-01 : f32
          %mul3A_215 = vector.broadcast %mul3A_214 : f32 to vector<16xf32>
          %mul3A_216 = arith.mulf %get3A_210, %mul3A_215 : vector<16xf32>
          %mul3A_217 = arith.constant 0.00999999977 : f32
          %mul3A_218 = vector.broadcast %mul3A_217 : f32 to vector<16xf32>
          %mul3A_219 = arith.mulf %get3A_213, %mul3A_218 : vector<16xf32>
          %add3A_220 = arith.addf %mul3A_216, %mul3A_219 : vector<16xf32>
          %mul3A_221 = arith.mulf %add3A_220, %add3A_220 : vector<16xf32>
          %get3A_222 = arith.index_cast %squeeze3A : i32 to index
          %get3A_223 = arith.constant 96 : index
          %get3A_224 = tpu.vector_load %arg9[%get3A_222, %get3A_223] {strides = array<i32>} : memref<32x128xf32, #tpu.memory_space<vmem>>, vector<16xf32>,
          %get3A_225 = arith.index_cast %while3A_135 : i32 to index
          %get3A_226 = arith.constant 96 : index
          %get3A_227 = tpu.vector_load %arg12[%get3A_225, %get3A_226] {strides = array<i32>} : memref<128x128xf32, #tpu.memory_space<vmem>>, vector<16xf32>,
          %mul3A_228 = arith.constant 9.900000e-01 : f32
          %mul3A_229 = vector.broadcast %mul3A_228 : f32 to vector<16xf32>
          %mul3A_230 = arith.mulf %get3A_224, %mul3A_229 : vector<16xf32>
          %mul3A_231 = arith.constant 0.00999999977 : f32
          %mul3A_232 = vector.broadcast %mul3A_231 : f32 to vector<16xf32>
          %mul3A_233 = arith.mulf %get3A_227, %mul3A_232 : vector<16xf32>
          %add3A_234 = arith.addf %mul3A_230, %mul3A_233 : vector<16xf32>
          %mul3A_235 = arith.mulf %add3A_234, %add3A_234 : vector<16xf32>
          %get3A_236 = arith.index_cast %squeeze3A : i32 to index
          %get3A_237 = arith.constant 112 : index
          %get3A_238 = tpu.vector_load %arg9[%get3A_236, %get3A_237] {strides = array<i32>} : memref<32x128xf32, #tpu.memory_space<vmem>>, vector<16xf32>,
          %get3A_239 = arith.index_cast %while3A_135 : i32 to index
          %get3A_240 = arith.constant 112 : index
          %get3A_241 = tpu.vector_load %arg12[%get3A_239, %get3A_240] {strides = array<i32>} : memref<128x128xf32, #tpu.memory_space<vmem>>, vector<16xf32>,
          %mul3A_242 = arith.constant 9.900000e-01 : f32
          %mul3A_243 = vector.broadcast %mul3A_242 : f32 to vector<16xf32>
          %mul3A_244 = arith.mulf %get3A_238, %mul3A_243 : vector<16xf32>
          %mul3A_245 = arith.constant 0.00999999977 : f32
          %mul3A_246 = vector.broadcast %mul3A_245 : f32 to vector<16xf32>
          %mul3A_247 = arith.mulf %get3A_241, %mul3A_246 : vector<16xf32>
          %add3A_248 = arith.addf %mul3A_244, %mul3A_247 : vector<16xf32>
          %mul3A_249 = arith.mulf %add3A_248, %add3A_248 : vector<16xf32>
          %add3A_250 = arith.addf %mul3A_151, %mul3A_165 : vector<16xf32>
          %add3A_251 = arith.addf %mul3A_179, %mul3A_193 : vector<16xf32>
          %add3A_252 = arith.addf %mul3A_207, %mul3A_221 : vector<16xf32>
          %add3A_253 = arith.addf %mul3A_235, %mul3A_249 : vector<16xf32>
          %add3A_254 = arith.addf %add3A_250, %add3A_251 : vector<16xf32>
          %add3A_255 = arith.addf %add3A_252, %add3A_253 : vector<16xf32>
          %add3A_256 = arith.addf %add3A_254, %add3A_255 : vector<16xf32>
          %reduce_sum3A = arith.constant true
          %reduce_sum3A_257 = vector.broadcast %reduce_sum3A : i1 to vector<16xi1>
          %reduce_sum3A_258 = tpu.scan <sum>, %add3A_256 masked %reduce_sum3A_257 : vector<16xf32>, vector<16xi1> -> vector<16xf32>
          %reduce_sum3A_259 = vector.extract %reduce_sum3A_258[15] : f32 from vector<16xf32>
          %max3A = arith.constant 1.000000e-24 : f32
          %max3A_260 = arith.maximumf %reduce_sum3A_259, %max3A : f32
          %bitcast_convert_type3A = arith.bitcast %max3A_260 : f32 to i32
          %shift_right_logical3A = arith.constant 1 : i32
          %shift_right_logical3A_261 = arith.shrui %bitcast_convert_type3A, %shift_right_logical3A : i32
          %sub3A_262 = arith.constant 1597463007 : i32
          %sub3A_263 = arith.subi %sub3A_262, %shift_right_logical3A_261 : i32
          %bitcast_convert_type3A_264 = arith.bitcast %sub3A_263 : i32 to f32
          %mul3A_265 = arith.constant 5.000000e-01 : f32
          %mul3A_266 = arith.mulf %mul3A_265, %max3A_260 : f32
          %mul3A_267 = arith.mulf %mul3A_266, %bitcast_convert_type3A_264 : f32
          %mul3A_268 = arith.mulf %mul3A_267, %bitcast_convert_type3A_264 : f32
          %sub3A_269 = arith.constant 1.500000e+00 : f32
          %sub3A_270 = arith.subf %sub3A_269, %mul3A_268 : f32
          %mul3A_271 = arith.mulf %bitcast_convert_type3A_264, %sub3A_270 : f32
          %mul3A_272 = arith.constant 5.000000e-01 : f32
          %mul3A_273 = arith.mulf %mul3A_272, %max3A_260 : f32
          %mul3A_274 = arith.mulf %mul3A_273, %mul3A_271 : f32
          %mul3A_275 = arith.mulf %mul3A_274, %mul3A_271 : f32
          %sub3A_276 = arith.constant 1.500000e+00 : f32
          %sub3A_277 = arith.subf %sub3A_276, %mul3A_275 : f32
          %mul3A_278 = arith.mulf %mul3A_271, %sub3A_277 : f32
          %mul3A_279 = arith.constant 5.000000e-01 : f32
          %mul3A_280 = arith.mulf %mul3A_279, %max3A_260 : f32
          %mul3A_281 = arith.mulf %mul3A_280, %mul3A_278 : f32
          %mul3A_282 = arith.mulf %mul3A_281, %mul3A_278 : f32
          %sub3A_283 = arith.constant 1.500000e+00 : f32
          %sub3A_284 = arith.subf %sub3A_283, %mul3A_282 : f32
          %mul3A_285 = arith.mulf %mul3A_278, %sub3A_284 : f32
          %mul3A_286 = vector.broadcast %mul3A_285 : f32 to vector<16xf32>
          %mul3A_287 = arith.mulf %add3A_150, %mul3A_286 : vector<16xf32>
          %swap3A = arith.index_cast %squeeze3A : i32 to index
          %swap3A_288 = arith.constant 0 : index
          %swap3A_289 = tpu.vector_load %arg9[%swap3A, %swap3A_288] {strides = array<i32>} : memref<32x128xf32, #tpu.memory_space<vmem>>, vector<16xf32>,
          tpu.vector_store %arg9[%swap3A, %swap3A_288], %mul3A_287 {strides = array<i32>} : memref<32x128xf32, #tpu.memory_space<vmem>>, vector<16xf32>,
          %mul3A_290 = vector.broadcast %mul3A_285 : f32 to vector<16xf32>
          %mul3A_291 = arith.mulf %add3A_164, %mul3A_290 : vector<16xf32>
          %swap3A_292 = arith.index_cast %squeeze3A : i32 to index
          %swap3A_293 = arith.constant 16 : index
          %swap3A_294 = tpu.vector_load %arg9[%swap3A_292, %swap3A_293] {strides = array<i32>} : memref<32x128xf32, #tpu.memory_space<vmem>>, vector<16xf32>,
          tpu.vector_store %arg9[%swap3A_292, %swap3A_293], %mul3A_291 {strides = array<i32>} : memref<32x128xf32, #tpu.memory_space<vmem>>, vector<16xf32>,
          %mul3A_295 = vector.broadcast %mul3A_285 : f32 to vector<16xf32>
          %mul3A_296 = arith.mulf %add3A_178, %mul3A_295 : vector<16xf32>
          %swap3A_297 = arith.index_cast %squeeze3A : i32 to index
          %swap3A_298 = arith.constant 32 : index
          %swap3A_299 = tpu.vector_load %arg9[%swap3A_297, %swap3A_298] {strides = array<i32>} : memref<32x128xf32, #tpu.memory_space<vmem>>, vector<16xf32>,
          tpu.vector_store %arg9[%swap3A_297, %swap3A_298], %mul3A_296 {strides = array<i32>} : memref<32x128xf32, #tpu.memory_space<vmem>>, vector<16xf32>,
          %mul3A_300 = vector.broadcast %mul3A_285 : f32 to vector<16xf32>
          %mul3A_301 = arith.mulf %add3A_192, %mul3A_300 : vector<16xf32>
          %swap3A_302 = arith.index_cast %squeeze3A : i32 to index
          %swap3A_303 = arith.constant 48 : index
          %swap3A_304 = tpu.vector_load %arg9[%swap3A_302, %swap3A_303] {strides = array<i32>} : memref<32x128xf32, #tpu.memory_space<vmem>>, vector<16xf32>,
          tpu.vector_store %arg9[%swap3A_302, %swap3A_303], %mul3A_301 {strides = array<i32>} : memref<32x128xf32, #tpu.memory_space<vmem>>, vector<16xf32>,
          %mul3A_305 = vector.broadcast %mul3A_285 : f32 to vector<16xf32>
          %mul3A_306 = arith.mulf %add3A_206, %mul3A_305 : vector<16xf32>
          %swap3A_307 = arith.index_cast %squeeze3A : i32 to index
          %swap3A_308 = arith.constant 64 : index
          %swap3A_309 = tpu.vector_load %arg9[%swap3A_307, %swap3A_308] {strides = array<i32>} : memref<32x128xf32, #tpu.memory_space<vmem>>, vector<16xf32>,
          tpu.vector_store %arg9[%swap3A_307, %swap3A_308], %mul3A_306 {strides = array<i32>} : memref<32x128xf32, #tpu.memory_space<vmem>>, vector<16xf32>,
          %mul3A_310 = vector.broadcast %mul3A_285 : f32 to vector<16xf32>
          %mul3A_311 = arith.mulf %add3A_220, %mul3A_310 : vector<16xf32>
          %swap3A_312 = arith.index_cast %squeeze3A : i32 to index
          %swap3A_313 = arith.constant 80 : index
          %swap3A_314 = tpu.vector_load %arg9[%swap3A_312, %swap3A_313] {strides = array<i32>} : memref<32x128xf32, #tpu.memory_space<vmem>>, vector<16xf32>,
          tpu.vector_store %arg9[%swap3A_312, %swap3A_313], %mul3A_311 {strides = array<i32>} : memref<32x128xf32, #tpu.memory_space<vmem>>, vector<16xf32>,
          %mul3A_315 = vector.broadcast %mul3A_285 : f32 to vector<16xf32>
          %mul3A_316 = arith.mulf %add3A_234, %mul3A_315 : vector<16xf32>
          %swap3A_317 = arith.index_cast %squeeze3A : i32 to index
          %swap3A_318 = arith.constant 96 : index
          %swap3A_319 = tpu.vector_load %arg9[%swap3A_317, %swap3A_318] {strides = array<i32>} : memref<32x128xf32, #tpu.memory_space<vmem>>, vector<16xf32>,
          tpu.vector_store %arg9[%swap3A_317, %swap3A_318], %mul3A_316 {strides = array<i32>} : memref<32x128xf32, #tpu.memory_space<vmem>>, vector<16xf32>,
          %mul3A_320 = vector.broadcast %mul3A_285 : f32 to vector<16xf32>
          %mul3A_321 = arith.mulf %add3A_248, %mul3A_320 : vector<16xf32>
          %swap3A_322 = arith.index_cast %squeeze3A : i32 to index
          %swap3A_323 = arith.constant 112 : index
          %swap3A_324 = tpu.vector_load %arg9[%swap3A_322, %swap3A_323] {strides = array<i32>} : memref<32x128xf32, #tpu.memory_space<vmem>>, vector<16xf32>,
          tpu.vector_store %arg9[%swap3A_322, %swap3A_323], %mul3A_321 {strides = array<i32>} : memref<32x128xf32, #tpu.memory_space<vmem>>, vector<16xf32>,
        }
        %while3A_134 = arith.constant 1 : i32
        scf.for %while3A_135 = %while3A_132 to %while3A_128 step %while3A_134  : i32 {
          %add3A_136 = arith.addi %mul3A_122, %while3A_135 : i32
          %get3A = arith.index_cast %add3A_136 : i32 to index
          %get3A_137 = tpu.vector_load %arg8[%get3A] {strides = array<i32>} : memref<16512xi32, #tpu.memory_space<vmem>>, vector<16xi32>,
          %slice3A = vector.extract_strided_slice %get3A_137 {offsets = [0], sizes = [1], strides = [1]} : vector<16xi32> to vector<1xi32>
          %squeeze3A = vector.extract %slice3A[0] : i32 from vector<1xi32>
          %get3A_138 = arith.index_cast %squeeze3A : i32 to index
          %get3A_139 = arith.constant 0 : index
          %get3A_140 = tpu.vector_load %arg9[%get3A_138, %get3A_139] {strides = array<i32>} : memref<32x128xf32, #tpu.memory_space<vmem>>, vector<16xf32>,
          %get3A_141 = arith.index_cast %while3A_135 : i32 to index
          %get3A_142 = arith.constant 0 : index
          %get3A_143 = tpu.vector_load %arg12[%get3A_141, %get3A_142] {strides = array<i32>} : memref<128x128xf32, #tpu.memory_space<vmem>>, vector<16xf32>,
          %mul3A_144 = arith.constant 9.900000e-01 : f32
          %mul3A_145 = vector.broadcast %mul3A_144 : f32 to vector<16xf32>
          %mul3A_146 = arith.mulf %get3A_140, %mul3A_145 : vector<16xf32>
          %mul3A_147 = arith.constant 0.00999999977 : f32
          %mul3A_148 = vector.broadcast %mul3A_147 : f32 to vector<16xf32>
          %mul3A_149 = arith.mulf %get3A_143, %mul3A_148 : vector<16xf32>
          %add3A_150 = arith.addf %mul3A_146, %mul3A_149 : vector<16xf32>
          %mul3A_151 = arith.mulf %add3A_150, %add3A_150 : vector<16xf32>
          %get3A_152 = arith.index_cast %squeeze3A : i32 to index
          %get3A_153 = arith.constant 16 : index
          %get3A_154 = tpu.vector_load %arg9[%get3A_152, %get3A_153] {strides = array<i32>} : memref<32x128xf32, #tpu.memory_space<vmem>>, vector<16xf32>,
          %get3A_155 = arith.index_cast %while3A_135 : i32 to index
          %get3A_156 = arith.constant 16 : index
          %get3A_157 = tpu.vector_load %arg12[%get3A_155, %get3A_156] {strides = array<i32>} : memref<128x128xf32, #tpu.memory_space<vmem>>, vector<16xf32>,
          %mul3A_158 = arith.constant 9.900000e-01 : f32
          %mul3A_159 = vector.broadcast %mul3A_158 : f32 to vector<16xf32>
          %mul3A_160 = arith.mulf %get3A_154, %mul3A_159 : vector<16xf32>
          %mul3A_161 = arith.constant 0.00999999977 : f32
          %mul3A_162 = vector.broadcast %mul3A_161 : f32 to vector<16xf32>
          %mul3A_163 = arith.mulf %get3A_157, %mul3A_162 : vector<16xf32>
          %add3A_164 = arith.addf %mul3A_160, %mul3A_163 : vector<16xf32>
          %mul3A_165 = arith.mulf %add3A_164, %add3A_164 : vector<16xf32>
          %get3A_166 = arith.index_cast %squeeze3A : i32 to index
          %get3A_167 = arith.constant 32 : index
          %get3A_168 = tpu.vector_load %arg9[%get3A_166, %get3A_167] {strides = array<i32>} : memref<32x128xf32, #tpu.memory_space<vmem>>, vector<16xf32>,
          %get3A_169 = arith.index_cast %while3A_135 : i32 to index
          %get3A_170 = arith.constant 32 : index
          %get3A_171 = tpu.vector_load %arg12[%get3A_169, %get3A_170] {strides = array<i32>} : memref<128x128xf32, #tpu.memory_space<vmem>>, vector<16xf32>,
          %mul3A_172 = arith.constant 9.900000e-01 : f32
          %mul3A_173 = vector.broadcast %mul3A_172 : f32 to vector<16xf32>
          %mul3A_174 = arith.mulf %get3A_168, %mul3A_173 : vector<16xf32>
          %mul3A_175 = arith.constant 0.00999999977 : f32
          %mul3A_176 = vector.broadcast %mul3A_175 : f32 to vector<16xf32>
          %mul3A_177 = arith.mulf %get3A_171, %mul3A_176 : vector<16xf32>
          %add3A_178 = arith.addf %mul3A_174, %mul3A_177 : vector<16xf32>
          %mul3A_179 = arith.mulf %add3A_178, %add3A_178 : vector<16xf32>
          %get3A_180 = arith.index_cast %squeeze3A : i32 to index
          %get3A_181 = arith.constant 48 : index
          %get3A_182 = tpu.vector_load %arg9[%get3A_180, %get3A_181] {strides = array<i32>} : memref<32x128xf32, #tpu.memory_space<vmem>>, vector<16xf32>,
          %get3A_183 = arith.index_cast %while3A_135 : i32 to index
          %get3A_184 = arith.constant 48 : index
          %get3A_185 = tpu.vector_load %arg12[%get3A_183, %get3A_184] {strides = array<i32>} : memref<128x128xf32, #tpu.memory_space<vmem>>, vector<16xf32>,
          %mul3A_186 = arith.constant 9.900000e-01 : f32
          %mul3A_187 = vector.broadcast %mul3A_186 : f32 to vector<16xf32>
          %mul3A_188 = arith.mulf %get3A_182, %mul3A_187 : vector<16xf32>
          %mul3A_189 = arith.constant 0.00999999977 : f32
          %mul3A_190 = vector.broadcast %mul3A_189 : f32 to vector<16xf32>
          %mul3A_191 = arith.mulf %get3A_185, %mul3A_190 : vector<16xf32>
          %add3A_192 = arith.addf %mul3A_188, %mul3A_191 : vector<16xf32>
          %mul3A_193 = arith.mulf %add3A_192, %add3A_192 : vector<16xf32>
          %get3A_194 = arith.index_cast %squeeze3A : i32 to index
          %get3A_195 = arith.constant 64 : index
          %get3A_196 = tpu.vector_load %arg9[%get3A_194, %get3A_195] {strides = array<i32>} : memref<32x128xf32, #tpu.memory_space<vmem>>, vector<16xf32>,
          %get3A_197 = arith.index_cast %while3A_135 : i32 to index
          %get3A_198 = arith.constant 64 : index
          %get3A_199 = tpu.vector_load %arg12[%get3A_197, %get3A_198] {strides = array<i32>} : memref<128x128xf32, #tpu.memory_space<vmem>>, vector<16xf32>,
          %mul3A_200 = arith.constant 9.900000e-01 : f32
          %mul3A_201 = vector.broadcast %mul3A_200 : f32 to vector<16xf32>
          %mul3A_202 = arith.mulf %get3A_196, %mul3A_201 : vector<16xf32>
          %mul3A_203 = arith.constant 0.00999999977 : f32
          %mul3A_204 = vector.broadcast %mul3A_203 : f32 to vector<16xf32>
          %mul3A_205 = arith.mulf %get3A_199, %mul3A_204 : vector<16xf32>
          %add3A_206 = arith.addf %mul3A_202, %mul3A_205 : vector<16xf32>
          %mul3A_207 = arith.mulf %add3A_206, %add3A_206 : vector<16xf32>
          %get3A_208 = arith.index_cast %squeeze3A : i32 to index
          %get3A_209 = arith.constant 80 : index
          %get3A_210 = tpu.vector_load %arg9[%get3A_208, %get3A_209] {strides = array<i32>} : memref<32x128xf32, #tpu.memory_space<vmem>>, vector<16xf32>,
          %get3A_211 = arith.index_cast %while3A_135 : i32 to index
          %get3A_212 = arith.constant 80 : index
          %get3A_213 = tpu.vector_load %arg12[%get3A_211, %get3A_212] {strides = array<i32>} : memref<128x128xf32, #tpu.memory_space<vmem>>, vector<16xf32>,
          %mul3A_214 = arith.constant 9.900000e-01 : f32
          %mul3A_215 = vector.broadcast %mul3A_214 : f32 to vector<16xf32>
          %mul3A_216 = arith.mulf %get3A_210, %mul3A_215 : vector<16xf32>
          %mul3A_217 = arith.constant 0.00999999977 : f32
          %mul3A_218 = vector.broadcast %mul3A_217 : f32 to vector<16xf32>
          %mul3A_219 = arith.mulf %get3A_213, %mul3A_218 : vector<16xf32>
          %add3A_220 = arith.addf %mul3A_216, %mul3A_219 : vector<16xf32>
          %mul3A_221 = arith.mulf %add3A_220, %add3A_220 : vector<16xf32>
          %get3A_222 = arith.index_cast %squeeze3A : i32 to index
          %get3A_223 = arith.constant 96 : index
          %get3A_224 = tpu.vector_load %arg9[%get3A_222, %get3A_223] {strides = array<i32>} : memref<32x128xf32, #tpu.memory_space<vmem>>, vector<16xf32>,
          %get3A_225 = arith.index_cast %while3A_135 : i32 to index
          %get3A_226 = arith.constant 96 : index
          %get3A_227 = tpu.vector_load %arg12[%get3A_225, %get3A_226] {strides = array<i32>} : memref<128x128xf32, #tpu.memory_space<vmem>>, vector<16xf32>,
          %mul3A_228 = arith.constant 9.900000e-01 : f32
          %mul3A_229 = vector.broadcast %mul3A_228 : f32 to vector<16xf32>
          %mul3A_230 = arith.mulf %get3A_224, %mul3A_229 : vector<16xf32>
          %mul3A_231 = arith.constant 0.00999999977 : f32
          %mul3A_232 = vector.broadcast %mul3A_231 : f32 to vector<16xf32>
          %mul3A_233 = arith.mulf %get3A_227, %mul3A_232 : vector<16xf32>
          %add3A_234 = arith.addf %mul3A_230, %mul3A_233 : vector<16xf32>
          %mul3A_235 = arith.mulf %add3A_234, %add3A_234 : vector<16xf32>
          %get3A_236 = arith.index_cast %squeeze3A : i32 to index
          %get3A_237 = arith.constant 112 : index
          %get3A_238 = tpu.vector_load %arg9[%get3A_236, %get3A_237] {strides = array<i32>} : memref<32x128xf32, #tpu.memory_space<vmem>>, vector<16xf32>,
          %get3A_239 = arith.index_cast %while3A_135 : i32 to index
          %get3A_240 = arith.constant 112 : index
          %get3A_241 = tpu.vector_load %arg12[%get3A_239, %get3A_240] {strides = array<i32>} : memref<128x128xf32, #tpu.memory_space<vmem>>, vector<16xf32>,
          %mul3A_242 = arith.constant 9.900000e-01 : f32
          %mul3A_243 = vector.broadcast %mul3A_242 : f32 to vector<16xf32>
          %mul3A_244 = arith.mulf %get3A_238, %mul3A_243 : vector<16xf32>
          %mul3A_245 = arith.constant 0.00999999977 : f32
          %mul3A_246 = vector.broadcast %mul3A_245 : f32 to vector<16xf32>
          %mul3A_247 = arith.mulf %get3A_241, %mul3A_246 : vector<16xf32>
          %add3A_248 = arith.addf %mul3A_244, %mul3A_247 : vector<16xf32>
          %mul3A_249 = arith.mulf %add3A_248, %add3A_248 : vector<16xf32>
          %add3A_250 = arith.addf %mul3A_151, %mul3A_165 : vector<16xf32>
          %add3A_251 = arith.addf %mul3A_179, %mul3A_193 : vector<16xf32>
          %add3A_252 = arith.addf %mul3A_207, %mul3A_221 : vector<16xf32>
          %add3A_253 = arith.addf %mul3A_235, %mul3A_249 : vector<16xf32>
          %add3A_254 = arith.addf %add3A_250, %add3A_251 : vector<16xf32>
          %add3A_255 = arith.addf %add3A_252, %add3A_253 : vector<16xf32>
          %add3A_256 = arith.addf %add3A_254, %add3A_255 : vector<16xf32>
          %reduce_sum3A = arith.constant true
          %reduce_sum3A_257 = vector.broadcast %reduce_sum3A : i1 to vector<16xi1>
          %reduce_sum3A_258 = tpu.scan <sum>, %add3A_256 masked %reduce_sum3A_257 : vector<16xf32>, vector<16xi1> -> vector<16xf32>
          %reduce_sum3A_259 = vector.extract %reduce_sum3A_258[15] : f32 from vector<16xf32>
          %max3A = arith.constant 1.000000e-24 : f32
          %max3A_260 = arith.maximumf %reduce_sum3A_259, %max3A : f32
          %bitcast_convert_type3A = arith.bitcast %max3A_260 : f32 to i32
          %shift_right_logical3A = arith.constant 1 : i32
          %shift_right_logical3A_261 = arith.shrui %bitcast_convert_type3A, %shift_right_logical3A : i32
          %sub3A_262 = arith.constant 1597463007 : i32
          %sub3A_263 = arith.subi %sub3A_262, %shift_right_logical3A_261 : i32
          %bitcast_convert_type3A_264 = arith.bitcast %sub3A_263 : i32 to f32
          %mul3A_265 = arith.constant 5.000000e-01 : f32
          %mul3A_266 = arith.mulf %mul3A_265, %max3A_260 : f32
          %mul3A_267 = arith.mulf %mul3A_266, %bitcast_convert_type3A_264 : f32
          %mul3A_268 = arith.mulf %mul3A_267, %bitcast_convert_type3A_264 : f32
          %sub3A_269 = arith.constant 1.500000e+00 : f32
          %sub3A_270 = arith.subf %sub3A_269, %mul3A_268 : f32
          %mul3A_271 = arith.mulf %bitcast_convert_type3A_264, %sub3A_270 : f32
          %mul3A_272 = arith.constant 5.000000e-01 : f32
          %mul3A_273 = arith.mulf %mul3A_272, %max3A_260 : f32
          %mul3A_274 = arith.mulf %mul3A_273, %mul3A_271 : f32
          %mul3A_275 = arith.mulf %mul3A_274, %mul3A_271 : f32
          %sub3A_276 = arith.constant 1.500000e+00 : f32
          %sub3A_277 = arith.subf %sub3A_276, %mul3A_275 : f32
          %mul3A_278 = arith.mulf %mul3A_271, %sub3A_277 : f32
          %mul3A_279 = arith.constant 5.000000e-01 : f32
          %mul3A_280 = arith.mulf %mul3A_279, %max3A_260 : f32
          %mul3A_281 = arith.mulf %mul3A_280, %mul3A_278 : f32
          %mul3A_282 = arith.mulf %mul3A_281, %mul3A_278 : f32
          %sub3A_283 = arith.constant 1.500000e+00 : f32
          %sub3A_284 = arith.subf %sub3A_283, %mul3A_282 : f32
          %mul3A_285 = arith.mulf %mul3A_278, %sub3A_284 : f32
          %mul3A_286 = vector.broadcast %mul3A_285 : f32 to vector<16xf32>
          %mul3A_287 = arith.mulf %add3A_150, %mul3A_286 : vector<16xf32>
          %swap3A = arith.index_cast %squeeze3A : i32 to index
          %swap3A_288 = arith.constant 0 : index
          %swap3A_289 = tpu.vector_load %arg9[%swap3A, %swap3A_288] {strides = array<i32>} : memref<32x128xf32, #tpu.memory_space<vmem>>, vector<16xf32>,
          tpu.vector_store %arg9[%swap3A, %swap3A_288], %mul3A_287 {strides = array<i32>} : memref<32x128xf32, #tpu.memory_space<vmem>>, vector<16xf32>,
          %mul3A_290 = vector.broadcast %mul3A_285 : f32 to vector<16xf32>
          %mul3A_291 = arith.mulf %add3A_164, %mul3A_290 : vector<16xf32>
          %swap3A_292 = arith.index_cast %squeeze3A : i32 to index
          %swap3A_293 = arith.constant 16 : index
          %swap3A_294 = tpu.vector_load %arg9[%swap3A_292, %swap3A_293] {strides = array<i32>} : memref<32x128xf32, #tpu.memory_space<vmem>>, vector<16xf32>,
          tpu.vector_store %arg9[%swap3A_292, %swap3A_293], %mul3A_291 {strides = array<i32>} : memref<32x128xf32, #tpu.memory_space<vmem>>, vector<16xf32>,
          %mul3A_295 = vector.broadcast %mul3A_285 : f32 to vector<16xf32>
          %mul3A_296 = arith.mulf %add3A_178, %mul3A_295 : vector<16xf32>
          %swap3A_297 = arith.index_cast %squeeze3A : i32 to index
          %swap3A_298 = arith.constant 32 : index
          %swap3A_299 = tpu.vector_load %arg9[%swap3A_297, %swap3A_298] {strides = array<i32>} : memref<32x128xf32, #tpu.memory_space<vmem>>, vector<16xf32>,
          tpu.vector_store %arg9[%swap3A_297, %swap3A_298], %mul3A_296 {strides = array<i32>} : memref<32x128xf32, #tpu.memory_space<vmem>>, vector<16xf32>,
          %mul3A_300 = vector.broadcast %mul3A_285 : f32 to vector<16xf32>
          %mul3A_301 = arith.mulf %add3A_192, %mul3A_300 : vector<16xf32>
          %swap3A_302 = arith.index_cast %squeeze3A : i32 to index
          %swap3A_303 = arith.constant 48 : index
          %swap3A_304 = tpu.vector_load %arg9[%swap3A_302, %swap3A_303] {strides = array<i32>} : memref<32x128xf32, #tpu.memory_space<vmem>>, vector<16xf32>,
          tpu.vector_store %arg9[%swap3A_302, %swap3A_303], %mul3A_301 {strides = array<i32>} : memref<32x128xf32, #tpu.memory_space<vmem>>, vector<16xf32>,
          %mul3A_305 = vector.broadcast %mul3A_285 : f32 to vector<16xf32>
          %mul3A_306 = arith.mulf %add3A_206, %mul3A_305 : vector<16xf32>
          %swap3A_307 = arith.index_cast %squeeze3A : i32 to index
          %swap3A_308 = arith.constant 64 : index
          %swap3A_309 = tpu.vector_load %arg9[%swap3A_307, %swap3A_308] {strides = array<i32>} : memref<32x128xf32, #tpu.memory_space<vmem>>, vector<16xf32>,
          tpu.vector_store %arg9[%swap3A_307, %swap3A_308], %mul3A_306 {strides = array<i32>} : memref<32x128xf32, #tpu.memory_space<vmem>>, vector<16xf32>,
          %mul3A_310 = vector.broadcast %mul3A_285 : f32 to vector<16xf32>
          %mul3A_311 = arith.mulf %add3A_220, %mul3A_310 : vector<16xf32>
          %swap3A_312 = arith.index_cast %squeeze3A : i32 to index
          %swap3A_313 = arith.constant 80 : index
          %swap3A_314 = tpu.vector_load %arg9[%swap3A_312, %swap3A_313] {strides = array<i32>} : memref<32x128xf32, #tpu.memory_space<vmem>>, vector<16xf32>,
          tpu.vector_store %arg9[%swap3A_312, %swap3A_313], %mul3A_311 {strides = array<i32>} : memref<32x128xf32, #tpu.memory_space<vmem>>, vector<16xf32>,
          %mul3A_315 = vector.broadcast %mul3A_285 : f32 to vector<16xf32>
          %mul3A_316 = arith.mulf %add3A_234, %mul3A_315 : vector<16xf32>
          %swap3A_317 = arith.index_cast %squeeze3A : i32 to index
          %swap3A_318 = arith.constant 96 : index
          %swap3A_319 = tpu.vector_load %arg9[%swap3A_317, %swap3A_318] {strides = array<i32>} : memref<32x128xf32, #tpu.memory_space<vmem>>, vector<16xf32>,
          tpu.vector_store %arg9[%swap3A_317, %swap3A_318], %mul3A_316 {strides = array<i32>} : memref<32x128xf32, #tpu.memory_space<vmem>>, vector<16xf32>,
          %mul3A_320 = vector.broadcast %mul3A_285 : f32 to vector<16xf32>
          %mul3A_321 = arith.mulf %add3A_248, %mul3A_320 : vector<16xf32>
          %swap3A_322 = arith.index_cast %squeeze3A : i32 to index
          %swap3A_323 = arith.constant 112 : index
          %swap3A_324 = tpu.vector_load %arg9[%swap3A_322, %swap3A_323] {strides = array<i32>} : memref<32x128xf32, #tpu.memory_space<vmem>>, vector<16xf32>,
          tpu.vector_store %arg9[%swap3A_322, %swap3A_323], %mul3A_321 {strides = array<i32>} : memref<32x128xf32, #tpu.memory_space<vmem>>, vector<16xf32>,
        }
      } else {
      }
      %add3A_70 = arith.constant 1 : i32
      %add3A_71 = arith.addi %mul3A_66, %add3A_70 : i32
      %lt3A_72 = arith.cmpi slt, %add3A_71, %select_n3A : i32
      %convert_element_type3A_73 = arith.extui %lt3A_72 : i1 to i32
      %cond3A_74 = arith.constant 0 : i32
      %cond3A_75 = arith.cmpi ne, %convert_element_type3A_73, %cond3A_74 : i32
      scf.if %cond3A_75 {
        %add3A_76 = arith.constant 2 : i32
        %add3A_77 = arith.addi %mul3A_66, %add3A_76 : i32
        %lt3A_78 = arith.cmpi slt, %add3A_77, %select_n3A : i32
        %convert_element_type3A_79 = arith.extui %lt3A_78 : i1 to i32
        %cond3A_80 = arith.constant 0 : i32
        %cond3A_81 = arith.cmpi ne, %convert_element_type3A_79, %cond3A_80 : i32
        scf.if %cond3A_81 {
          %add3A_137 = arith.constant 2 : i32
          %add3A_138 = arith.addi %mul3A_66, %add3A_137 : i32
          %mul3A_139 = arith.constant 128 : i32
          %mul3A_140 = arith.muli %add3A_138, %mul3A_139 : i32
          %add3A_141 = arith.constant 0 : i32
          %add3A_142 = arith.addi %mul3A_140, %add3A_141 : i32
          %get3A = arith.index_cast %add3A_142 : i32 to index
          %get3A_143 = tpu.vector_load %arg7[%get3A] {strides = array<i32>} : memref<16512xi32, #tpu.memory_space<vmem>>, vector<16xi32>,
          %add3A_144 = arith.constant 0 : i32
          %add3A_145 = arith.addi %mul3A_140, %add3A_144 : i32
          %add3A_146 = vector.broadcast %add3A_145 : i32 to vector<16xi32>
          %add3A_147 = arith.addi %add3A_146, %iota3A : vector<16xi32>
          %lt3A_148 = vector.broadcast %scan3A_7 : i32 to vector<16xi32>
          %lt3A_149 = arith.cmpi slt, %add3A_147, %lt3A_148 : vector<16xi32>
          %jit3A_150 = arith.constant 0 : i32
          %broadcast_in_dim3A = vector.broadcast %jit3A_150 : i32 to vector<16xi32>
          %select_n3A_151 = arith.select %lt3A_149, %get3A_143, %broadcast_in_dim3A : vector<16xi1>, vector<16xi32>
          %swap3A = arith.constant 0 : i32
          %swap3A_152 = arith.index_cast %swap3A : i32 to index
          %swap3A_153 = arith.constant 0 : index
          %swap3A_154 = tpu.vector_load %arg10[%swap3A_152, %swap3A_153] {strides = array<i32>} : memref<4x32xi32, #tpu.memory_space<vmem>>, vector<16xi32>,
          tpu.vector_store %arg10[%swap3A_152, %swap3A_153], %select_n3A_151 {strides = array<i32>} : memref<4x32xi32, #tpu.memory_space<vmem>>, vector<16xi32>,
          %add3A_155 = arith.constant 16 : i32
          %add3A_156 = arith.addi %mul3A_140, %add3A_155 : i32
          %get3A_157 = arith.index_cast %add3A_156 : i32 to index
          %get3A_158 = tpu.vector_load %arg7[%get3A_157] {strides = array<i32>} : memref<16512xi32, #tpu.memory_space<vmem>>, vector<16xi32>,
          %add3A_159 = arith.constant 16 : i32
          %add3A_160 = arith.addi %mul3A_140, %add3A_159 : i32
          %add3A_161 = vector.broadcast %add3A_160 : i32 to vector<16xi32>
          %add3A_162 = arith.addi %add3A_161, %iota3A : vector<16xi32>
          %lt3A_163 = vector.broadcast %scan3A_7 : i32 to vector<16xi32>
          %lt3A_164 = arith.cmpi slt, %add3A_162, %lt3A_163 : vector<16xi32>
          %jit3A_165 = arith.constant 0 : i32
          %broadcast_in_dim3A_166 = vector.broadcast %jit3A_165 : i32 to vector<16xi32>
          %select_n3A_167 = arith.select %lt3A_164, %get3A_158, %broadcast_in_dim3A_166 : vector<16xi1>, vector<16xi32>
          %swap3A_168 = arith.constant 0 : i32
          %swap3A_169 = arith.index_cast %swap3A_168 : i32 to index
          %swap3A_170 = arith.constant 16 : index
          %swap3A_171 = tpu.vector_load %arg10[%swap3A_169, %swap3A_170] {strides = array<i32>} : memref<4x32xi32, #tpu.memory_space<vmem>>, vector<16xi32>,
          tpu.vector_store %arg10[%swap3A_169, %swap3A_170], %select_n3A_167 {strides = array<i32>} : memref<4x32xi32, #tpu.memory_space<vmem>>, vector<16xi32>,
          %add3A_172 = arith.constant 32 : i32
          %add3A_173 = arith.addi %mul3A_140, %add3A_172 : i32
          %get3A_174 = arith.index_cast %add3A_173 : i32 to index
          %get3A_175 = tpu.vector_load %arg7[%get3A_174] {strides = array<i32>} : memref<16512xi32, #tpu.memory_space<vmem>>, vector<16xi32>,
          %add3A_176 = arith.constant 32 : i32
          %add3A_177 = arith.addi %mul3A_140, %add3A_176 : i32
          %add3A_178 = vector.broadcast %add3A_177 : i32 to vector<16xi32>
          %add3A_179 = arith.addi %add3A_178, %iota3A : vector<16xi32>
          %lt3A_180 = vector.broadcast %scan3A_7 : i32 to vector<16xi32>
          %lt3A_181 = arith.cmpi slt, %add3A_179, %lt3A_180 : vector<16xi32>
          %jit3A_182 = arith.constant 0 : i32
          %broadcast_in_dim3A_183 = vector.broadcast %jit3A_182 : i32 to vector<16xi32>
          %select_n3A_184 = arith.select %lt3A_181, %get3A_175, %broadcast_in_dim3A_183 : vector<16xi1>, vector<16xi32>
          %swap3A_185 = arith.constant 1 : i32
          %swap3A_186 = arith.index_cast %swap3A_185 : i32 to index
          %swap3A_187 = arith.constant 0 : index
          %swap3A_188 = tpu.vector_load %arg10[%swap3A_186, %swap3A_187] {strides = array<i32>} : memref<4x32xi32, #tpu.memory_space<vmem>>, vector<16xi32>,
          tpu.vector_store %arg10[%swap3A_186, %swap3A_187], %select_n3A_184 {strides = array<i32>} : memref<4x32xi32, #tpu.memory_space<vmem>>, vector<16xi32>,
          %add3A_189 = arith.constant 48 : i32
          %add3A_190 = arith.addi %mul3A_140, %add3A_189 : i32
          %get3A_191 = arith.index_cast %add3A_190 : i32 to index
          %get3A_192 = tpu.vector_load %arg7[%get3A_191] {strides = array<i32>} : memref<16512xi32, #tpu.memory_space<vmem>>, vector<16xi32>,
          %add3A_193 = arith.constant 48 : i32
          %add3A_194 = arith.addi %mul3A_140, %add3A_193 : i32
          %add3A_195 = vector.broadcast %add3A_194 : i32 to vector<16xi32>
          %add3A_196 = arith.addi %add3A_195, %iota3A : vector<16xi32>
          %lt3A_197 = vector.broadcast %scan3A_7 : i32 to vector<16xi32>
          %lt3A_198 = arith.cmpi slt, %add3A_196, %lt3A_197 : vector<16xi32>
          %jit3A_199 = arith.constant 0 : i32
          %broadcast_in_dim3A_200 = vector.broadcast %jit3A_199 : i32 to vector<16xi32>
          %select_n3A_201 = arith.select %lt3A_198, %get3A_192, %broadcast_in_dim3A_200 : vector<16xi1>, vector<16xi32>
          %swap3A_202 = arith.constant 1 : i32
          %swap3A_203 = arith.index_cast %swap3A_202 : i32 to index
          %swap3A_204 = arith.constant 16 : index
          %swap3A_205 = tpu.vector_load %arg10[%swap3A_203, %swap3A_204] {strides = array<i32>} : memref<4x32xi32, #tpu.memory_space<vmem>>, vector<16xi32>,
          tpu.vector_store %arg10[%swap3A_203, %swap3A_204], %select_n3A_201 {strides = array<i32>} : memref<4x32xi32, #tpu.memory_space<vmem>>, vector<16xi32>,
          %add3A_206 = arith.constant 64 : i32
          %add3A_207 = arith.addi %mul3A_140, %add3A_206 : i32
          %get3A_208 = arith.index_cast %add3A_207 : i32 to index
          %get3A_209 = tpu.vector_load %arg7[%get3A_208] {strides = array<i32>} : memref<16512xi32, #tpu.memory_space<vmem>>, vector<16xi32>,
          %add3A_210 = arith.constant 64 : i32
          %add3A_211 = arith.addi %mul3A_140, %add3A_210 : i32
          %add3A_212 = vector.broadcast %add3A_211 : i32 to vector<16xi32>
          %add3A_213 = arith.addi %add3A_212, %iota3A : vector<16xi32>
          %lt3A_214 = vector.broadcast %scan3A_7 : i32 to vector<16xi32>
          %lt3A_215 = arith.cmpi slt, %add3A_213, %lt3A_214 : vector<16xi32>
          %jit3A_216 = arith.constant 0 : i32
          %broadcast_in_dim3A_217 = vector.broadcast %jit3A_216 : i32 to vector<16xi32>
          %select_n3A_218 = arith.select %lt3A_215, %get3A_209, %broadcast_in_dim3A_217 : vector<16xi1>, vector<16xi32>
          %swap3A_219 = arith.constant 2 : i32
          %swap3A_220 = arith.index_cast %swap3A_219 : i32 to index
          %swap3A_221 = arith.constant 0 : index
          %swap3A_222 = tpu.vector_load %arg10[%swap3A_220, %swap3A_221] {strides = array<i32>} : memref<4x32xi32, #tpu.memory_space<vmem>>, vector<16xi32>,
          tpu.vector_store %arg10[%swap3A_220, %swap3A_221], %select_n3A_218 {strides = array<i32>} : memref<4x32xi32, #tpu.memory_space<vmem>>, vector<16xi32>,
          %add3A_223 = arith.constant 80 : i32
          %add3A_224 = arith.addi %mul3A_140, %add3A_223 : i32
          %get3A_225 = arith.index_cast %add3A_224 : i32 to index
          %get3A_226 = tpu.vector_load %arg7[%get3A_225] {strides = array<i32>} : memref<16512xi32, #tpu.memory_space<vmem>>, vector<16xi32>,
          %add3A_227 = arith.constant 80 : i32
          %add3A_228 = arith.addi %mul3A_140, %add3A_227 : i32
          %add3A_229 = vector.broadcast %add3A_228 : i32 to vector<16xi32>
          %add3A_230 = arith.addi %add3A_229, %iota3A : vector<16xi32>
          %lt3A_231 = vector.broadcast %scan3A_7 : i32 to vector<16xi32>
          %lt3A_232 = arith.cmpi slt, %add3A_230, %lt3A_231 : vector<16xi32>
          %jit3A_233 = arith.constant 0 : i32
          %broadcast_in_dim3A_234 = vector.broadcast %jit3A_233 : i32 to vector<16xi32>
          %select_n3A_235 = arith.select %lt3A_232, %get3A_226, %broadcast_in_dim3A_234 : vector<16xi1>, vector<16xi32>
          %swap3A_236 = arith.constant 2 : i32
          %swap3A_237 = arith.index_cast %swap3A_236 : i32 to index
          %swap3A_238 = arith.constant 16 : index
          %swap3A_239 = tpu.vector_load %arg10[%swap3A_237, %swap3A_238] {strides = array<i32>} : memref<4x32xi32, #tpu.memory_space<vmem>>, vector<16xi32>,
          tpu.vector_store %arg10[%swap3A_237, %swap3A_238], %select_n3A_235 {strides = array<i32>} : memref<4x32xi32, #tpu.memory_space<vmem>>, vector<16xi32>,
          %add3A_240 = arith.constant 96 : i32
          %add3A_241 = arith.addi %mul3A_140, %add3A_240 : i32
          %get3A_242 = arith.index_cast %add3A_241 : i32 to index
          %get3A_243 = tpu.vector_load %arg7[%get3A_242] {strides = array<i32>} : memref<16512xi32, #tpu.memory_space<vmem>>, vector<16xi32>,
          %add3A_244 = arith.constant 96 : i32
          %add3A_245 = arith.addi %mul3A_140, %add3A_244 : i32
          %add3A_246 = vector.broadcast %add3A_245 : i32 to vector<16xi32>
          %add3A_247 = arith.addi %add3A_246, %iota3A : vector<16xi32>
          %lt3A_248 = vector.broadcast %scan3A_7 : i32 to vector<16xi32>
          %lt3A_249 = arith.cmpi slt, %add3A_247, %lt3A_248 : vector<16xi32>
          %jit3A_250 = arith.constant 0 : i32
          %broadcast_in_dim3A_251 = vector.broadcast %jit3A_250 : i32 to vector<16xi32>
          %select_n3A_252 = arith.select %lt3A_249, %get3A_243, %broadcast_in_dim3A_251 : vector<16xi1>, vector<16xi32>
          %swap3A_253 = arith.constant 3 : i32
          %swap3A_254 = arith.index_cast %swap3A_253 : i32 to index
          %swap3A_255 = arith.constant 0 : index
          %swap3A_256 = tpu.vector_load %arg10[%swap3A_254, %swap3A_255] {strides = array<i32>} : memref<4x32xi32, #tpu.memory_space<vmem>>, vector<16xi32>,
          tpu.vector_store %arg10[%swap3A_254, %swap3A_255], %select_n3A_252 {strides = array<i32>} : memref<4x32xi32, #tpu.memory_space<vmem>>, vector<16xi32>,
          %add3A_257 = arith.constant 112 : i32
          %add3A_258 = arith.addi %mul3A_140, %add3A_257 : i32
          %get3A_259 = arith.index_cast %add3A_258 : i32 to index
          %get3A_260 = tpu.vector_load %arg7[%get3A_259] {strides = array<i32>} : memref<16512xi32, #tpu.memory_space<vmem>>, vector<16xi32>,
          %add3A_261 = arith.constant 112 : i32
          %add3A_262 = arith.addi %mul3A_140, %add3A_261 : i32
          %add3A_263 = vector.broadcast %add3A_262 : i32 to vector<16xi32>
          %add3A_264 = arith.addi %add3A_263, %iota3A : vector<16xi32>
          %lt3A_265 = vector.broadcast %scan3A_7 : i32 to vector<16xi32>
          %lt3A_266 = arith.cmpi slt, %add3A_264, %lt3A_265 : vector<16xi32>
          %jit3A_267 = arith.constant 0 : i32
          %broadcast_in_dim3A_268 = vector.broadcast %jit3A_267 : i32 to vector<16xi32>
          %select_n3A_269 = arith.select %lt3A_266, %get3A_260, %broadcast_in_dim3A_268 : vector<16xi1>, vector<16xi32>
          %swap3A_270 = arith.constant 3 : i32
          %swap3A_271 = arith.index_cast %swap3A_270 : i32 to index
          %swap3A_272 = arith.constant 16 : index
          %swap3A_273 = tpu.vector_load %arg10[%swap3A_271, %swap3A_272] {strides = array<i32>} : memref<4x32xi32, #tpu.memory_space<vmem>>, vector<16xi32>,
          tpu.vector_store %arg10[%swap3A_271, %swap3A_272], %select_n3A_269 {strides = array<i32>} : memref<4x32xi32, #tpu.memory_space<vmem>>, vector<16xi32>,
          %dma_start3A = arith.constant 0 : i32
          %dma_start3A_274 = arith.constant 0 : i32
          %dma_start3A_275 = arith.constant 0 : i32
          %dma_start3A_276 = tpu.memref_slice %arg12[%dma_start3A_274, %dma_start3A_275] : memref<128x128xf32, #tpu.memory_space<vmem>> -> memref<32x128xf32, #tpu.memory_space<vmem>>
          %dma_start3A_277 = arith.constant 0 : i32
          %dma_start3A_278 = tpu.memref_slice %arg10[%dma_start3A, %dma_start3A_277] : memref<4x32xi32, #tpu.memory_space<vmem>> -> memref<1x32xi32, #tpu.memory_space<vmem>>
          %dma_start3A_279 = tpu.memref_squeeze %dma_start3A_278 : memref<1x32xi32, #tpu.memory_space<vmem>> -> memref<32xi32, #tpu.memory_space<vmem>>
          %dma_start3A_280 = arith.constant 0 : i32
          %dma_start3A_281 = arith.constant 0 : i32
          %dma_start3A_282 = tpu.memref_slice %arg2[%dma_start3A_280, %dma_start3A_281] : memref<16384x128xf32, #tpu.memory_space<hbm>> -> memref<16384x128xf32, #tpu.memory_space<hbm>>
          tpu.enqueue_indirect_dma source(%dma_start3A_282 : memref<16384x128xf32, #tpu.memory_space<hbm>>) target(%dma_start3A_276 : memref<32x128xf32, #tpu.memory_space<vmem>>) offsets(%dma_start3A_279 : memref<32xi32, #tpu.memory_space<vmem>>) semaphore(%arg14 : memref<!tpu.dma_semaphore, #tpu.memory_space<semaphore_mem>>)
          %dma_start3A_283 = arith.constant 1 : i32
          %dma_start3A_284 = arith.constant 32 : i32
          %dma_start3A_285 = arith.constant 0 : i32
          %dma_start3A_286 = tpu.memref_slice %arg12[%dma_start3A_284, %dma_start3A_285] : memref<128x128xf32, #tpu.memory_space<vmem>> -> memref<32x128xf32, #tpu.memory_space<vmem>>
          %dma_start3A_287 = arith.constant 0 : i32
          %dma_start3A_288 = tpu.memref_slice %arg10[%dma_start3A_283, %dma_start3A_287] : memref<4x32xi32, #tpu.memory_space<vmem>> -> memref<1x32xi32, #tpu.memory_space<vmem>>
          %dma_start3A_289 = tpu.memref_squeeze %dma_start3A_288 : memref<1x32xi32, #tpu.memory_space<vmem>> -> memref<32xi32, #tpu.memory_space<vmem>>
          %dma_start3A_290 = arith.constant 0 : i32
          %dma_start3A_291 = arith.constant 0 : i32
          %dma_start3A_292 = tpu.memref_slice %arg2[%dma_start3A_290, %dma_start3A_291] : memref<16384x128xf32, #tpu.memory_space<hbm>> -> memref<16384x128xf32, #tpu.memory_space<hbm>>
          tpu.enqueue_indirect_dma source(%dma_start3A_292 : memref<16384x128xf32, #tpu.memory_space<hbm>>) target(%dma_start3A_286 : memref<32x128xf32, #tpu.memory_space<vmem>>) offsets(%dma_start3A_289 : memref<32xi32, #tpu.memory_space<vmem>>) semaphore(%arg14 : memref<!tpu.dma_semaphore, #tpu.memory_space<semaphore_mem>>)
          %dma_start3A_293 = arith.constant 2 : i32
          %dma_start3A_294 = arith.constant 64 : i32
          %dma_start3A_295 = arith.constant 0 : i32
          %dma_start3A_296 = tpu.memref_slice %arg12[%dma_start3A_294, %dma_start3A_295] : memref<128x128xf32, #tpu.memory_space<vmem>> -> memref<32x128xf32, #tpu.memory_space<vmem>>
          %dma_start3A_297 = arith.constant 0 : i32
          %dma_start3A_298 = tpu.memref_slice %arg10[%dma_start3A_293, %dma_start3A_297] : memref<4x32xi32, #tpu.memory_space<vmem>> -> memref<1x32xi32, #tpu.memory_space<vmem>>
          %dma_start3A_299 = tpu.memref_squeeze %dma_start3A_298 : memref<1x32xi32, #tpu.memory_space<vmem>> -> memref<32xi32, #tpu.memory_space<vmem>>
          %dma_start3A_300 = arith.constant 0 : i32
          %dma_start3A_301 = arith.constant 0 : i32
          %dma_start3A_302 = tpu.memref_slice %arg2[%dma_start3A_300, %dma_start3A_301] : memref<16384x128xf32, #tpu.memory_space<hbm>> -> memref<16384x128xf32, #tpu.memory_space<hbm>>
          tpu.enqueue_indirect_dma source(%dma_start3A_302 : memref<16384x128xf32, #tpu.memory_space<hbm>>) target(%dma_start3A_296 : memref<32x128xf32, #tpu.memory_space<vmem>>) offsets(%dma_start3A_299 : memref<32xi32, #tpu.memory_space<vmem>>) semaphore(%arg14 : memref<!tpu.dma_semaphore, #tpu.memory_space<semaphore_mem>>)
          %dma_start3A_303 = arith.constant 3 : i32
          %dma_start3A_304 = arith.constant 96 : i32
          %dma_start3A_305 = arith.constant 0 : i32
          %dma_start3A_306 = tpu.memref_slice %arg12[%dma_start3A_304, %dma_start3A_305] : memref<128x128xf32, #tpu.memory_space<vmem>> -> memref<32x128xf32, #tpu.memory_space<vmem>>
          %dma_start3A_307 = arith.constant 0 : i32
          %dma_start3A_308 = tpu.memref_slice %arg10[%dma_start3A_303, %dma_start3A_307] : memref<4x32xi32, #tpu.memory_space<vmem>> -> memref<1x32xi32, #tpu.memory_space<vmem>>
          %dma_start3A_309 = tpu.memref_squeeze %dma_start3A_308 : memref<1x32xi32, #tpu.memory_space<vmem>> -> memref<32xi32, #tpu.memory_space<vmem>>
          %dma_start3A_310 = arith.constant 0 : i32
          %dma_start3A_311 = arith.constant 0 : i32
          %dma_start3A_312 = tpu.memref_slice %arg2[%dma_start3A_310, %dma_start3A_311] : memref<16384x128xf32, #tpu.memory_space<hbm>> -> memref<16384x128xf32, #tpu.memory_space<hbm>>
          tpu.enqueue_indirect_dma source(%dma_start3A_312 : memref<16384x128xf32, #tpu.memory_space<hbm>>) target(%dma_start3A_306 : memref<32x128xf32, #tpu.memory_space<vmem>>) offsets(%dma_start3A_309 : memref<32xi32, #tpu.memory_space<vmem>>) semaphore(%arg14 : memref<!tpu.dma_semaphore, #tpu.memory_space<semaphore_mem>>)
        } else {
        }
        %dma_wait3A = arith.constant 0 : i32
        %dma_wait3A_82 = arith.constant 0 : i32
        %dma_wait3A_83 = arith.constant 0 : i32
        %dma_wait3A_84 = tpu.memref_slice %arg13[%dma_wait3A_82, %dma_wait3A_83] : memref<128x128xf32, #tpu.memory_space<vmem>> -> memref<32x128xf32, #tpu.memory_space<vmem>>
        %dma_wait3A_85 = arith.constant 0 : i32
        %dma_wait3A_86 = tpu.memref_slice %arg11[%dma_wait3A, %dma_wait3A_85] : memref<4x32xi32, #tpu.memory_space<vmem>> -> memref<1x32xi32, #tpu.memory_space<vmem>>
        %dma_wait3A_87 = tpu.memref_squeeze %dma_wait3A_86 : memref<1x32xi32, #tpu.memory_space<vmem>> -> memref<32xi32, #tpu.memory_space<vmem>>
        %dma_wait3A_88 = arith.constant 0 : i32
        %dma_wait3A_89 = arith.constant 0 : i32
        %dma_wait3A_90 = tpu.memref_slice %arg2[%dma_wait3A_88, %dma_wait3A_89] : memref<16384x128xf32, #tpu.memory_space<hbm>> -> memref<16384x128xf32, #tpu.memory_space<hbm>>
        tpu.wait_indirect_dma semaphore(%arg15 : memref<!tpu.dma_semaphore, #tpu.memory_space<semaphore_mem>>) src(%dma_wait3A_90 : memref<16384x128xf32, #tpu.memory_space<hbm>>) dst(%dma_wait3A_84 : memref<32x128xf32, #tpu.memory_space<vmem>>)
        %dma_wait3A_91 = arith.constant 1 : i32
        %dma_wait3A_92 = arith.constant 32 : i32
        %dma_wait3A_93 = arith.constant 0 : i32
        %dma_wait3A_94 = tpu.memref_slice %arg13[%dma_wait3A_92, %dma_wait3A_93] : memref<128x128xf32, #tpu.memory_space<vmem>> -> memref<32x128xf32, #tpu.memory_space<vmem>>
        %dma_wait3A_95 = arith.constant 0 : i32
        %dma_wait3A_96 = tpu.memref_slice %arg11[%dma_wait3A_91, %dma_wait3A_95] : memref<4x32xi32, #tpu.memory_space<vmem>> -> memref<1x32xi32, #tpu.memory_space<vmem>>
        %dma_wait3A_97 = tpu.memref_squeeze %dma_wait3A_96 : memref<1x32xi32, #tpu.memory_space<vmem>> -> memref<32xi32, #tpu.memory_space<vmem>>
        %dma_wait3A_98 = arith.constant 0 : i32
        %dma_wait3A_99 = arith.constant 0 : i32
        %dma_wait3A_100 = tpu.memref_slice %arg2[%dma_wait3A_98, %dma_wait3A_99] : memref<16384x128xf32, #tpu.memory_space<hbm>> -> memref<16384x128xf32, #tpu.memory_space<hbm>>
        tpu.wait_indirect_dma semaphore(%arg15 : memref<!tpu.dma_semaphore, #tpu.memory_space<semaphore_mem>>) src(%dma_wait3A_100 : memref<16384x128xf32, #tpu.memory_space<hbm>>) dst(%dma_wait3A_94 : memref<32x128xf32, #tpu.memory_space<vmem>>)
        %dma_wait3A_101 = arith.constant 2 : i32
        %dma_wait3A_102 = arith.constant 64 : i32
        %dma_wait3A_103 = arith.constant 0 : i32
        %dma_wait3A_104 = tpu.memref_slice %arg13[%dma_wait3A_102, %dma_wait3A_103] : memref<128x128xf32, #tpu.memory_space<vmem>> -> memref<32x128xf32, #tpu.memory_space<vmem>>
        %dma_wait3A_105 = arith.constant 0 : i32
        %dma_wait3A_106 = tpu.memref_slice %arg11[%dma_wait3A_101, %dma_wait3A_105] : memref<4x32xi32, #tpu.memory_space<vmem>> -> memref<1x32xi32, #tpu.memory_space<vmem>>
        %dma_wait3A_107 = tpu.memref_squeeze %dma_wait3A_106 : memref<1x32xi32, #tpu.memory_space<vmem>> -> memref<32xi32, #tpu.memory_space<vmem>>
        %dma_wait3A_108 = arith.constant 0 : i32
        %dma_wait3A_109 = arith.constant 0 : i32
        %dma_wait3A_110 = tpu.memref_slice %arg2[%dma_wait3A_108, %dma_wait3A_109] : memref<16384x128xf32, #tpu.memory_space<hbm>> -> memref<16384x128xf32, #tpu.memory_space<hbm>>
        tpu.wait_indirect_dma semaphore(%arg15 : memref<!tpu.dma_semaphore, #tpu.memory_space<semaphore_mem>>) src(%dma_wait3A_110 : memref<16384x128xf32, #tpu.memory_space<hbm>>) dst(%dma_wait3A_104 : memref<32x128xf32, #tpu.memory_space<vmem>>)
        %dma_wait3A_111 = arith.constant 3 : i32
        %dma_wait3A_112 = arith.constant 96 : i32
        %dma_wait3A_113 = arith.constant 0 : i32
        %dma_wait3A_114 = tpu.memref_slice %arg13[%dma_wait3A_112, %dma_wait3A_113] : memref<128x128xf32, #tpu.memory_space<vmem>> -> memref<32x128xf32, #tpu.memory_space<vmem>>
        %dma_wait3A_115 = arith.constant 0 : i32
        %dma_wait3A_116 = tpu.memref_slice %arg11[%dma_wait3A_111, %dma_wait3A_115] : memref<4x32xi32, #tpu.memory_space<vmem>> -> memref<1x32xi32, #tpu.memory_space<vmem>>
        %dma_wait3A_117 = tpu.memref_squeeze %dma_wait3A_116 : memref<1x32xi32, #tpu.memory_space<vmem>> -> memref<32xi32, #tpu.memory_space<vmem>>
        %dma_wait3A_118 = arith.constant 0 : i32
        %dma_wait3A_119 = arith.constant 0 : i32
        %dma_wait3A_120 = tpu.memref_slice %arg2[%dma_wait3A_118, %dma_wait3A_119] : memref<16384x128xf32, #tpu.memory_space<hbm>> -> memref<16384x128xf32, #tpu.memory_space<hbm>>
        tpu.wait_indirect_dma semaphore(%arg15 : memref<!tpu.dma_semaphore, #tpu.memory_space<semaphore_mem>>) src(%dma_wait3A_120 : memref<16384x128xf32, #tpu.memory_space<hbm>>) dst(%dma_wait3A_114 : memref<32x128xf32, #tpu.memory_space<vmem>>)
        %add3A_121 = arith.constant 1 : i32
        %add3A_122 = arith.addi %mul3A_66, %add3A_121 : i32
        %mul3A_123 = arith.constant 128 : i32
        %mul3A_124 = arith.muli %add3A_122, %mul3A_123 : i32
        %sub3A_125 = arith.subi %scan3A_7, %mul3A_124 : i32
        %min3A = arith.constant 128 : i32
        %min3A_126 = arith.minsi %min3A, %sub3A_125 : i32
        %while3A_127 = arith.constant 0 : i32
        %while3A_128 = arith.constant 0 : i32
        %while3A_129 = arith.subi %min3A_126, %while3A_128 : i32
        %while3A_130 = arith.addi %while3A_128, %while3A_129 : i32
        %while3A_131 = arith.constant 1 : i32
        %while3A_132 = arith.divsi %while3A_129, %while3A_131 : i32
        %while3A_133 = arith.muli %while3A_132, %while3A_131 : i32
        %while3A_134 = arith.addi %while3A_128, %while3A_133 : i32
        %while3A_135 = arith.constant 1 : i32
        scf.for %while3A_137 = %while3A_128 to %while3A_134 step %while3A_135  : i32 {
          %add3A_138 = arith.addi %mul3A_124, %while3A_137 : i32
          %get3A = arith.index_cast %add3A_138 : i32 to index
          %get3A_139 = tpu.vector_load %arg8[%get3A] {strides = array<i32>} : memref<16512xi32, #tpu.memory_space<vmem>>, vector<16xi32>,
          %slice3A = vector.extract_strided_slice %get3A_139 {offsets = [0], sizes = [1], strides = [1]} : vector<16xi32> to vector<1xi32>
          %squeeze3A = vector.extract %slice3A[0] : i32 from vector<1xi32>
          %get3A_140 = arith.index_cast %squeeze3A : i32 to index
          %get3A_141 = arith.constant 0 : index
          %get3A_142 = tpu.vector_load %arg9[%get3A_140, %get3A_141] {strides = array<i32>} : memref<32x128xf32, #tpu.memory_space<vmem>>, vector<16xf32>,
          %get3A_143 = arith.index_cast %while3A_137 : i32 to index
          %get3A_144 = arith.constant 0 : index
          %get3A_145 = tpu.vector_load %arg13[%get3A_143, %get3A_144] {strides = array<i32>} : memref<128x128xf32, #tpu.memory_space<vmem>>, vector<16xf32>,
          %mul3A_146 = arith.constant 9.900000e-01 : f32
          %mul3A_147 = vector.broadcast %mul3A_146 : f32 to vector<16xf32>
          %mul3A_148 = arith.mulf %get3A_142, %mul3A_147 : vector<16xf32>
          %mul3A_149 = arith.constant 0.00999999977 : f32
          %mul3A_150 = vector.broadcast %mul3A_149 : f32 to vector<16xf32>
          %mul3A_151 = arith.mulf %get3A_145, %mul3A_150 : vector<16xf32>
          %add3A_152 = arith.addf %mul3A_148, %mul3A_151 : vector<16xf32>
          %mul3A_153 = arith.mulf %add3A_152, %add3A_152 : vector<16xf32>
          %get3A_154 = arith.index_cast %squeeze3A : i32 to index
          %get3A_155 = arith.constant 16 : index
          %get3A_156 = tpu.vector_load %arg9[%get3A_154, %get3A_155] {strides = array<i32>} : memref<32x128xf32, #tpu.memory_space<vmem>>, vector<16xf32>,
          %get3A_157 = arith.index_cast %while3A_137 : i32 to index
          %get3A_158 = arith.constant 16 : index
          %get3A_159 = tpu.vector_load %arg13[%get3A_157, %get3A_158] {strides = array<i32>} : memref<128x128xf32, #tpu.memory_space<vmem>>, vector<16xf32>,
          %mul3A_160 = arith.constant 9.900000e-01 : f32
          %mul3A_161 = vector.broadcast %mul3A_160 : f32 to vector<16xf32>
          %mul3A_162 = arith.mulf %get3A_156, %mul3A_161 : vector<16xf32>
          %mul3A_163 = arith.constant 0.00999999977 : f32
          %mul3A_164 = vector.broadcast %mul3A_163 : f32 to vector<16xf32>
          %mul3A_165 = arith.mulf %get3A_159, %mul3A_164 : vector<16xf32>
          %add3A_166 = arith.addf %mul3A_162, %mul3A_165 : vector<16xf32>
          %mul3A_167 = arith.mulf %add3A_166, %add3A_166 : vector<16xf32>
          %get3A_168 = arith.index_cast %squeeze3A : i32 to index
          %get3A_169 = arith.constant 32 : index
          %get3A_170 = tpu.vector_load %arg9[%get3A_168, %get3A_169] {strides = array<i32>} : memref<32x128xf32, #tpu.memory_space<vmem>>, vector<16xf32>,
          %get3A_171 = arith.index_cast %while3A_137 : i32 to index
          %get3A_172 = arith.constant 32 : index
          %get3A_173 = tpu.vector_load %arg13[%get3A_171, %get3A_172] {strides = array<i32>} : memref<128x128xf32, #tpu.memory_space<vmem>>, vector<16xf32>,
          %mul3A_174 = arith.constant 9.900000e-01 : f32
          %mul3A_175 = vector.broadcast %mul3A_174 : f32 to vector<16xf32>
          %mul3A_176 = arith.mulf %get3A_170, %mul3A_175 : vector<16xf32>
          %mul3A_177 = arith.constant 0.00999999977 : f32
          %mul3A_178 = vector.broadcast %mul3A_177 : f32 to vector<16xf32>
          %mul3A_179 = arith.mulf %get3A_173, %mul3A_178 : vector<16xf32>
          %add3A_180 = arith.addf %mul3A_176, %mul3A_179 : vector<16xf32>
          %mul3A_181 = arith.mulf %add3A_180, %add3A_180 : vector<16xf32>
          %get3A_182 = arith.index_cast %squeeze3A : i32 to index
          %get3A_183 = arith.constant 48 : index
          %get3A_184 = tpu.vector_load %arg9[%get3A_182, %get3A_183] {strides = array<i32>} : memref<32x128xf32, #tpu.memory_space<vmem>>, vector<16xf32>,
          %get3A_185 = arith.index_cast %while3A_137 : i32 to index
          %get3A_186 = arith.constant 48 : index
          %get3A_187 = tpu.vector_load %arg13[%get3A_185, %get3A_186] {strides = array<i32>} : memref<128x128xf32, #tpu.memory_space<vmem>>, vector<16xf32>,
          %mul3A_188 = arith.constant 9.900000e-01 : f32
          %mul3A_189 = vector.broadcast %mul3A_188 : f32 to vector<16xf32>
          %mul3A_190 = arith.mulf %get3A_184, %mul3A_189 : vector<16xf32>
          %mul3A_191 = arith.constant 0.00999999977 : f32
          %mul3A_192 = vector.broadcast %mul3A_191 : f32 to vector<16xf32>
          %mul3A_193 = arith.mulf %get3A_187, %mul3A_192 : vector<16xf32>
          %add3A_194 = arith.addf %mul3A_190, %mul3A_193 : vector<16xf32>
          %mul3A_195 = arith.mulf %add3A_194, %add3A_194 : vector<16xf32>
          %get3A_196 = arith.index_cast %squeeze3A : i32 to index
          %get3A_197 = arith.constant 64 : index
          %get3A_198 = tpu.vector_load %arg9[%get3A_196, %get3A_197] {strides = array<i32>} : memref<32x128xf32, #tpu.memory_space<vmem>>, vector<16xf32>,
          %get3A_199 = arith.index_cast %while3A_137 : i32 to index
          %get3A_200 = arith.constant 64 : index
          %get3A_201 = tpu.vector_load %arg13[%get3A_199, %get3A_200] {strides = array<i32>} : memref<128x128xf32, #tpu.memory_space<vmem>>, vector<16xf32>,
          %mul3A_202 = arith.constant 9.900000e-01 : f32
          %mul3A_203 = vector.broadcast %mul3A_202 : f32 to vector<16xf32>
          %mul3A_204 = arith.mulf %get3A_198, %mul3A_203 : vector<16xf32>
          %mul3A_205 = arith.constant 0.00999999977 : f32
          %mul3A_206 = vector.broadcast %mul3A_205 : f32 to vector<16xf32>
          %mul3A_207 = arith.mulf %get3A_201, %mul3A_206 : vector<16xf32>
          %add3A_208 = arith.addf %mul3A_204, %mul3A_207 : vector<16xf32>
          %mul3A_209 = arith.mulf %add3A_208, %add3A_208 : vector<16xf32>
          %get3A_210 = arith.index_cast %squeeze3A : i32 to index
          %get3A_211 = arith.constant 80 : index
          %get3A_212 = tpu.vector_load %arg9[%get3A_210, %get3A_211] {strides = array<i32>} : memref<32x128xf32, #tpu.memory_space<vmem>>, vector<16xf32>,
          %get3A_213 = arith.index_cast %while3A_137 : i32 to index
          %get3A_214 = arith.constant 80 : index
          %get3A_215 = tpu.vector_load %arg13[%get3A_213, %get3A_214] {strides = array<i32>} : memref<128x128xf32, #tpu.memory_space<vmem>>, vector<16xf32>,
          %mul3A_216 = arith.constant 9.900000e-01 : f32
          %mul3A_217 = vector.broadcast %mul3A_216 : f32 to vector<16xf32>
          %mul3A_218 = arith.mulf %get3A_212, %mul3A_217 : vector<16xf32>
          %mul3A_219 = arith.constant 0.00999999977 : f32
          %mul3A_220 = vector.broadcast %mul3A_219 : f32 to vector<16xf32>
          %mul3A_221 = arith.mulf %get3A_215, %mul3A_220 : vector<16xf32>
          %add3A_222 = arith.addf %mul3A_218, %mul3A_221 : vector<16xf32>
          %mul3A_223 = arith.mulf %add3A_222, %add3A_222 : vector<16xf32>
          %get3A_224 = arith.index_cast %squeeze3A : i32 to index
          %get3A_225 = arith.constant 96 : index
          %get3A_226 = tpu.vector_load %arg9[%get3A_224, %get3A_225] {strides = array<i32>} : memref<32x128xf32, #tpu.memory_space<vmem>>, vector<16xf32>,
          %get3A_227 = arith.index_cast %while3A_137 : i32 to index
          %get3A_228 = arith.constant 96 : index
          %get3A_229 = tpu.vector_load %arg13[%get3A_227, %get3A_228] {strides = array<i32>} : memref<128x128xf32, #tpu.memory_space<vmem>>, vector<16xf32>,
          %mul3A_230 = arith.constant 9.900000e-01 : f32
          %mul3A_231 = vector.broadcast %mul3A_230 : f32 to vector<16xf32>
          %mul3A_232 = arith.mulf %get3A_226, %mul3A_231 : vector<16xf32>
          %mul3A_233 = arith.constant 0.00999999977 : f32
          %mul3A_234 = vector.broadcast %mul3A_233 : f32 to vector<16xf32>
          %mul3A_235 = arith.mulf %get3A_229, %mul3A_234 : vector<16xf32>
          %add3A_236 = arith.addf %mul3A_232, %mul3A_235 : vector<16xf32>
          %mul3A_237 = arith.mulf %add3A_236, %add3A_236 : vector<16xf32>
          %get3A_238 = arith.index_cast %squeeze3A : i32 to index
          %get3A_239 = arith.constant 112 : index
          %get3A_240 = tpu.vector_load %arg9[%get3A_238, %get3A_239] {strides = array<i32>} : memref<32x128xf32, #tpu.memory_space<vmem>>, vector<16xf32>,
          %get3A_241 = arith.index_cast %while3A_137 : i32 to index
          %get3A_242 = arith.constant 112 : index
          %get3A_243 = tpu.vector_load %arg13[%get3A_241, %get3A_242] {strides = array<i32>} : memref<128x128xf32, #tpu.memory_space<vmem>>, vector<16xf32>,
          %mul3A_244 = arith.constant 9.900000e-01 : f32
          %mul3A_245 = vector.broadcast %mul3A_244 : f32 to vector<16xf32>
          %mul3A_246 = arith.mulf %get3A_240, %mul3A_245 : vector<16xf32>
          %mul3A_247 = arith.constant 0.00999999977 : f32
          %mul3A_248 = vector.broadcast %mul3A_247 : f32 to vector<16xf32>
          %mul3A_249 = arith.mulf %get3A_243, %mul3A_248 : vector<16xf32>
          %add3A_250 = arith.addf %mul3A_246, %mul3A_249 : vector<16xf32>
          %mul3A_251 = arith.mulf %add3A_250, %add3A_250 : vector<16xf32>
          %add3A_252 = arith.addf %mul3A_153, %mul3A_167 : vector<16xf32>
          %add3A_253 = arith.addf %mul3A_181, %mul3A_195 : vector<16xf32>
          %add3A_254 = arith.addf %mul3A_209, %mul3A_223 : vector<16xf32>
          %add3A_255 = arith.addf %mul3A_237, %mul3A_251 : vector<16xf32>
          %add3A_256 = arith.addf %add3A_252, %add3A_253 : vector<16xf32>
          %add3A_257 = arith.addf %add3A_254, %add3A_255 : vector<16xf32>
          %add3A_258 = arith.addf %add3A_256, %add3A_257 : vector<16xf32>
          %reduce_sum3A = arith.constant true
          %reduce_sum3A_259 = vector.broadcast %reduce_sum3A : i1 to vector<16xi1>
          %reduce_sum3A_260 = tpu.scan <sum>, %add3A_258 masked %reduce_sum3A_259 : vector<16xf32>, vector<16xi1> -> vector<16xf32>
          %reduce_sum3A_261 = vector.extract %reduce_sum3A_260[15] : f32 from vector<16xf32>
          %max3A = arith.constant 1.000000e-24 : f32
          %max3A_262 = arith.maximumf %reduce_sum3A_261, %max3A : f32
          %bitcast_convert_type3A = arith.bitcast %max3A_262 : f32 to i32
          %shift_right_logical3A = arith.constant 1 : i32
          %shift_right_logical3A_263 = arith.shrui %bitcast_convert_type3A, %shift_right_logical3A : i32
          %sub3A_264 = arith.constant 1597463007 : i32
          %sub3A_265 = arith.subi %sub3A_264, %shift_right_logical3A_263 : i32
          %bitcast_convert_type3A_266 = arith.bitcast %sub3A_265 : i32 to f32
          %mul3A_267 = arith.constant 5.000000e-01 : f32
          %mul3A_268 = arith.mulf %mul3A_267, %max3A_262 : f32
          %mul3A_269 = arith.mulf %mul3A_268, %bitcast_convert_type3A_266 : f32
          %mul3A_270 = arith.mulf %mul3A_269, %bitcast_convert_type3A_266 : f32
          %sub3A_271 = arith.constant 1.500000e+00 : f32
          %sub3A_272 = arith.subf %sub3A_271, %mul3A_270 : f32
          %mul3A_273 = arith.mulf %bitcast_convert_type3A_266, %sub3A_272 : f32
          %mul3A_274 = arith.constant 5.000000e-01 : f32
          %mul3A_275 = arith.mulf %mul3A_274, %max3A_262 : f32
          %mul3A_276 = arith.mulf %mul3A_275, %mul3A_273 : f32
          %mul3A_277 = arith.mulf %mul3A_276, %mul3A_273 : f32
          %sub3A_278 = arith.constant 1.500000e+00 : f32
          %sub3A_279 = arith.subf %sub3A_278, %mul3A_277 : f32
          %mul3A_280 = arith.mulf %mul3A_273, %sub3A_279 : f32
          %mul3A_281 = arith.constant 5.000000e-01 : f32
          %mul3A_282 = arith.mulf %mul3A_281, %max3A_262 : f32
          %mul3A_283 = arith.mulf %mul3A_282, %mul3A_280 : f32
          %mul3A_284 = arith.mulf %mul3A_283, %mul3A_280 : f32
          %sub3A_285 = arith.constant 1.500000e+00 : f32
          %sub3A_286 = arith.subf %sub3A_285, %mul3A_284 : f32
          %mul3A_287 = arith.mulf %mul3A_280, %sub3A_286 : f32
          %mul3A_288 = vector.broadcast %mul3A_287 : f32 to vector<16xf32>
          %mul3A_289 = arith.mulf %add3A_152, %mul3A_288 : vector<16xf32>
          %swap3A = arith.index_cast %squeeze3A : i32 to index
          %swap3A_290 = arith.constant 0 : index
          %swap3A_291 = tpu.vector_load %arg9[%swap3A, %swap3A_290] {strides = array<i32>} : memref<32x128xf32, #tpu.memory_space<vmem>>, vector<16xf32>,
          tpu.vector_store %arg9[%swap3A, %swap3A_290], %mul3A_289 {strides = array<i32>} : memref<32x128xf32, #tpu.memory_space<vmem>>, vector<16xf32>,
          %mul3A_292 = vector.broadcast %mul3A_287 : f32 to vector<16xf32>
          %mul3A_293 = arith.mulf %add3A_166, %mul3A_292 : vector<16xf32>
          %swap3A_294 = arith.index_cast %squeeze3A : i32 to index
          %swap3A_295 = arith.constant 16 : index
          %swap3A_296 = tpu.vector_load %arg9[%swap3A_294, %swap3A_295] {strides = array<i32>} : memref<32x128xf32, #tpu.memory_space<vmem>>, vector<16xf32>,
          tpu.vector_store %arg9[%swap3A_294, %swap3A_295], %mul3A_293 {strides = array<i32>} : memref<32x128xf32, #tpu.memory_space<vmem>>, vector<16xf32>,
          %mul3A_297 = vector.broadcast %mul3A_287 : f32 to vector<16xf32>
          %mul3A_298 = arith.mulf %add3A_180, %mul3A_297 : vector<16xf32>
          %swap3A_299 = arith.index_cast %squeeze3A : i32 to index
          %swap3A_300 = arith.constant 32 : index
          %swap3A_301 = tpu.vector_load %arg9[%swap3A_299, %swap3A_300] {strides = array<i32>} : memref<32x128xf32, #tpu.memory_space<vmem>>, vector<16xf32>,
          tpu.vector_store %arg9[%swap3A_299, %swap3A_300], %mul3A_298 {strides = array<i32>} : memref<32x128xf32, #tpu.memory_space<vmem>>, vector<16xf32>,
          %mul3A_302 = vector.broadcast %mul3A_287 : f32 to vector<16xf32>
          %mul3A_303 = arith.mulf %add3A_194, %mul3A_302 : vector<16xf32>
          %swap3A_304 = arith.index_cast %squeeze3A : i32 to index
          %swap3A_305 = arith.constant 48 : index
          %swap3A_306 = tpu.vector_load %arg9[%swap3A_304, %swap3A_305] {strides = array<i32>} : memref<32x128xf32, #tpu.memory_space<vmem>>, vector<16xf32>,
          tpu.vector_store %arg9[%swap3A_304, %swap3A_305], %mul3A_303 {strides = array<i32>} : memref<32x128xf32, #tpu.memory_space<vmem>>, vector<16xf32>,
          %mul3A_307 = vector.broadcast %mul3A_287 : f32 to vector<16xf32>
          %mul3A_308 = arith.mulf %add3A_208, %mul3A_307 : vector<16xf32>
          %swap3A_309 = arith.index_cast %squeeze3A : i32 to index
          %swap3A_310 = arith.constant 64 : index
          %swap3A_311 = tpu.vector_load %arg9[%swap3A_309, %swap3A_310] {strides = array<i32>} : memref<32x128xf32, #tpu.memory_space<vmem>>, vector<16xf32>,
          tpu.vector_store %arg9[%swap3A_309, %swap3A_310], %mul3A_308 {strides = array<i32>} : memref<32x128xf32, #tpu.memory_space<vmem>>, vector<16xf32>,
          %mul3A_312 = vector.broadcast %mul3A_287 : f32 to vector<16xf32>
          %mul3A_313 = arith.mulf %add3A_222, %mul3A_312 : vector<16xf32>
          %swap3A_314 = arith.index_cast %squeeze3A : i32 to index
          %swap3A_315 = arith.constant 80 : index
          %swap3A_316 = tpu.vector_load %arg9[%swap3A_314, %swap3A_315] {strides = array<i32>} : memref<32x128xf32, #tpu.memory_space<vmem>>, vector<16xf32>,
          tpu.vector_store %arg9[%swap3A_314, %swap3A_315], %mul3A_313 {strides = array<i32>} : memref<32x128xf32, #tpu.memory_space<vmem>>, vector<16xf32>,
          %mul3A_317 = vector.broadcast %mul3A_287 : f32 to vector<16xf32>
          %mul3A_318 = arith.mulf %add3A_236, %mul3A_317 : vector<16xf32>
          %swap3A_319 = arith.index_cast %squeeze3A : i32 to index
          %swap3A_320 = arith.constant 96 : index
          %swap3A_321 = tpu.vector_load %arg9[%swap3A_319, %swap3A_320] {strides = array<i32>} : memref<32x128xf32, #tpu.memory_space<vmem>>, vector<16xf32>,
          tpu.vector_store %arg9[%swap3A_319, %swap3A_320], %mul3A_318 {strides = array<i32>} : memref<32x128xf32, #tpu.memory_space<vmem>>, vector<16xf32>,
          %mul3A_322 = vector.broadcast %mul3A_287 : f32 to vector<16xf32>
          %mul3A_323 = arith.mulf %add3A_250, %mul3A_322 : vector<16xf32>
          %swap3A_324 = arith.index_cast %squeeze3A : i32 to index
          %swap3A_325 = arith.constant 112 : index
          %swap3A_326 = tpu.vector_load %arg9[%swap3A_324, %swap3A_325] {strides = array<i32>} : memref<32x128xf32, #tpu.memory_space<vmem>>, vector<16xf32>,
          tpu.vector_store %arg9[%swap3A_324, %swap3A_325], %mul3A_323 {strides = array<i32>} : memref<32x128xf32, #tpu.memory_space<vmem>>, vector<16xf32>,
        }
        %while3A_136 = arith.constant 1 : i32
        scf.for %while3A_137 = %while3A_134 to %while3A_130 step %while3A_136  : i32 {
          %add3A_138 = arith.addi %mul3A_124, %while3A_137 : i32
          %get3A = arith.index_cast %add3A_138 : i32 to index
          %get3A_139 = tpu.vector_load %arg8[%get3A] {strides = array<i32>} : memref<16512xi32, #tpu.memory_space<vmem>>, vector<16xi32>,
          %slice3A = vector.extract_strided_slice %get3A_139 {offsets = [0], sizes = [1], strides = [1]} : vector<16xi32> to vector<1xi32>
          %squeeze3A = vector.extract %slice3A[0] : i32 from vector<1xi32>
          %get3A_140 = arith.index_cast %squeeze3A : i32 to index
          %get3A_141 = arith.constant 0 : index
          %get3A_142 = tpu.vector_load %arg9[%get3A_140, %get3A_141] {strides = array<i32>} : memref<32x128xf32, #tpu.memory_space<vmem>>, vector<16xf32>,
          %get3A_143 = arith.index_cast %while3A_137 : i32 to index
          %get3A_144 = arith.constant 0 : index
          %get3A_145 = tpu.vector_load %arg13[%get3A_143, %get3A_144] {strides = array<i32>} : memref<128x128xf32, #tpu.memory_space<vmem>>, vector<16xf32>,
          %mul3A_146 = arith.constant 9.900000e-01 : f32
          %mul3A_147 = vector.broadcast %mul3A_146 : f32 to vector<16xf32>
          %mul3A_148 = arith.mulf %get3A_142, %mul3A_147 : vector<16xf32>
          %mul3A_149 = arith.constant 0.00999999977 : f32
          %mul3A_150 = vector.broadcast %mul3A_149 : f32 to vector<16xf32>
          %mul3A_151 = arith.mulf %get3A_145, %mul3A_150 : vector<16xf32>
          %add3A_152 = arith.addf %mul3A_148, %mul3A_151 : vector<16xf32>
          %mul3A_153 = arith.mulf %add3A_152, %add3A_152 : vector<16xf32>
          %get3A_154 = arith.index_cast %squeeze3A : i32 to index
          %get3A_155 = arith.constant 16 : index
          %get3A_156 = tpu.vector_load %arg9[%get3A_154, %get3A_155] {strides = array<i32>} : memref<32x128xf32, #tpu.memory_space<vmem>>, vector<16xf32>,
          %get3A_157 = arith.index_cast %while3A_137 : i32 to index
          %get3A_158 = arith.constant 16 : index
          %get3A_159 = tpu.vector_load %arg13[%get3A_157, %get3A_158] {strides = array<i32>} : memref<128x128xf32, #tpu.memory_space<vmem>>, vector<16xf32>,
          %mul3A_160 = arith.constant 9.900000e-01 : f32
          %mul3A_161 = vector.broadcast %mul3A_160 : f32 to vector<16xf32>
          %mul3A_162 = arith.mulf %get3A_156, %mul3A_161 : vector<16xf32>
          %mul3A_163 = arith.constant 0.00999999977 : f32
          %mul3A_164 = vector.broadcast %mul3A_163 : f32 to vector<16xf32>
          %mul3A_165 = arith.mulf %get3A_159, %mul3A_164 : vector<16xf32>
          %add3A_166 = arith.addf %mul3A_162, %mul3A_165 : vector<16xf32>
          %mul3A_167 = arith.mulf %add3A_166, %add3A_166 : vector<16xf32>
          %get3A_168 = arith.index_cast %squeeze3A : i32 to index
          %get3A_169 = arith.constant 32 : index
          %get3A_170 = tpu.vector_load %arg9[%get3A_168, %get3A_169] {strides = array<i32>} : memref<32x128xf32, #tpu.memory_space<vmem>>, vector<16xf32>,
          %get3A_171 = arith.index_cast %while3A_137 : i32 to index
          %get3A_172 = arith.constant 32 : index
          %get3A_173 = tpu.vector_load %arg13[%get3A_171, %get3A_172] {strides = array<i32>} : memref<128x128xf32, #tpu.memory_space<vmem>>, vector<16xf32>,
          %mul3A_174 = arith.constant 9.900000e-01 : f32
          %mul3A_175 = vector.broadcast %mul3A_174 : f32 to vector<16xf32>
          %mul3A_176 = arith.mulf %get3A_170, %mul3A_175 : vector<16xf32>
          %mul3A_177 = arith.constant 0.00999999977 : f32
          %mul3A_178 = vector.broadcast %mul3A_177 : f32 to vector<16xf32>
          %mul3A_179 = arith.mulf %get3A_173, %mul3A_178 : vector<16xf32>
          %add3A_180 = arith.addf %mul3A_176, %mul3A_179 : vector<16xf32>
          %mul3A_181 = arith.mulf %add3A_180, %add3A_180 : vector<16xf32>
          %get3A_182 = arith.index_cast %squeeze3A : i32 to index
          %get3A_183 = arith.constant 48 : index
          %get3A_184 = tpu.vector_load %arg9[%get3A_182, %get3A_183] {strides = array<i32>} : memref<32x128xf32, #tpu.memory_space<vmem>>, vector<16xf32>,
          %get3A_185 = arith.index_cast %while3A_137 : i32 to index
          %get3A_186 = arith.constant 48 : index
          %get3A_187 = tpu.vector_load %arg13[%get3A_185, %get3A_186] {strides = array<i32>} : memref<128x128xf32, #tpu.memory_space<vmem>>, vector<16xf32>,
          %mul3A_188 = arith.constant 9.900000e-01 : f32
          %mul3A_189 = vector.broadcast %mul3A_188 : f32 to vector<16xf32>
          %mul3A_190 = arith.mulf %get3A_184, %mul3A_189 : vector<16xf32>
          %mul3A_191 = arith.constant 0.00999999977 : f32
          %mul3A_192 = vector.broadcast %mul3A_191 : f32 to vector<16xf32>
          %mul3A_193 = arith.mulf %get3A_187, %mul3A_192 : vector<16xf32>
          %add3A_194 = arith.addf %mul3A_190, %mul3A_193 : vector<16xf32>
          %mul3A_195 = arith.mulf %add3A_194, %add3A_194 : vector<16xf32>
          %get3A_196 = arith.index_cast %squeeze3A : i32 to index
          %get3A_197 = arith.constant 64 : index
          %get3A_198 = tpu.vector_load %arg9[%get3A_196, %get3A_197] {strides = array<i32>} : memref<32x128xf32, #tpu.memory_space<vmem>>, vector<16xf32>,
          %get3A_199 = arith.index_cast %while3A_137 : i32 to index
          %get3A_200 = arith.constant 64 : index
          %get3A_201 = tpu.vector_load %arg13[%get3A_199, %get3A_200] {strides = array<i32>} : memref<128x128xf32, #tpu.memory_space<vmem>>, vector<16xf32>,
          %mul3A_202 = arith.constant 9.900000e-01 : f32
          %mul3A_203 = vector.broadcast %mul3A_202 : f32 to vector<16xf32>
          %mul3A_204 = arith.mulf %get3A_198, %mul3A_203 : vector<16xf32>
          %mul3A_205 = arith.constant 0.00999999977 : f32
          %mul3A_206 = vector.broadcast %mul3A_205 : f32 to vector<16xf32>
          %mul3A_207 = arith.mulf %get3A_201, %mul3A_206 : vector<16xf32>
          %add3A_208 = arith.addf %mul3A_204, %mul3A_207 : vector<16xf32>
          %mul3A_209 = arith.mulf %add3A_208, %add3A_208 : vector<16xf32>
          %get3A_210 = arith.index_cast %squeeze3A : i32 to index
          %get3A_211 = arith.constant 80 : index
          %get3A_212 = tpu.vector_load %arg9[%get3A_210, %get3A_211] {strides = array<i32>} : memref<32x128xf32, #tpu.memory_space<vmem>>, vector<16xf32>,
          %get3A_213 = arith.index_cast %while3A_137 : i32 to index
          %get3A_214 = arith.constant 80 : index
          %get3A_215 = tpu.vector_load %arg13[%get3A_213, %get3A_214] {strides = array<i32>} : memref<128x128xf32, #tpu.memory_space<vmem>>, vector<16xf32>,
          %mul3A_216 = arith.constant 9.900000e-01 : f32
          %mul3A_217 = vector.broadcast %mul3A_216 : f32 to vector<16xf32>
          %mul3A_218 = arith.mulf %get3A_212, %mul3A_217 : vector<16xf32>
          %mul3A_219 = arith.constant 0.00999999977 : f32
          %mul3A_220 = vector.broadcast %mul3A_219 : f32 to vector<16xf32>
          %mul3A_221 = arith.mulf %get3A_215, %mul3A_220 : vector<16xf32>
          %add3A_222 = arith.addf %mul3A_218, %mul3A_221 : vector<16xf32>
          %mul3A_223 = arith.mulf %add3A_222, %add3A_222 : vector<16xf32>
          %get3A_224 = arith.index_cast %squeeze3A : i32 to index
          %get3A_225 = arith.constant 96 : index
          %get3A_226 = tpu.vector_load %arg9[%get3A_224, %get3A_225] {strides = array<i32>} : memref<32x128xf32, #tpu.memory_space<vmem>>, vector<16xf32>,
          %get3A_227 = arith.index_cast %while3A_137 : i32 to index
          %get3A_228 = arith.constant 96 : index
          %get3A_229 = tpu.vector_load %arg13[%get3A_227, %get3A_228] {strides = array<i32>} : memref<128x128xf32, #tpu.memory_space<vmem>>, vector<16xf32>,
          %mul3A_230 = arith.constant 9.900000e-01 : f32
          %mul3A_231 = vector.broadcast %mul3A_230 : f32 to vector<16xf32>
          %mul3A_232 = arith.mulf %get3A_226, %mul3A_231 : vector<16xf32>
          %mul3A_233 = arith.constant 0.00999999977 : f32
          %mul3A_234 = vector.broadcast %mul3A_233 : f32 to vector<16xf32>
          %mul3A_235 = arith.mulf %get3A_229, %mul3A_234 : vector<16xf32>
          %add3A_236 = arith.addf %mul3A_232, %mul3A_235 : vector<16xf32>
          %mul3A_237 = arith.mulf %add3A_236, %add3A_236 : vector<16xf32>
          %get3A_238 = arith.index_cast %squeeze3A : i32 to index
          %get3A_239 = arith.constant 112 : index
          %get3A_240 = tpu.vector_load %arg9[%get3A_238, %get3A_239] {strides = array<i32>} : memref<32x128xf32, #tpu.memory_space<vmem>>, vector<16xf32>,
          %get3A_241 = arith.index_cast %while3A_137 : i32 to index
          %get3A_242 = arith.constant 112 : index
          %get3A_243 = tpu.vector_load %arg13[%get3A_241, %get3A_242] {strides = array<i32>} : memref<128x128xf32, #tpu.memory_space<vmem>>, vector<16xf32>,
          %mul3A_244 = arith.constant 9.900000e-01 : f32
          %mul3A_245 = vector.broadcast %mul3A_244 : f32 to vector<16xf32>
          %mul3A_246 = arith.mulf %get3A_240, %mul3A_245 : vector<16xf32>
          %mul3A_247 = arith.constant 0.00999999977 : f32
          %mul3A_248 = vector.broadcast %mul3A_247 : f32 to vector<16xf32>
          %mul3A_249 = arith.mulf %get3A_243, %mul3A_248 : vector<16xf32>
          %add3A_250 = arith.addf %mul3A_246, %mul3A_249 : vector<16xf32>
          %mul3A_251 = arith.mulf %add3A_250, %add3A_250 : vector<16xf32>
          %add3A_252 = arith.addf %mul3A_153, %mul3A_167 : vector<16xf32>
          %add3A_253 = arith.addf %mul3A_181, %mul3A_195 : vector<16xf32>
          %add3A_254 = arith.addf %mul3A_209, %mul3A_223 : vector<16xf32>
          %add3A_255 = arith.addf %mul3A_237, %mul3A_251 : vector<16xf32>
          %add3A_256 = arith.addf %add3A_252, %add3A_253 : vector<16xf32>
          %add3A_257 = arith.addf %add3A_254, %add3A_255 : vector<16xf32>
          %add3A_258 = arith.addf %add3A_256, %add3A_257 : vector<16xf32>
          %reduce_sum3A = arith.constant true
          %reduce_sum3A_259 = vector.broadcast %reduce_sum3A : i1 to vector<16xi1>
          %reduce_sum3A_260 = tpu.scan <sum>, %add3A_258 masked %reduce_sum3A_259 : vector<16xf32>, vector<16xi1> -> vector<16xf32>
          %reduce_sum3A_261 = vector.extract %reduce_sum3A_260[15] : f32 from vector<16xf32>
          %max3A = arith.constant 1.000000e-24 : f32
          %max3A_262 = arith.maximumf %reduce_sum3A_261, %max3A : f32
          %bitcast_convert_type3A = arith.bitcast %max3A_262 : f32 to i32
          %shift_right_logical3A = arith.constant 1 : i32
          %shift_right_logical3A_263 = arith.shrui %bitcast_convert_type3A, %shift_right_logical3A : i32
          %sub3A_264 = arith.constant 1597463007 : i32
          %sub3A_265 = arith.subi %sub3A_264, %shift_right_logical3A_263 : i32
          %bitcast_convert_type3A_266 = arith.bitcast %sub3A_265 : i32 to f32
          %mul3A_267 = arith.constant 5.000000e-01 : f32
          %mul3A_268 = arith.mulf %mul3A_267, %max3A_262 : f32
          %mul3A_269 = arith.mulf %mul3A_268, %bitcast_convert_type3A_266 : f32
          %mul3A_270 = arith.mulf %mul3A_269, %bitcast_convert_type3A_266 : f32
          %sub3A_271 = arith.constant 1.500000e+00 : f32
          %sub3A_272 = arith.subf %sub3A_271, %mul3A_270 : f32
          %mul3A_273 = arith.mulf %bitcast_convert_type3A_266, %sub3A_272 : f32
          %mul3A_274 = arith.constant 5.000000e-01 : f32
          %mul3A_275 = arith.mulf %mul3A_274, %max3A_262 : f32
          %mul3A_276 = arith.mulf %mul3A_275, %mul3A_273 : f32
          %mul3A_277 = arith.mulf %mul3A_276, %mul3A_273 : f32
          %sub3A_278 = arith.constant 1.500000e+00 : f32
          %sub3A_279 = arith.subf %sub3A_278, %mul3A_277 : f32
          %mul3A_280 = arith.mulf %mul3A_273, %sub3A_279 : f32
          %mul3A_281 = arith.constant 5.000000e-01 : f32
          %mul3A_282 = arith.mulf %mul3A_281, %max3A_262 : f32
          %mul3A_283 = arith.mulf %mul3A_282, %mul3A_280 : f32
          %mul3A_284 = arith.mulf %mul3A_283, %mul3A_280 : f32
          %sub3A_285 = arith.constant 1.500000e+00 : f32
          %sub3A_286 = arith.subf %sub3A_285, %mul3A_284 : f32
          %mul3A_287 = arith.mulf %mul3A_280, %sub3A_286 : f32
          %mul3A_288 = vector.broadcast %mul3A_287 : f32 to vector<16xf32>
          %mul3A_289 = arith.mulf %add3A_152, %mul3A_288 : vector<16xf32>
          %swap3A = arith.index_cast %squeeze3A : i32 to index
          %swap3A_290 = arith.constant 0 : index
          %swap3A_291 = tpu.vector_load %arg9[%swap3A, %swap3A_290] {strides = array<i32>} : memref<32x128xf32, #tpu.memory_space<vmem>>, vector<16xf32>,
          tpu.vector_store %arg9[%swap3A, %swap3A_290], %mul3A_289 {strides = array<i32>} : memref<32x128xf32, #tpu.memory_space<vmem>>, vector<16xf32>,
          %mul3A_292 = vector.broadcast %mul3A_287 : f32 to vector<16xf32>
          %mul3A_293 = arith.mulf %add3A_166, %mul3A_292 : vector<16xf32>
          %swap3A_294 = arith.index_cast %squeeze3A : i32 to index
          %swap3A_295 = arith.constant 16 : index
          %swap3A_296 = tpu.vector_load %arg9[%swap3A_294, %swap3A_295] {strides = array<i32>} : memref<32x128xf32, #tpu.memory_space<vmem>>, vector<16xf32>,
          tpu.vector_store %arg9[%swap3A_294, %swap3A_295], %mul3A_293 {strides = array<i32>} : memref<32x128xf32, #tpu.memory_space<vmem>>, vector<16xf32>,
          %mul3A_297 = vector.broadcast %mul3A_287 : f32 to vector<16xf32>
          %mul3A_298 = arith.mulf %add3A_180, %mul3A_297 : vector<16xf32>
          %swap3A_299 = arith.index_cast %squeeze3A : i32 to index
          %swap3A_300 = arith.constant 32 : index
          %swap3A_301 = tpu.vector_load %arg9[%swap3A_299, %swap3A_300] {strides = array<i32>} : memref<32x128xf32, #tpu.memory_space<vmem>>, vector<16xf32>,
          tpu.vector_store %arg9[%swap3A_299, %swap3A_300], %mul3A_298 {strides = array<i32>} : memref<32x128xf32, #tpu.memory_space<vmem>>, vector<16xf32>,
          %mul3A_302 = vector.broadcast %mul3A_287 : f32 to vector<16xf32>
          %mul3A_303 = arith.mulf %add3A_194, %mul3A_302 : vector<16xf32>
          %swap3A_304 = arith.index_cast %squeeze3A : i32 to index
          %swap3A_305 = arith.constant 48 : index
          %swap3A_306 = tpu.vector_load %arg9[%swap3A_304, %swap3A_305] {strides = array<i32>} : memref<32x128xf32, #tpu.memory_space<vmem>>, vector<16xf32>,
          tpu.vector_store %arg9[%swap3A_304, %swap3A_305], %mul3A_303 {strides = array<i32>} : memref<32x128xf32, #tpu.memory_space<vmem>>, vector<16xf32>,
          %mul3A_307 = vector.broadcast %mul3A_287 : f32 to vector<16xf32>
          %mul3A_308 = arith.mulf %add3A_208, %mul3A_307 : vector<16xf32>
          %swap3A_309 = arith.index_cast %squeeze3A : i32 to index
          %swap3A_310 = arith.constant 64 : index
          %swap3A_311 = tpu.vector_load %arg9[%swap3A_309, %swap3A_310] {strides = array<i32>} : memref<32x128xf32, #tpu.memory_space<vmem>>, vector<16xf32>,
          tpu.vector_store %arg9[%swap3A_309, %swap3A_310], %mul3A_308 {strides = array<i32>} : memref<32x128xf32, #tpu.memory_space<vmem>>, vector<16xf32>,
          %mul3A_312 = vector.broadcast %mul3A_287 : f32 to vector<16xf32>
          %mul3A_313 = arith.mulf %add3A_222, %mul3A_312 : vector<16xf32>
          %swap3A_314 = arith.index_cast %squeeze3A : i32 to index
          %swap3A_315 = arith.constant 80 : index
          %swap3A_316 = tpu.vector_load %arg9[%swap3A_314, %swap3A_315] {strides = array<i32>} : memref<32x128xf32, #tpu.memory_space<vmem>>, vector<16xf32>,
          tpu.vector_store %arg9[%swap3A_314, %swap3A_315], %mul3A_313 {strides = array<i32>} : memref<32x128xf32, #tpu.memory_space<vmem>>, vector<16xf32>,
          %mul3A_317 = vector.broadcast %mul3A_287 : f32 to vector<16xf32>
          %mul3A_318 = arith.mulf %add3A_236, %mul3A_317 : vector<16xf32>
          %swap3A_319 = arith.index_cast %squeeze3A : i32 to index
          %swap3A_320 = arith.constant 96 : index
          %swap3A_321 = tpu.vector_load %arg9[%swap3A_319, %swap3A_320] {strides = array<i32>} : memref<32x128xf32, #tpu.memory_space<vmem>>, vector<16xf32>,
          tpu.vector_store %arg9[%swap3A_319, %swap3A_320], %mul3A_318 {strides = array<i32>} : memref<32x128xf32, #tpu.memory_space<vmem>>, vector<16xf32>,
          %mul3A_322 = vector.broadcast %mul3A_287 : f32 to vector<16xf32>
          %mul3A_323 = arith.mulf %add3A_250, %mul3A_322 : vector<16xf32>
          %swap3A_324 = arith.index_cast %squeeze3A : i32 to index
          %swap3A_325 = arith.constant 112 : index
          %swap3A_326 = tpu.vector_load %arg9[%swap3A_324, %swap3A_325] {strides = array<i32>} : memref<32x128xf32, #tpu.memory_space<vmem>>, vector<16xf32>,
          tpu.vector_store %arg9[%swap3A_324, %swap3A_325], %mul3A_323 {strides = array<i32>} : memref<32x128xf32, #tpu.memory_space<vmem>>, vector<16xf32>,
        }
      } else {
      }
    }
    %while3A_63 = arith.constant 1 : i32
    scf.for %while3A_64 = %while3A_61 to %while3A_57 step %while3A_63  : i32 {
      %mul3A_65 = arith.constant 2 : i32
      %mul3A_66 = arith.muli %mul3A_65, %while3A_64 : i32
      %lt3A = arith.cmpi slt, %mul3A_66, %select_n3A : i32
      %convert_element_type3A_67 = arith.extui %lt3A : i1 to i32
      %cond3A_68 = arith.constant 0 : i32
      %cond3A_69 = arith.cmpi ne, %convert_element_type3A_67, %cond3A_68 : i32
      scf.if %cond3A_69 {
        %add3A_76 = arith.constant 1 : i32
        %add3A_77 = arith.addi %mul3A_66, %add3A_76 : i32
        %lt3A_78 = arith.cmpi slt, %add3A_77, %select_n3A : i32
        %convert_element_type3A_79 = arith.extui %lt3A_78 : i1 to i32
        %cond3A_80 = arith.constant 0 : i32
        %cond3A_81 = arith.cmpi ne, %convert_element_type3A_79, %cond3A_80 : i32
        scf.if %cond3A_81 {
          %add3A_135 = arith.constant 1 : i32
          %add3A_136 = arith.addi %mul3A_66, %add3A_135 : i32
          %mul3A_137 = arith.constant 128 : i32
          %mul3A_138 = arith.muli %add3A_136, %mul3A_137 : i32
          %add3A_139 = arith.constant 0 : i32
          %add3A_140 = arith.addi %mul3A_138, %add3A_139 : i32
          %get3A = arith.index_cast %add3A_140 : i32 to index
          %get3A_141 = tpu.vector_load %arg7[%get3A] {strides = array<i32>} : memref<16512xi32, #tpu.memory_space<vmem>>, vector<16xi32>,
          %add3A_142 = arith.constant 0 : i32
          %add3A_143 = arith.addi %mul3A_138, %add3A_142 : i32
          %add3A_144 = vector.broadcast %add3A_143 : i32 to vector<16xi32>
          %add3A_145 = arith.addi %add3A_144, %iota3A : vector<16xi32>
          %lt3A_146 = vector.broadcast %scan3A_7 : i32 to vector<16xi32>
          %lt3A_147 = arith.cmpi slt, %add3A_145, %lt3A_146 : vector<16xi32>
          %jit3A_148 = arith.constant 0 : i32
          %broadcast_in_dim3A = vector.broadcast %jit3A_148 : i32 to vector<16xi32>
          %select_n3A_149 = arith.select %lt3A_147, %get3A_141, %broadcast_in_dim3A : vector<16xi1>, vector<16xi32>
          %swap3A = arith.constant 0 : i32
          %swap3A_150 = arith.index_cast %swap3A : i32 to index
          %swap3A_151 = arith.constant 0 : index
          %swap3A_152 = tpu.vector_load %arg11[%swap3A_150, %swap3A_151] {strides = array<i32>} : memref<4x32xi32, #tpu.memory_space<vmem>>, vector<16xi32>,
          tpu.vector_store %arg11[%swap3A_150, %swap3A_151], %select_n3A_149 {strides = array<i32>} : memref<4x32xi32, #tpu.memory_space<vmem>>, vector<16xi32>,
          %add3A_153 = arith.constant 16 : i32
          %add3A_154 = arith.addi %mul3A_138, %add3A_153 : i32
          %get3A_155 = arith.index_cast %add3A_154 : i32 to index
          %get3A_156 = tpu.vector_load %arg7[%get3A_155] {strides = array<i32>} : memref<16512xi32, #tpu.memory_space<vmem>>, vector<16xi32>,
          %add3A_157 = arith.constant 16 : i32
          %add3A_158 = arith.addi %mul3A_138, %add3A_157 : i32
          %add3A_159 = vector.broadcast %add3A_158 : i32 to vector<16xi32>
          %add3A_160 = arith.addi %add3A_159, %iota3A : vector<16xi32>
          %lt3A_161 = vector.broadcast %scan3A_7 : i32 to vector<16xi32>
          %lt3A_162 = arith.cmpi slt, %add3A_160, %lt3A_161 : vector<16xi32>
          %jit3A_163 = arith.constant 0 : i32
          %broadcast_in_dim3A_164 = vector.broadcast %jit3A_163 : i32 to vector<16xi32>
          %select_n3A_165 = arith.select %lt3A_162, %get3A_156, %broadcast_in_dim3A_164 : vector<16xi1>, vector<16xi32>
          %swap3A_166 = arith.constant 0 : i32
          %swap3A_167 = arith.index_cast %swap3A_166 : i32 to index
          %swap3A_168 = arith.constant 16 : index
          %swap3A_169 = tpu.vector_load %arg11[%swap3A_167, %swap3A_168] {strides = array<i32>} : memref<4x32xi32, #tpu.memory_space<vmem>>, vector<16xi32>,
          tpu.vector_store %arg11[%swap3A_167, %swap3A_168], %select_n3A_165 {strides = array<i32>} : memref<4x32xi32, #tpu.memory_space<vmem>>, vector<16xi32>,
          %add3A_170 = arith.constant 32 : i32
          %add3A_171 = arith.addi %mul3A_138, %add3A_170 : i32
          %get3A_172 = arith.index_cast %add3A_171 : i32 to index
          %get3A_173 = tpu.vector_load %arg7[%get3A_172] {strides = array<i32>} : memref<16512xi32, #tpu.memory_space<vmem>>, vector<16xi32>,
          %add3A_174 = arith.constant 32 : i32
          %add3A_175 = arith.addi %mul3A_138, %add3A_174 : i32
          %add3A_176 = vector.broadcast %add3A_175 : i32 to vector<16xi32>
          %add3A_177 = arith.addi %add3A_176, %iota3A : vector<16xi32>
          %lt3A_178 = vector.broadcast %scan3A_7 : i32 to vector<16xi32>
          %lt3A_179 = arith.cmpi slt, %add3A_177, %lt3A_178 : vector<16xi32>
          %jit3A_180 = arith.constant 0 : i32
          %broadcast_in_dim3A_181 = vector.broadcast %jit3A_180 : i32 to vector<16xi32>
          %select_n3A_182 = arith.select %lt3A_179, %get3A_173, %broadcast_in_dim3A_181 : vector<16xi1>, vector<16xi32>
          %swap3A_183 = arith.constant 1 : i32
          %swap3A_184 = arith.index_cast %swap3A_183 : i32 to index
          %swap3A_185 = arith.constant 0 : index
          %swap3A_186 = tpu.vector_load %arg11[%swap3A_184, %swap3A_185] {strides = array<i32>} : memref<4x32xi32, #tpu.memory_space<vmem>>, vector<16xi32>,
          tpu.vector_store %arg11[%swap3A_184, %swap3A_185], %select_n3A_182 {strides = array<i32>} : memref<4x32xi32, #tpu.memory_space<vmem>>, vector<16xi32>,
          %add3A_187 = arith.constant 48 : i32
          %add3A_188 = arith.addi %mul3A_138, %add3A_187 : i32
          %get3A_189 = arith.index_cast %add3A_188 : i32 to index
          %get3A_190 = tpu.vector_load %arg7[%get3A_189] {strides = array<i32>} : memref<16512xi32, #tpu.memory_space<vmem>>, vector<16xi32>,
          %add3A_191 = arith.constant 48 : i32
          %add3A_192 = arith.addi %mul3A_138, %add3A_191 : i32
          %add3A_193 = vector.broadcast %add3A_192 : i32 to vector<16xi32>
          %add3A_194 = arith.addi %add3A_193, %iota3A : vector<16xi32>
          %lt3A_195 = vector.broadcast %scan3A_7 : i32 to vector<16xi32>
          %lt3A_196 = arith.cmpi slt, %add3A_194, %lt3A_195 : vector<16xi32>
          %jit3A_197 = arith.constant 0 : i32
          %broadcast_in_dim3A_198 = vector.broadcast %jit3A_197 : i32 to vector<16xi32>
          %select_n3A_199 = arith.select %lt3A_196, %get3A_190, %broadcast_in_dim3A_198 : vector<16xi1>, vector<16xi32>
          %swap3A_200 = arith.constant 1 : i32
          %swap3A_201 = arith.index_cast %swap3A_200 : i32 to index
          %swap3A_202 = arith.constant 16 : index
          %swap3A_203 = tpu.vector_load %arg11[%swap3A_201, %swap3A_202] {strides = array<i32>} : memref<4x32xi32, #tpu.memory_space<vmem>>, vector<16xi32>,
          tpu.vector_store %arg11[%swap3A_201, %swap3A_202], %select_n3A_199 {strides = array<i32>} : memref<4x32xi32, #tpu.memory_space<vmem>>, vector<16xi32>,
          %add3A_204 = arith.constant 64 : i32
          %add3A_205 = arith.addi %mul3A_138, %add3A_204 : i32
          %get3A_206 = arith.index_cast %add3A_205 : i32 to index
          %get3A_207 = tpu.vector_load %arg7[%get3A_206] {strides = array<i32>} : memref<16512xi32, #tpu.memory_space<vmem>>, vector<16xi32>,
          %add3A_208 = arith.constant 64 : i32
          %add3A_209 = arith.addi %mul3A_138, %add3A_208 : i32
          %add3A_210 = vector.broadcast %add3A_209 : i32 to vector<16xi32>
          %add3A_211 = arith.addi %add3A_210, %iota3A : vector<16xi32>
          %lt3A_212 = vector.broadcast %scan3A_7 : i32 to vector<16xi32>
          %lt3A_213 = arith.cmpi slt, %add3A_211, %lt3A_212 : vector<16xi32>
          %jit3A_214 = arith.constant 0 : i32
          %broadcast_in_dim3A_215 = vector.broadcast %jit3A_214 : i32 to vector<16xi32>
          %select_n3A_216 = arith.select %lt3A_213, %get3A_207, %broadcast_in_dim3A_215 : vector<16xi1>, vector<16xi32>
          %swap3A_217 = arith.constant 2 : i32
          %swap3A_218 = arith.index_cast %swap3A_217 : i32 to index
          %swap3A_219 = arith.constant 0 : index
          %swap3A_220 = tpu.vector_load %arg11[%swap3A_218, %swap3A_219] {strides = array<i32>} : memref<4x32xi32, #tpu.memory_space<vmem>>, vector<16xi32>,
          tpu.vector_store %arg11[%swap3A_218, %swap3A_219], %select_n3A_216 {strides = array<i32>} : memref<4x32xi32, #tpu.memory_space<vmem>>, vector<16xi32>,
          %add3A_221 = arith.constant 80 : i32
          %add3A_222 = arith.addi %mul3A_138, %add3A_221 : i32
          %get3A_223 = arith.index_cast %add3A_222 : i32 to index
          %get3A_224 = tpu.vector_load %arg7[%get3A_223] {strides = array<i32>} : memref<16512xi32, #tpu.memory_space<vmem>>, vector<16xi32>,
          %add3A_225 = arith.constant 80 : i32
          %add3A_226 = arith.addi %mul3A_138, %add3A_225 : i32
          %add3A_227 = vector.broadcast %add3A_226 : i32 to vector<16xi32>
          %add3A_228 = arith.addi %add3A_227, %iota3A : vector<16xi32>
          %lt3A_229 = vector.broadcast %scan3A_7 : i32 to vector<16xi32>
          %lt3A_230 = arith.cmpi slt, %add3A_228, %lt3A_229 : vector<16xi32>
          %jit3A_231 = arith.constant 0 : i32
          %broadcast_in_dim3A_232 = vector.broadcast %jit3A_231 : i32 to vector<16xi32>
          %select_n3A_233 = arith.select %lt3A_230, %get3A_224, %broadcast_in_dim3A_232 : vector<16xi1>, vector<16xi32>
          %swap3A_234 = arith.constant 2 : i32
          %swap3A_235 = arith.index_cast %swap3A_234 : i32 to index
          %swap3A_236 = arith.constant 16 : index
          %swap3A_237 = tpu.vector_load %arg11[%swap3A_235, %swap3A_236] {strides = array<i32>} : memref<4x32xi32, #tpu.memory_space<vmem>>, vector<16xi32>,
          tpu.vector_store %arg11[%swap3A_235, %swap3A_236], %select_n3A_233 {strides = array<i32>} : memref<4x32xi32, #tpu.memory_space<vmem>>, vector<16xi32>,
          %add3A_238 = arith.constant 96 : i32
          %add3A_239 = arith.addi %mul3A_138, %add3A_238 : i32
          %get3A_240 = arith.index_cast %add3A_239 : i32 to index
          %get3A_241 = tpu.vector_load %arg7[%get3A_240] {strides = array<i32>} : memref<16512xi32, #tpu.memory_space<vmem>>, vector<16xi32>,
          %add3A_242 = arith.constant 96 : i32
          %add3A_243 = arith.addi %mul3A_138, %add3A_242 : i32
          %add3A_244 = vector.broadcast %add3A_243 : i32 to vector<16xi32>
          %add3A_245 = arith.addi %add3A_244, %iota3A : vector<16xi32>
          %lt3A_246 = vector.broadcast %scan3A_7 : i32 to vector<16xi32>
          %lt3A_247 = arith.cmpi slt, %add3A_245, %lt3A_246 : vector<16xi32>
          %jit3A_248 = arith.constant 0 : i32
          %broadcast_in_dim3A_249 = vector.broadcast %jit3A_248 : i32 to vector<16xi32>
          %select_n3A_250 = arith.select %lt3A_247, %get3A_241, %broadcast_in_dim3A_249 : vector<16xi1>, vector<16xi32>
          %swap3A_251 = arith.constant 3 : i32
          %swap3A_252 = arith.index_cast %swap3A_251 : i32 to index
          %swap3A_253 = arith.constant 0 : index
          %swap3A_254 = tpu.vector_load %arg11[%swap3A_252, %swap3A_253] {strides = array<i32>} : memref<4x32xi32, #tpu.memory_space<vmem>>, vector<16xi32>,
          tpu.vector_store %arg11[%swap3A_252, %swap3A_253], %select_n3A_250 {strides = array<i32>} : memref<4x32xi32, #tpu.memory_space<vmem>>, vector<16xi32>,
          %add3A_255 = arith.constant 112 : i32
          %add3A_256 = arith.addi %mul3A_138, %add3A_255 : i32
          %get3A_257 = arith.index_cast %add3A_256 : i32 to index
          %get3A_258 = tpu.vector_load %arg7[%get3A_257] {strides = array<i32>} : memref<16512xi32, #tpu.memory_space<vmem>>, vector<16xi32>,
          %add3A_259 = arith.constant 112 : i32
          %add3A_260 = arith.addi %mul3A_138, %add3A_259 : i32
          %add3A_261 = vector.broadcast %add3A_260 : i32 to vector<16xi32>
          %add3A_262 = arith.addi %add3A_261, %iota3A : vector<16xi32>
          %lt3A_263 = vector.broadcast %scan3A_7 : i32 to vector<16xi32>
          %lt3A_264 = arith.cmpi slt, %add3A_262, %lt3A_263 : vector<16xi32>
          %jit3A_265 = arith.constant 0 : i32
          %broadcast_in_dim3A_266 = vector.broadcast %jit3A_265 : i32 to vector<16xi32>
          %select_n3A_267 = arith.select %lt3A_264, %get3A_258, %broadcast_in_dim3A_266 : vector<16xi1>, vector<16xi32>
          %swap3A_268 = arith.constant 3 : i32
          %swap3A_269 = arith.index_cast %swap3A_268 : i32 to index
          %swap3A_270 = arith.constant 16 : index
          %swap3A_271 = tpu.vector_load %arg11[%swap3A_269, %swap3A_270] {strides = array<i32>} : memref<4x32xi32, #tpu.memory_space<vmem>>, vector<16xi32>,
          tpu.vector_store %arg11[%swap3A_269, %swap3A_270], %select_n3A_267 {strides = array<i32>} : memref<4x32xi32, #tpu.memory_space<vmem>>, vector<16xi32>,
          %dma_start3A = arith.constant 0 : i32
          %dma_start3A_272 = arith.constant 0 : i32
          %dma_start3A_273 = arith.constant 0 : i32
          %dma_start3A_274 = tpu.memref_slice %arg13[%dma_start3A_272, %dma_start3A_273] : memref<128x128xf32, #tpu.memory_space<vmem>> -> memref<32x128xf32, #tpu.memory_space<vmem>>
          %dma_start3A_275 = arith.constant 0 : i32
          %dma_start3A_276 = tpu.memref_slice %arg11[%dma_start3A, %dma_start3A_275] : memref<4x32xi32, #tpu.memory_space<vmem>> -> memref<1x32xi32, #tpu.memory_space<vmem>>
          %dma_start3A_277 = tpu.memref_squeeze %dma_start3A_276 : memref<1x32xi32, #tpu.memory_space<vmem>> -> memref<32xi32, #tpu.memory_space<vmem>>
          %dma_start3A_278 = arith.constant 0 : i32
          %dma_start3A_279 = arith.constant 0 : i32
          %dma_start3A_280 = tpu.memref_slice %arg2[%dma_start3A_278, %dma_start3A_279] : memref<16384x128xf32, #tpu.memory_space<hbm>> -> memref<16384x128xf32, #tpu.memory_space<hbm>>
          tpu.enqueue_indirect_dma source(%dma_start3A_280 : memref<16384x128xf32, #tpu.memory_space<hbm>>) target(%dma_start3A_274 : memref<32x128xf32, #tpu.memory_space<vmem>>) offsets(%dma_start3A_277 : memref<32xi32, #tpu.memory_space<vmem>>) semaphore(%arg15 : memref<!tpu.dma_semaphore, #tpu.memory_space<semaphore_mem>>)
          %dma_start3A_281 = arith.constant 1 : i32
          %dma_start3A_282 = arith.constant 32 : i32
          %dma_start3A_283 = arith.constant 0 : i32
          %dma_start3A_284 = tpu.memref_slice %arg13[%dma_start3A_282, %dma_start3A_283] : memref<128x128xf32, #tpu.memory_space<vmem>> -> memref<32x128xf32, #tpu.memory_space<vmem>>
          %dma_start3A_285 = arith.constant 0 : i32
          %dma_start3A_286 = tpu.memref_slice %arg11[%dma_start3A_281, %dma_start3A_285] : memref<4x32xi32, #tpu.memory_space<vmem>> -> memref<1x32xi32, #tpu.memory_space<vmem>>
          %dma_start3A_287 = tpu.memref_squeeze %dma_start3A_286 : memref<1x32xi32, #tpu.memory_space<vmem>> -> memref<32xi32, #tpu.memory_space<vmem>>
          %dma_start3A_288 = arith.constant 0 : i32
          %dma_start3A_289 = arith.constant 0 : i32
          %dma_start3A_290 = tpu.memref_slice %arg2[%dma_start3A_288, %dma_start3A_289] : memref<16384x128xf32, #tpu.memory_space<hbm>> -> memref<16384x128xf32, #tpu.memory_space<hbm>>
          tpu.enqueue_indirect_dma source(%dma_start3A_290 : memref<16384x128xf32, #tpu.memory_space<hbm>>) target(%dma_start3A_284 : memref<32x128xf32, #tpu.memory_space<vmem>>) offsets(%dma_start3A_287 : memref<32xi32, #tpu.memory_space<vmem>>) semaphore(%arg15 : memref<!tpu.dma_semaphore, #tpu.memory_space<semaphore_mem>>)
          %dma_start3A_291 = arith.constant 2 : i32
          %dma_start3A_292 = arith.constant 64 : i32
          %dma_start3A_293 = arith.constant 0 : i32
          %dma_start3A_294 = tpu.memref_slice %arg13[%dma_start3A_292, %dma_start3A_293] : memref<128x128xf32, #tpu.memory_space<vmem>> -> memref<32x128xf32, #tpu.memory_space<vmem>>
          %dma_start3A_295 = arith.constant 0 : i32
          %dma_start3A_296 = tpu.memref_slice %arg11[%dma_start3A_291, %dma_start3A_295] : memref<4x32xi32, #tpu.memory_space<vmem>> -> memref<1x32xi32, #tpu.memory_space<vmem>>
          %dma_start3A_297 = tpu.memref_squeeze %dma_start3A_296 : memref<1x32xi32, #tpu.memory_space<vmem>> -> memref<32xi32, #tpu.memory_space<vmem>>
          %dma_start3A_298 = arith.constant 0 : i32
          %dma_start3A_299 = arith.constant 0 : i32
          %dma_start3A_300 = tpu.memref_slice %arg2[%dma_start3A_298, %dma_start3A_299] : memref<16384x128xf32, #tpu.memory_space<hbm>> -> memref<16384x128xf32, #tpu.memory_space<hbm>>
          tpu.enqueue_indirect_dma source(%dma_start3A_300 : memref<16384x128xf32, #tpu.memory_space<hbm>>) target(%dma_start3A_294 : memref<32x128xf32, #tpu.memory_space<vmem>>) offsets(%dma_start3A_297 : memref<32xi32, #tpu.memory_space<vmem>>) semaphore(%arg15 : memref<!tpu.dma_semaphore, #tpu.memory_space<semaphore_mem>>)
          %dma_start3A_301 = arith.constant 3 : i32
          %dma_start3A_302 = arith.constant 96 : i32
          %dma_start3A_303 = arith.constant 0 : i32
          %dma_start3A_304 = tpu.memref_slice %arg13[%dma_start3A_302, %dma_start3A_303] : memref<128x128xf32, #tpu.memory_space<vmem>> -> memref<32x128xf32, #tpu.memory_space<vmem>>
          %dma_start3A_305 = arith.constant 0 : i32
          %dma_start3A_306 = tpu.memref_slice %arg11[%dma_start3A_301, %dma_start3A_305] : memref<4x32xi32, #tpu.memory_space<vmem>> -> memref<1x32xi32, #tpu.memory_space<vmem>>
          %dma_start3A_307 = tpu.memref_squeeze %dma_start3A_306 : memref<1x32xi32, #tpu.memory_space<vmem>> -> memref<32xi32, #tpu.memory_space<vmem>>
          %dma_start3A_308 = arith.constant 0 : i32
          %dma_start3A_309 = arith.constant 0 : i32
          %dma_start3A_310 = tpu.memref_slice %arg2[%dma_start3A_308, %dma_start3A_309] : memref<16384x128xf32, #tpu.memory_space<hbm>> -> memref<16384x128xf32, #tpu.memory_space<hbm>>
          tpu.enqueue_indirect_dma source(%dma_start3A_310 : memref<16384x128xf32, #tpu.memory_space<hbm>>) target(%dma_start3A_304 : memref<32x128xf32, #tpu.memory_space<vmem>>) offsets(%dma_start3A_307 : memref<32xi32, #tpu.memory_space<vmem>>) semaphore(%arg15 : memref<!tpu.dma_semaphore, #tpu.memory_space<semaphore_mem>>)
        } else {
        }
        %dma_wait3A = arith.constant 0 : i32
        %dma_wait3A_82 = arith.constant 0 : i32
        %dma_wait3A_83 = arith.constant 0 : i32
        %dma_wait3A_84 = tpu.memref_slice %arg12[%dma_wait3A_82, %dma_wait3A_83] : memref<128x128xf32, #tpu.memory_space<vmem>> -> memref<32x128xf32, #tpu.memory_space<vmem>>
        %dma_wait3A_85 = arith.constant 0 : i32
        %dma_wait3A_86 = tpu.memref_slice %arg10[%dma_wait3A, %dma_wait3A_85] : memref<4x32xi32, #tpu.memory_space<vmem>> -> memref<1x32xi32, #tpu.memory_space<vmem>>
        %dma_wait3A_87 = tpu.memref_squeeze %dma_wait3A_86 : memref<1x32xi32, #tpu.memory_space<vmem>> -> memref<32xi32, #tpu.memory_space<vmem>>
        %dma_wait3A_88 = arith.constant 0 : i32
        %dma_wait3A_89 = arith.constant 0 : i32
        %dma_wait3A_90 = tpu.memref_slice %arg2[%dma_wait3A_88, %dma_wait3A_89] : memref<16384x128xf32, #tpu.memory_space<hbm>> -> memref<16384x128xf32, #tpu.memory_space<hbm>>
        tpu.wait_indirect_dma semaphore(%arg14 : memref<!tpu.dma_semaphore, #tpu.memory_space<semaphore_mem>>) src(%dma_wait3A_90 : memref<16384x128xf32, #tpu.memory_space<hbm>>) dst(%dma_wait3A_84 : memref<32x128xf32, #tpu.memory_space<vmem>>)
        %dma_wait3A_91 = arith.constant 1 : i32
        %dma_wait3A_92 = arith.constant 32 : i32
        %dma_wait3A_93 = arith.constant 0 : i32
        %dma_wait3A_94 = tpu.memref_slice %arg12[%dma_wait3A_92, %dma_wait3A_93] : memref<128x128xf32, #tpu.memory_space<vmem>> -> memref<32x128xf32, #tpu.memory_space<vmem>>
        %dma_wait3A_95 = arith.constant 0 : i32
        %dma_wait3A_96 = tpu.memref_slice %arg10[%dma_wait3A_91, %dma_wait3A_95] : memref<4x32xi32, #tpu.memory_space<vmem>> -> memref<1x32xi32, #tpu.memory_space<vmem>>
        %dma_wait3A_97 = tpu.memref_squeeze %dma_wait3A_96 : memref<1x32xi32, #tpu.memory_space<vmem>> -> memref<32xi32, #tpu.memory_space<vmem>>
        %dma_wait3A_98 = arith.constant 0 : i32
        %dma_wait3A_99 = arith.constant 0 : i32
        %dma_wait3A_100 = tpu.memref_slice %arg2[%dma_wait3A_98, %dma_wait3A_99] : memref<16384x128xf32, #tpu.memory_space<hbm>> -> memref<16384x128xf32, #tpu.memory_space<hbm>>
        tpu.wait_indirect_dma semaphore(%arg14 : memref<!tpu.dma_semaphore, #tpu.memory_space<semaphore_mem>>) src(%dma_wait3A_100 : memref<16384x128xf32, #tpu.memory_space<hbm>>) dst(%dma_wait3A_94 : memref<32x128xf32, #tpu.memory_space<vmem>>)
        %dma_wait3A_101 = arith.constant 2 : i32
        %dma_wait3A_102 = arith.constant 64 : i32
        %dma_wait3A_103 = arith.constant 0 : i32
        %dma_wait3A_104 = tpu.memref_slice %arg12[%dma_wait3A_102, %dma_wait3A_103] : memref<128x128xf32, #tpu.memory_space<vmem>> -> memref<32x128xf32, #tpu.memory_space<vmem>>
        %dma_wait3A_105 = arith.constant 0 : i32
        %dma_wait3A_106 = tpu.memref_slice %arg10[%dma_wait3A_101, %dma_wait3A_105] : memref<4x32xi32, #tpu.memory_space<vmem>> -> memref<1x32xi32, #tpu.memory_space<vmem>>
        %dma_wait3A_107 = tpu.memref_squeeze %dma_wait3A_106 : memref<1x32xi32, #tpu.memory_space<vmem>> -> memref<32xi32, #tpu.memory_space<vmem>>
        %dma_wait3A_108 = arith.constant 0 : i32
        %dma_wait3A_109 = arith.constant 0 : i32
        %dma_wait3A_110 = tpu.memref_slice %arg2[%dma_wait3A_108, %dma_wait3A_109] : memref<16384x128xf32, #tpu.memory_space<hbm>> -> memref<16384x128xf32, #tpu.memory_space<hbm>>
        tpu.wait_indirect_dma semaphore(%arg14 : memref<!tpu.dma_semaphore, #tpu.memory_space<semaphore_mem>>) src(%dma_wait3A_110 : memref<16384x128xf32, #tpu.memory_space<hbm>>) dst(%dma_wait3A_104 : memref<32x128xf32, #tpu.memory_space<vmem>>)
        %dma_wait3A_111 = arith.constant 3 : i32
        %dma_wait3A_112 = arith.constant 96 : i32
        %dma_wait3A_113 = arith.constant 0 : i32
        %dma_wait3A_114 = tpu.memref_slice %arg12[%dma_wait3A_112, %dma_wait3A_113] : memref<128x128xf32, #tpu.memory_space<vmem>> -> memref<32x128xf32, #tpu.memory_space<vmem>>
        %dma_wait3A_115 = arith.constant 0 : i32
        %dma_wait3A_116 = tpu.memref_slice %arg10[%dma_wait3A_111, %dma_wait3A_115] : memref<4x32xi32, #tpu.memory_space<vmem>> -> memref<1x32xi32, #tpu.memory_space<vmem>>
        %dma_wait3A_117 = tpu.memref_squeeze %dma_wait3A_116 : memref<1x32xi32, #tpu.memory_space<vmem>> -> memref<32xi32, #tpu.memory_space<vmem>>
        %dma_wait3A_118 = arith.constant 0 : i32
        %dma_wait3A_119 = arith.constant 0 : i32
        %dma_wait3A_120 = tpu.memref_slice %arg2[%dma_wait3A_118, %dma_wait3A_119] : memref<16384x128xf32, #tpu.memory_space<hbm>> -> memref<16384x128xf32, #tpu.memory_space<hbm>>
        tpu.wait_indirect_dma semaphore(%arg14 : memref<!tpu.dma_semaphore, #tpu.memory_space<semaphore_mem>>) src(%dma_wait3A_120 : memref<16384x128xf32, #tpu.memory_space<hbm>>) dst(%dma_wait3A_114 : memref<32x128xf32, #tpu.memory_space<vmem>>)
        %mul3A_121 = arith.constant 128 : i32
        %mul3A_122 = arith.muli %mul3A_66, %mul3A_121 : i32
        %sub3A_123 = arith.subi %scan3A_7, %mul3A_122 : i32
        %min3A = arith.constant 128 : i32
        %min3A_124 = arith.minsi %min3A, %sub3A_123 : i32
        %while3A_125 = arith.constant 0 : i32
        %while3A_126 = arith.constant 0 : i32
        %while3A_127 = arith.subi %min3A_124, %while3A_126 : i32
        %while3A_128 = arith.addi %while3A_126, %while3A_127 : i32
        %while3A_129 = arith.constant 1 : i32
        %while3A_130 = arith.divsi %while3A_127, %while3A_129 : i32
        %while3A_131 = arith.muli %while3A_130, %while3A_129 : i32
        %while3A_132 = arith.addi %while3A_126, %while3A_131 : i32
        %while3A_133 = arith.constant 1 : i32
        scf.for %while3A_135 = %while3A_126 to %while3A_132 step %while3A_133  : i32 {
          %add3A_136 = arith.addi %mul3A_122, %while3A_135 : i32
          %get3A = arith.index_cast %add3A_136 : i32 to index
          %get3A_137 = tpu.vector_load %arg8[%get3A] {strides = array<i32>} : memref<16512xi32, #tpu.memory_space<vmem>>, vector<16xi32>,
          %slice3A = vector.extract_strided_slice %get3A_137 {offsets = [0], sizes = [1], strides = [1]} : vector<16xi32> to vector<1xi32>
          %squeeze3A = vector.extract %slice3A[0] : i32 from vector<1xi32>
          %get3A_138 = arith.index_cast %squeeze3A : i32 to index
          %get3A_139 = arith.constant 0 : index
          %get3A_140 = tpu.vector_load %arg9[%get3A_138, %get3A_139] {strides = array<i32>} : memref<32x128xf32, #tpu.memory_space<vmem>>, vector<16xf32>,
          %get3A_141 = arith.index_cast %while3A_135 : i32 to index
          %get3A_142 = arith.constant 0 : index
          %get3A_143 = tpu.vector_load %arg12[%get3A_141, %get3A_142] {strides = array<i32>} : memref<128x128xf32, #tpu.memory_space<vmem>>, vector<16xf32>,
          %mul3A_144 = arith.constant 9.900000e-01 : f32
          %mul3A_145 = vector.broadcast %mul3A_144 : f32 to vector<16xf32>
          %mul3A_146 = arith.mulf %get3A_140, %mul3A_145 : vector<16xf32>
          %mul3A_147 = arith.constant 0.00999999977 : f32
          %mul3A_148 = vector.broadcast %mul3A_147 : f32 to vector<16xf32>
          %mul3A_149 = arith.mulf %get3A_143, %mul3A_148 : vector<16xf32>
          %add3A_150 = arith.addf %mul3A_146, %mul3A_149 : vector<16xf32>
          %mul3A_151 = arith.mulf %add3A_150, %add3A_150 : vector<16xf32>
          %get3A_152 = arith.index_cast %squeeze3A : i32 to index
          %get3A_153 = arith.constant 16 : index
          %get3A_154 = tpu.vector_load %arg9[%get3A_152, %get3A_153] {strides = array<i32>} : memref<32x128xf32, #tpu.memory_space<vmem>>, vector<16xf32>,
          %get3A_155 = arith.index_cast %while3A_135 : i32 to index
          %get3A_156 = arith.constant 16 : index
          %get3A_157 = tpu.vector_load %arg12[%get3A_155, %get3A_156] {strides = array<i32>} : memref<128x128xf32, #tpu.memory_space<vmem>>, vector<16xf32>,
          %mul3A_158 = arith.constant 9.900000e-01 : f32
          %mul3A_159 = vector.broadcast %mul3A_158 : f32 to vector<16xf32>
          %mul3A_160 = arith.mulf %get3A_154, %mul3A_159 : vector<16xf32>
          %mul3A_161 = arith.constant 0.00999999977 : f32
          %mul3A_162 = vector.broadcast %mul3A_161 : f32 to vector<16xf32>
          %mul3A_163 = arith.mulf %get3A_157, %mul3A_162 : vector<16xf32>
          %add3A_164 = arith.addf %mul3A_160, %mul3A_163 : vector<16xf32>
          %mul3A_165 = arith.mulf %add3A_164, %add3A_164 : vector<16xf32>
          %get3A_166 = arith.index_cast %squeeze3A : i32 to index
          %get3A_167 = arith.constant 32 : index
          %get3A_168 = tpu.vector_load %arg9[%get3A_166, %get3A_167] {strides = array<i32>} : memref<32x128xf32, #tpu.memory_space<vmem>>, vector<16xf32>,
          %get3A_169 = arith.index_cast %while3A_135 : i32 to index
          %get3A_170 = arith.constant 32 : index
          %get3A_171 = tpu.vector_load %arg12[%get3A_169, %get3A_170] {strides = array<i32>} : memref<128x128xf32, #tpu.memory_space<vmem>>, vector<16xf32>,
          %mul3A_172 = arith.constant 9.900000e-01 : f32
          %mul3A_173 = vector.broadcast %mul3A_172 : f32 to vector<16xf32>
          %mul3A_174 = arith.mulf %get3A_168, %mul3A_173 : vector<16xf32>
          %mul3A_175 = arith.constant 0.00999999977 : f32
          %mul3A_176 = vector.broadcast %mul3A_175 : f32 to vector<16xf32>
          %mul3A_177 = arith.mulf %get3A_171, %mul3A_176 : vector<16xf32>
          %add3A_178 = arith.addf %mul3A_174, %mul3A_177 : vector<16xf32>
          %mul3A_179 = arith.mulf %add3A_178, %add3A_178 : vector<16xf32>
          %get3A_180 = arith.index_cast %squeeze3A : i32 to index
          %get3A_181 = arith.constant 48 : index
          %get3A_182 = tpu.vector_load %arg9[%get3A_180, %get3A_181] {strides = array<i32>} : memref<32x128xf32, #tpu.memory_space<vmem>>, vector<16xf32>,
          %get3A_183 = arith.index_cast %while3A_135 : i32 to index
          %get3A_184 = arith.constant 48 : index
          %get3A_185 = tpu.vector_load %arg12[%get3A_183, %get3A_184] {strides = array<i32>} : memref<128x128xf32, #tpu.memory_space<vmem>>, vector<16xf32>,
          %mul3A_186 = arith.constant 9.900000e-01 : f32
          %mul3A_187 = vector.broadcast %mul3A_186 : f32 to vector<16xf32>
          %mul3A_188 = arith.mulf %get3A_182, %mul3A_187 : vector<16xf32>
          %mul3A_189 = arith.constant 0.00999999977 : f32
          %mul3A_190 = vector.broadcast %mul3A_189 : f32 to vector<16xf32>
          %mul3A_191 = arith.mulf %get3A_185, %mul3A_190 : vector<16xf32>
          %add3A_192 = arith.addf %mul3A_188, %mul3A_191 : vector<16xf32>
          %mul3A_193 = arith.mulf %add3A_192, %add3A_192 : vector<16xf32>
          %get3A_194 = arith.index_cast %squeeze3A : i32 to index
          %get3A_195 = arith.constant 64 : index
          %get3A_196 = tpu.vector_load %arg9[%get3A_194, %get3A_195] {strides = array<i32>} : memref<32x128xf32, #tpu.memory_space<vmem>>, vector<16xf32>,
          %get3A_197 = arith.index_cast %while3A_135 : i32 to index
          %get3A_198 = arith.constant 64 : index
          %get3A_199 = tpu.vector_load %arg12[%get3A_197, %get3A_198] {strides = array<i32>} : memref<128x128xf32, #tpu.memory_space<vmem>>, vector<16xf32>,
          %mul3A_200 = arith.constant 9.900000e-01 : f32
          %mul3A_201 = vector.broadcast %mul3A_200 : f32 to vector<16xf32>
          %mul3A_202 = arith.mulf %get3A_196, %mul3A_201 : vector<16xf32>
          %mul3A_203 = arith.constant 0.00999999977 : f32
          %mul3A_204 = vector.broadcast %mul3A_203 : f32 to vector<16xf32>
          %mul3A_205 = arith.mulf %get3A_199, %mul3A_204 : vector<16xf32>
          %add3A_206 = arith.addf %mul3A_202, %mul3A_205 : vector<16xf32>
          %mul3A_207 = arith.mulf %add3A_206, %add3A_206 : vector<16xf32>
          %get3A_208 = arith.index_cast %squeeze3A : i32 to index
          %get3A_209 = arith.constant 80 : index
          %get3A_210 = tpu.vector_load %arg9[%get3A_208, %get3A_209] {strides = array<i32>} : memref<32x128xf32, #tpu.memory_space<vmem>>, vector<16xf32>,
          %get3A_211 = arith.index_cast %while3A_135 : i32 to index
          %get3A_212 = arith.constant 80 : index
          %get3A_213 = tpu.vector_load %arg12[%get3A_211, %get3A_212] {strides = array<i32>} : memref<128x128xf32, #tpu.memory_space<vmem>>, vector<16xf32>,
          %mul3A_214 = arith.constant 9.900000e-01 : f32
          %mul3A_215 = vector.broadcast %mul3A_214 : f32 to vector<16xf32>
          %mul3A_216 = arith.mulf %get3A_210, %mul3A_215 : vector<16xf32>
          %mul3A_217 = arith.constant 0.00999999977 : f32
          %mul3A_218 = vector.broadcast %mul3A_217 : f32 to vector<16xf32>
          %mul3A_219 = arith.mulf %get3A_213, %mul3A_218 : vector<16xf32>
          %add3A_220 = arith.addf %mul3A_216, %mul3A_219 : vector<16xf32>
          %mul3A_221 = arith.mulf %add3A_220, %add3A_220 : vector<16xf32>
          %get3A_222 = arith.index_cast %squeeze3A : i32 to index
          %get3A_223 = arith.constant 96 : index
          %get3A_224 = tpu.vector_load %arg9[%get3A_222, %get3A_223] {strides = array<i32>} : memref<32x128xf32, #tpu.memory_space<vmem>>, vector<16xf32>,
          %get3A_225 = arith.index_cast %while3A_135 : i32 to index
          %get3A_226 = arith.constant 96 : index
          %get3A_227 = tpu.vector_load %arg12[%get3A_225, %get3A_226] {strides = array<i32>} : memref<128x128xf32, #tpu.memory_space<vmem>>, vector<16xf32>,
          %mul3A_228 = arith.constant 9.900000e-01 : f32
          %mul3A_229 = vector.broadcast %mul3A_228 : f32 to vector<16xf32>
          %mul3A_230 = arith.mulf %get3A_224, %mul3A_229 : vector<16xf32>
          %mul3A_231 = arith.constant 0.00999999977 : f32
          %mul3A_232 = vector.broadcast %mul3A_231 : f32 to vector<16xf32>
          %mul3A_233 = arith.mulf %get3A_227, %mul3A_232 : vector<16xf32>
          %add3A_234 = arith.addf %mul3A_230, %mul3A_233 : vector<16xf32>
          %mul3A_235 = arith.mulf %add3A_234, %add3A_234 : vector<16xf32>
          %get3A_236 = arith.index_cast %squeeze3A : i32 to index
          %get3A_237 = arith.constant 112 : index
          %get3A_238 = tpu.vector_load %arg9[%get3A_236, %get3A_237] {strides = array<i32>} : memref<32x128xf32, #tpu.memory_space<vmem>>, vector<16xf32>,
          %get3A_239 = arith.index_cast %while3A_135 : i32 to index
          %get3A_240 = arith.constant 112 : index
          %get3A_241 = tpu.vector_load %arg12[%get3A_239, %get3A_240] {strides = array<i32>} : memref<128x128xf32, #tpu.memory_space<vmem>>, vector<16xf32>,
          %mul3A_242 = arith.constant 9.900000e-01 : f32
          %mul3A_243 = vector.broadcast %mul3A_242 : f32 to vector<16xf32>
          %mul3A_244 = arith.mulf %get3A_238, %mul3A_243 : vector<16xf32>
          %mul3A_245 = arith.constant 0.00999999977 : f32
          %mul3A_246 = vector.broadcast %mul3A_245 : f32 to vector<16xf32>
          %mul3A_247 = arith.mulf %get3A_241, %mul3A_246 : vector<16xf32>
          %add3A_248 = arith.addf %mul3A_244, %mul3A_247 : vector<16xf32>
          %mul3A_249 = arith.mulf %add3A_248, %add3A_248 : vector<16xf32>
          %add3A_250 = arith.addf %mul3A_151, %mul3A_165 : vector<16xf32>
          %add3A_251 = arith.addf %mul3A_179, %mul3A_193 : vector<16xf32>
          %add3A_252 = arith.addf %mul3A_207, %mul3A_221 : vector<16xf32>
          %add3A_253 = arith.addf %mul3A_235, %mul3A_249 : vector<16xf32>
          %add3A_254 = arith.addf %add3A_250, %add3A_251 : vector<16xf32>
          %add3A_255 = arith.addf %add3A_252, %add3A_253 : vector<16xf32>
          %add3A_256 = arith.addf %add3A_254, %add3A_255 : vector<16xf32>
          %reduce_sum3A = arith.constant true
          %reduce_sum3A_257 = vector.broadcast %reduce_sum3A : i1 to vector<16xi1>
          %reduce_sum3A_258 = tpu.scan <sum>, %add3A_256 masked %reduce_sum3A_257 : vector<16xf32>, vector<16xi1> -> vector<16xf32>
          %reduce_sum3A_259 = vector.extract %reduce_sum3A_258[15] : f32 from vector<16xf32>
          %max3A = arith.constant 1.000000e-24 : f32
          %max3A_260 = arith.maximumf %reduce_sum3A_259, %max3A : f32
          %bitcast_convert_type3A = arith.bitcast %max3A_260 : f32 to i32
          %shift_right_logical3A = arith.constant 1 : i32
          %shift_right_logical3A_261 = arith.shrui %bitcast_convert_type3A, %shift_right_logical3A : i32
          %sub3A_262 = arith.constant 1597463007 : i32
          %sub3A_263 = arith.subi %sub3A_262, %shift_right_logical3A_261 : i32
          %bitcast_convert_type3A_264 = arith.bitcast %sub3A_263 : i32 to f32
          %mul3A_265 = arith.constant 5.000000e-01 : f32
          %mul3A_266 = arith.mulf %mul3A_265, %max3A_260 : f32
          %mul3A_267 = arith.mulf %mul3A_266, %bitcast_convert_type3A_264 : f32
          %mul3A_268 = arith.mulf %mul3A_267, %bitcast_convert_type3A_264 : f32
          %sub3A_269 = arith.constant 1.500000e+00 : f32
          %sub3A_270 = arith.subf %sub3A_269, %mul3A_268 : f32
          %mul3A_271 = arith.mulf %bitcast_convert_type3A_264, %sub3A_270 : f32
          %mul3A_272 = arith.constant 5.000000e-01 : f32
          %mul3A_273 = arith.mulf %mul3A_272, %max3A_260 : f32
          %mul3A_274 = arith.mulf %mul3A_273, %mul3A_271 : f32
          %mul3A_275 = arith.mulf %mul3A_274, %mul3A_271 : f32
          %sub3A_276 = arith.constant 1.500000e+00 : f32
          %sub3A_277 = arith.subf %sub3A_276, %mul3A_275 : f32
          %mul3A_278 = arith.mulf %mul3A_271, %sub3A_277 : f32
          %mul3A_279 = arith.constant 5.000000e-01 : f32
          %mul3A_280 = arith.mulf %mul3A_279, %max3A_260 : f32
          %mul3A_281 = arith.mulf %mul3A_280, %mul3A_278 : f32
          %mul3A_282 = arith.mulf %mul3A_281, %mul3A_278 : f32
          %sub3A_283 = arith.constant 1.500000e+00 : f32
          %sub3A_284 = arith.subf %sub3A_283, %mul3A_282 : f32
          %mul3A_285 = arith.mulf %mul3A_278, %sub3A_284 : f32
          %mul3A_286 = vector.broadcast %mul3A_285 : f32 to vector<16xf32>
          %mul3A_287 = arith.mulf %add3A_150, %mul3A_286 : vector<16xf32>
          %swap3A = arith.index_cast %squeeze3A : i32 to index
          %swap3A_288 = arith.constant 0 : index
          %swap3A_289 = tpu.vector_load %arg9[%swap3A, %swap3A_288] {strides = array<i32>} : memref<32x128xf32, #tpu.memory_space<vmem>>, vector<16xf32>,
          tpu.vector_store %arg9[%swap3A, %swap3A_288], %mul3A_287 {strides = array<i32>} : memref<32x128xf32, #tpu.memory_space<vmem>>, vector<16xf32>,
          %mul3A_290 = vector.broadcast %mul3A_285 : f32 to vector<16xf32>
          %mul3A_291 = arith.mulf %add3A_164, %mul3A_290 : vector<16xf32>
          %swap3A_292 = arith.index_cast %squeeze3A : i32 to index
          %swap3A_293 = arith.constant 16 : index
          %swap3A_294 = tpu.vector_load %arg9[%swap3A_292, %swap3A_293] {strides = array<i32>} : memref<32x128xf32, #tpu.memory_space<vmem>>, vector<16xf32>,
          tpu.vector_store %arg9[%swap3A_292, %swap3A_293], %mul3A_291 {strides = array<i32>} : memref<32x128xf32, #tpu.memory_space<vmem>>, vector<16xf32>,
          %mul3A_295 = vector.broadcast %mul3A_285 : f32 to vector<16xf32>
          %mul3A_296 = arith.mulf %add3A_178, %mul3A_295 : vector<16xf32>
          %swap3A_297 = arith.index_cast %squeeze3A : i32 to index
          %swap3A_298 = arith.constant 32 : index
          %swap3A_299 = tpu.vector_load %arg9[%swap3A_297, %swap3A_298] {strides = array<i32>} : memref<32x128xf32, #tpu.memory_space<vmem>>, vector<16xf32>,
          tpu.vector_store %arg9[%swap3A_297, %swap3A_298], %mul3A_296 {strides = array<i32>} : memref<32x128xf32, #tpu.memory_space<vmem>>, vector<16xf32>,
          %mul3A_300 = vector.broadcast %mul3A_285 : f32 to vector<16xf32>
          %mul3A_301 = arith.mulf %add3A_192, %mul3A_300 : vector<16xf32>
          %swap3A_302 = arith.index_cast %squeeze3A : i32 to index
          %swap3A_303 = arith.constant 48 : index
          %swap3A_304 = tpu.vector_load %arg9[%swap3A_302, %swap3A_303] {strides = array<i32>} : memref<32x128xf32, #tpu.memory_space<vmem>>, vector<16xf32>,
          tpu.vector_store %arg9[%swap3A_302, %swap3A_303], %mul3A_301 {strides = array<i32>} : memref<32x128xf32, #tpu.memory_space<vmem>>, vector<16xf32>,
          %mul3A_305 = vector.broadcast %mul3A_285 : f32 to vector<16xf32>
          %mul3A_306 = arith.mulf %add3A_206, %mul3A_305 : vector<16xf32>
          %swap3A_307 = arith.index_cast %squeeze3A : i32 to index
          %swap3A_308 = arith.constant 64 : index
          %swap3A_309 = tpu.vector_load %arg9[%swap3A_307, %swap3A_308] {strides = array<i32>} : memref<32x128xf32, #tpu.memory_space<vmem>>, vector<16xf32>,
          tpu.vector_store %arg9[%swap3A_307, %swap3A_308], %mul3A_306 {strides = array<i32>} : memref<32x128xf32, #tpu.memory_space<vmem>>, vector<16xf32>,
          %mul3A_310 = vector.broadcast %mul3A_285 : f32 to vector<16xf32>
          %mul3A_311 = arith.mulf %add3A_220, %mul3A_310 : vector<16xf32>
          %swap3A_312 = arith.index_cast %squeeze3A : i32 to index
          %swap3A_313 = arith.constant 80 : index
          %swap3A_314 = tpu.vector_load %arg9[%swap3A_312, %swap3A_313] {strides = array<i32>} : memref<32x128xf32, #tpu.memory_space<vmem>>, vector<16xf32>,
          tpu.vector_store %arg9[%swap3A_312, %swap3A_313], %mul3A_311 {strides = array<i32>} : memref<32x128xf32, #tpu.memory_space<vmem>>, vector<16xf32>,
          %mul3A_315 = vector.broadcast %mul3A_285 : f32 to vector<16xf32>
          %mul3A_316 = arith.mulf %add3A_234, %mul3A_315 : vector<16xf32>
          %swap3A_317 = arith.index_cast %squeeze3A : i32 to index
          %swap3A_318 = arith.constant 96 : index
          %swap3A_319 = tpu.vector_load %arg9[%swap3A_317, %swap3A_318] {strides = array<i32>} : memref<32x128xf32, #tpu.memory_space<vmem>>, vector<16xf32>,
          tpu.vector_store %arg9[%swap3A_317, %swap3A_318], %mul3A_316 {strides = array<i32>} : memref<32x128xf32, #tpu.memory_space<vmem>>, vector<16xf32>,
          %mul3A_320 = vector.broadcast %mul3A_285 : f32 to vector<16xf32>
          %mul3A_321 = arith.mulf %add3A_248, %mul3A_320 : vector<16xf32>
          %swap3A_322 = arith.index_cast %squeeze3A : i32 to index
          %swap3A_323 = arith.constant 112 : index
          %swap3A_324 = tpu.vector_load %arg9[%swap3A_322, %swap3A_323] {strides = array<i32>} : memref<32x128xf32, #tpu.memory_space<vmem>>, vector<16xf32>,
          tpu.vector_store %arg9[%swap3A_322, %swap3A_323], %mul3A_321 {strides = array<i32>} : memref<32x128xf32, #tpu.memory_space<vmem>>, vector<16xf32>,
        }
        %while3A_134 = arith.constant 1 : i32
        scf.for %while3A_135 = %while3A_132 to %while3A_128 step %while3A_134  : i32 {
          %add3A_136 = arith.addi %mul3A_122, %while3A_135 : i32
          %get3A = arith.index_cast %add3A_136 : i32 to index
          %get3A_137 = tpu.vector_load %arg8[%get3A] {strides = array<i32>} : memref<16512xi32, #tpu.memory_space<vmem>>, vector<16xi32>,
          %slice3A = vector.extract_strided_slice %get3A_137 {offsets = [0], sizes = [1], strides = [1]} : vector<16xi32> to vector<1xi32>
          %squeeze3A = vector.extract %slice3A[0] : i32 from vector<1xi32>
          %get3A_138 = arith.index_cast %squeeze3A : i32 to index
          %get3A_139 = arith.constant 0 : index
          %get3A_140 = tpu.vector_load %arg9[%get3A_138, %get3A_139] {strides = array<i32>} : memref<32x128xf32, #tpu.memory_space<vmem>>, vector<16xf32>,
          %get3A_141 = arith.index_cast %while3A_135 : i32 to index
          %get3A_142 = arith.constant 0 : index
          %get3A_143 = tpu.vector_load %arg12[%get3A_141, %get3A_142] {strides = array<i32>} : memref<128x128xf32, #tpu.memory_space<vmem>>, vector<16xf32>,
          %mul3A_144 = arith.constant 9.900000e-01 : f32
          %mul3A_145 = vector.broadcast %mul3A_144 : f32 to vector<16xf32>
          %mul3A_146 = arith.mulf %get3A_140, %mul3A_145 : vector<16xf32>
          %mul3A_147 = arith.constant 0.00999999977 : f32
          %mul3A_148 = vector.broadcast %mul3A_147 : f32 to vector<16xf32>
          %mul3A_149 = arith.mulf %get3A_143, %mul3A_148 : vector<16xf32>
          %add3A_150 = arith.addf %mul3A_146, %mul3A_149 : vector<16xf32>
          %mul3A_151 = arith.mulf %add3A_150, %add3A_150 : vector<16xf32>
          %get3A_152 = arith.index_cast %squeeze3A : i32 to index
          %get3A_153 = arith.constant 16 : index
          %get3A_154 = tpu.vector_load %arg9[%get3A_152, %get3A_153] {strides = array<i32>} : memref<32x128xf32, #tpu.memory_space<vmem>>, vector<16xf32>,
          %get3A_155 = arith.index_cast %while3A_135 : i32 to index
          %get3A_156 = arith.constant 16 : index
          %get3A_157 = tpu.vector_load %arg12[%get3A_155, %get3A_156] {strides = array<i32>} : memref<128x128xf32, #tpu.memory_space<vmem>>, vector<16xf32>,
          %mul3A_158 = arith.constant 9.900000e-01 : f32
          %mul3A_159 = vector.broadcast %mul3A_158 : f32 to vector<16xf32>
          %mul3A_160 = arith.mulf %get3A_154, %mul3A_159 : vector<16xf32>
          %mul3A_161 = arith.constant 0.00999999977 : f32
          %mul3A_162 = vector.broadcast %mul3A_161 : f32 to vector<16xf32>
          %mul3A_163 = arith.mulf %get3A_157, %mul3A_162 : vector<16xf32>
          %add3A_164 = arith.addf %mul3A_160, %mul3A_163 : vector<16xf32>
          %mul3A_165 = arith.mulf %add3A_164, %add3A_164 : vector<16xf32>
          %get3A_166 = arith.index_cast %squeeze3A : i32 to index
          %get3A_167 = arith.constant 32 : index
          %get3A_168 = tpu.vector_load %arg9[%get3A_166, %get3A_167] {strides = array<i32>} : memref<32x128xf32, #tpu.memory_space<vmem>>, vector<16xf32>,
          %get3A_169 = arith.index_cast %while3A_135 : i32 to index
          %get3A_170 = arith.constant 32 : index
          %get3A_171 = tpu.vector_load %arg12[%get3A_169, %get3A_170] {strides = array<i32>} : memref<128x128xf32, #tpu.memory_space<vmem>>, vector<16xf32>,
          %mul3A_172 = arith.constant 9.900000e-01 : f32
          %mul3A_173 = vector.broadcast %mul3A_172 : f32 to vector<16xf32>
          %mul3A_174 = arith.mulf %get3A_168, %mul3A_173 : vector<16xf32>
          %mul3A_175 = arith.constant 0.00999999977 : f32
          %mul3A_176 = vector.broadcast %mul3A_175 : f32 to vector<16xf32>
          %mul3A_177 = arith.mulf %get3A_171, %mul3A_176 : vector<16xf32>
          %add3A_178 = arith.addf %mul3A_174, %mul3A_177 : vector<16xf32>
          %mul3A_179 = arith.mulf %add3A_178, %add3A_178 : vector<16xf32>
          %get3A_180 = arith.index_cast %squeeze3A : i32 to index
          %get3A_181 = arith.constant 48 : index
          %get3A_182 = tpu.vector_load %arg9[%get3A_180, %get3A_181] {strides = array<i32>} : memref<32x128xf32, #tpu.memory_space<vmem>>, vector<16xf32>,
          %get3A_183 = arith.index_cast %while3A_135 : i32 to index
          %get3A_184 = arith.constant 48 : index
          %get3A_185 = tpu.vector_load %arg12[%get3A_183, %get3A_184] {strides = array<i32>} : memref<128x128xf32, #tpu.memory_space<vmem>>, vector<16xf32>,
          %mul3A_186 = arith.constant 9.900000e-01 : f32
          %mul3A_187 = vector.broadcast %mul3A_186 : f32 to vector<16xf32>
          %mul3A_188 = arith.mulf %get3A_182, %mul3A_187 : vector<16xf32>
          %mul3A_189 = arith.constant 0.00999999977 : f32
          %mul3A_190 = vector.broadcast %mul3A_189 : f32 to vector<16xf32>
          %mul3A_191 = arith.mulf %get3A_185, %mul3A_190 : vector<16xf32>
          %add3A_192 = arith.addf %mul3A_188, %mul3A_191 : vector<16xf32>
          %mul3A_193 = arith.mulf %add3A_192, %add3A_192 : vector<16xf32>
          %get3A_194 = arith.index_cast %squeeze3A : i32 to index
          %get3A_195 = arith.constant 64 : index
          %get3A_196 = tpu.vector_load %arg9[%get3A_194, %get3A_195] {strides = array<i32>} : memref<32x128xf32, #tpu.memory_space<vmem>>, vector<16xf32>,
          %get3A_197 = arith.index_cast %while3A_135 : i32 to index
          %get3A_198 = arith.constant 64 : index
          %get3A_199 = tpu.vector_load %arg12[%get3A_197, %get3A_198] {strides = array<i32>} : memref<128x128xf32, #tpu.memory_space<vmem>>, vector<16xf32>,
          %mul3A_200 = arith.constant 9.900000e-01 : f32
          %mul3A_201 = vector.broadcast %mul3A_200 : f32 to vector<16xf32>
          %mul3A_202 = arith.mulf %get3A_196, %mul3A_201 : vector<16xf32>
          %mul3A_203 = arith.constant 0.00999999977 : f32
          %mul3A_204 = vector.broadcast %mul3A_203 : f32 to vector<16xf32>
          %mul3A_205 = arith.mulf %get3A_199, %mul3A_204 : vector<16xf32>
          %add3A_206 = arith.addf %mul3A_202, %mul3A_205 : vector<16xf32>
          %mul3A_207 = arith.mulf %add3A_206, %add3A_206 : vector<16xf32>
          %get3A_208 = arith.index_cast %squeeze3A : i32 to index
          %get3A_209 = arith.constant 80 : index
          %get3A_210 = tpu.vector_load %arg9[%get3A_208, %get3A_209] {strides = array<i32>} : memref<32x128xf32, #tpu.memory_space<vmem>>, vector<16xf32>,
          %get3A_211 = arith.index_cast %while3A_135 : i32 to index
          %get3A_212 = arith.constant 80 : index
          %get3A_213 = tpu.vector_load %arg12[%get3A_211, %get3A_212] {strides = array<i32>} : memref<128x128xf32, #tpu.memory_space<vmem>>, vector<16xf32>,
          %mul3A_214 = arith.constant 9.900000e-01 : f32
          %mul3A_215 = vector.broadcast %mul3A_214 : f32 to vector<16xf32>
          %mul3A_216 = arith.mulf %get3A_210, %mul3A_215 : vector<16xf32>
          %mul3A_217 = arith.constant 0.00999999977 : f32
          %mul3A_218 = vector.broadcast %mul3A_217 : f32 to vector<16xf32>
          %mul3A_219 = arith.mulf %get3A_213, %mul3A_218 : vector<16xf32>
          %add3A_220 = arith.addf %mul3A_216, %mul3A_219 : vector<16xf32>
          %mul3A_221 = arith.mulf %add3A_220, %add3A_220 : vector<16xf32>
          %get3A_222 = arith.index_cast %squeeze3A : i32 to index
          %get3A_223 = arith.constant 96 : index
          %get3A_224 = tpu.vector_load %arg9[%get3A_222, %get3A_223] {strides = array<i32>} : memref<32x128xf32, #tpu.memory_space<vmem>>, vector<16xf32>,
          %get3A_225 = arith.index_cast %while3A_135 : i32 to index
          %get3A_226 = arith.constant 96 : index
          %get3A_227 = tpu.vector_load %arg12[%get3A_225, %get3A_226] {strides = array<i32>} : memref<128x128xf32, #tpu.memory_space<vmem>>, vector<16xf32>,
          %mul3A_228 = arith.constant 9.900000e-01 : f32
          %mul3A_229 = vector.broadcast %mul3A_228 : f32 to vector<16xf32>
          %mul3A_230 = arith.mulf %get3A_224, %mul3A_229 : vector<16xf32>
          %mul3A_231 = arith.constant 0.00999999977 : f32
          %mul3A_232 = vector.broadcast %mul3A_231 : f32 to vector<16xf32>
          %mul3A_233 = arith.mulf %get3A_227, %mul3A_232 : vector<16xf32>
          %add3A_234 = arith.addf %mul3A_230, %mul3A_233 : vector<16xf32>
          %mul3A_235 = arith.mulf %add3A_234, %add3A_234 : vector<16xf32>
          %get3A_236 = arith.index_cast %squeeze3A : i32 to index
          %get3A_237 = arith.constant 112 : index
          %get3A_238 = tpu.vector_load %arg9[%get3A_236, %get3A_237] {strides = array<i32>} : memref<32x128xf32, #tpu.memory_space<vmem>>, vector<16xf32>,
          %get3A_239 = arith.index_cast %while3A_135 : i32 to index
          %get3A_240 = arith.constant 112 : index
          %get3A_241 = tpu.vector_load %arg12[%get3A_239, %get3A_240] {strides = array<i32>} : memref<128x128xf32, #tpu.memory_space<vmem>>, vector<16xf32>,
          %mul3A_242 = arith.constant 9.900000e-01 : f32
          %mul3A_243 = vector.broadcast %mul3A_242 : f32 to vector<16xf32>
          %mul3A_244 = arith.mulf %get3A_238, %mul3A_243 : vector<16xf32>
          %mul3A_245 = arith.constant 0.00999999977 : f32
          %mul3A_246 = vector.broadcast %mul3A_245 : f32 to vector<16xf32>
          %mul3A_247 = arith.mulf %get3A_241, %mul3A_246 : vector<16xf32>
          %add3A_248 = arith.addf %mul3A_244, %mul3A_247 : vector<16xf32>
          %mul3A_249 = arith.mulf %add3A_248, %add3A_248 : vector<16xf32>
          %add3A_250 = arith.addf %mul3A_151, %mul3A_165 : vector<16xf32>
          %add3A_251 = arith.addf %mul3A_179, %mul3A_193 : vector<16xf32>
          %add3A_252 = arith.addf %mul3A_207, %mul3A_221 : vector<16xf32>
          %add3A_253 = arith.addf %mul3A_235, %mul3A_249 : vector<16xf32>
          %add3A_254 = arith.addf %add3A_250, %add3A_251 : vector<16xf32>
          %add3A_255 = arith.addf %add3A_252, %add3A_253 : vector<16xf32>
          %add3A_256 = arith.addf %add3A_254, %add3A_255 : vector<16xf32>
          %reduce_sum3A = arith.constant true
          %reduce_sum3A_257 = vector.broadcast %reduce_sum3A : i1 to vector<16xi1>
          %reduce_sum3A_258 = tpu.scan <sum>, %add3A_256 masked %reduce_sum3A_257 : vector<16xf32>, vector<16xi1> -> vector<16xf32>
          %reduce_sum3A_259 = vector.extract %reduce_sum3A_258[15] : f32 from vector<16xf32>
          %max3A = arith.constant 1.000000e-24 : f32
          %max3A_260 = arith.maximumf %reduce_sum3A_259, %max3A : f32
          %bitcast_convert_type3A = arith.bitcast %max3A_260 : f32 to i32
          %shift_right_logical3A = arith.constant 1 : i32
          %shift_right_logical3A_261 = arith.shrui %bitcast_convert_type3A, %shift_right_logical3A : i32
          %sub3A_262 = arith.constant 1597463007 : i32
          %sub3A_263 = arith.subi %sub3A_262, %shift_right_logical3A_261 : i32
          %bitcast_convert_type3A_264 = arith.bitcast %sub3A_263 : i32 to f32
          %mul3A_265 = arith.constant 5.000000e-01 : f32
          %mul3A_266 = arith.mulf %mul3A_265, %max3A_260 : f32
          %mul3A_267 = arith.mulf %mul3A_266, %bitcast_convert_type3A_264 : f32
          %mul3A_268 = arith.mulf %mul3A_267, %bitcast_convert_type3A_264 : f32
          %sub3A_269 = arith.constant 1.500000e+00 : f32
          %sub3A_270 = arith.subf %sub3A_269, %mul3A_268 : f32
          %mul3A_271 = arith.mulf %bitcast_convert_type3A_264, %sub3A_270 : f32
          %mul3A_272 = arith.constant 5.000000e-01 : f32
          %mul3A_273 = arith.mulf %mul3A_272, %max3A_260 : f32
          %mul3A_274 = arith.mulf %mul3A_273, %mul3A_271 : f32
          %mul3A_275 = arith.mulf %mul3A_274, %mul3A_271 : f32
          %sub3A_276 = arith.constant 1.500000e+00 : f32
          %sub3A_277 = arith.subf %sub3A_276, %mul3A_275 : f32
          %mul3A_278 = arith.mulf %mul3A_271, %sub3A_277 : f32
          %mul3A_279 = arith.constant 5.000000e-01 : f32
          %mul3A_280 = arith.mulf %mul3A_279, %max3A_260 : f32
          %mul3A_281 = arith.mulf %mul3A_280, %mul3A_278 : f32
          %mul3A_282 = arith.mulf %mul3A_281, %mul3A_278 : f32
          %sub3A_283 = arith.constant 1.500000e+00 : f32
          %sub3A_284 = arith.subf %sub3A_283, %mul3A_282 : f32
          %mul3A_285 = arith.mulf %mul3A_278, %sub3A_284 : f32
          %mul3A_286 = vector.broadcast %mul3A_285 : f32 to vector<16xf32>
          %mul3A_287 = arith.mulf %add3A_150, %mul3A_286 : vector<16xf32>
          %swap3A = arith.index_cast %squeeze3A : i32 to index
          %swap3A_288 = arith.constant 0 : index
          %swap3A_289 = tpu.vector_load %arg9[%swap3A, %swap3A_288] {strides = array<i32>} : memref<32x128xf32, #tpu.memory_space<vmem>>, vector<16xf32>,
          tpu.vector_store %arg9[%swap3A, %swap3A_288], %mul3A_287 {strides = array<i32>} : memref<32x128xf32, #tpu.memory_space<vmem>>, vector<16xf32>,
          %mul3A_290 = vector.broadcast %mul3A_285 : f32 to vector<16xf32>
          %mul3A_291 = arith.mulf %add3A_164, %mul3A_290 : vector<16xf32>
          %swap3A_292 = arith.index_cast %squeeze3A : i32 to index
          %swap3A_293 = arith.constant 16 : index
          %swap3A_294 = tpu.vector_load %arg9[%swap3A_292, %swap3A_293] {strides = array<i32>} : memref<32x128xf32, #tpu.memory_space<vmem>>, vector<16xf32>,
          tpu.vector_store %arg9[%swap3A_292, %swap3A_293], %mul3A_291 {strides = array<i32>} : memref<32x128xf32, #tpu.memory_space<vmem>>, vector<16xf32>,
          %mul3A_295 = vector.broadcast %mul3A_285 : f32 to vector<16xf32>
          %mul3A_296 = arith.mulf %add3A_178, %mul3A_295 : vector<16xf32>
          %swap3A_297 = arith.index_cast %squeeze3A : i32 to index
          %swap3A_298 = arith.constant 32 : index
          %swap3A_299 = tpu.vector_load %arg9[%swap3A_297, %swap3A_298] {strides = array<i32>} : memref<32x128xf32, #tpu.memory_space<vmem>>, vector<16xf32>,
          tpu.vector_store %arg9[%swap3A_297, %swap3A_298], %mul3A_296 {strides = array<i32>} : memref<32x128xf32, #tpu.memory_space<vmem>>, vector<16xf32>,
          %mul3A_300 = vector.broadcast %mul3A_285 : f32 to vector<16xf32>
          %mul3A_301 = arith.mulf %add3A_192, %mul3A_300 : vector<16xf32>
          %swap3A_302 = arith.index_cast %squeeze3A : i32 to index
          %swap3A_303 = arith.constant 48 : index
          %swap3A_304 = tpu.vector_load %arg9[%swap3A_302, %swap3A_303] {strides = array<i32>} : memref<32x128xf32, #tpu.memory_space<vmem>>, vector<16xf32>,
          tpu.vector_store %arg9[%swap3A_302, %swap3A_303], %mul3A_301 {strides = array<i32>} : memref<32x128xf32, #tpu.memory_space<vmem>>, vector<16xf32>,
          %mul3A_305 = vector.broadcast %mul3A_285 : f32 to vector<16xf32>
          %mul3A_306 = arith.mulf %add3A_206, %mul3A_305 : vector<16xf32>
          %swap3A_307 = arith.index_cast %squeeze3A : i32 to index
          %swap3A_308 = arith.constant 64 : index
          %swap3A_309 = tpu.vector_load %arg9[%swap3A_307, %swap3A_308] {strides = array<i32>} : memref<32x128xf32, #tpu.memory_space<vmem>>, vector<16xf32>,
          tpu.vector_store %arg9[%swap3A_307, %swap3A_308], %mul3A_306 {strides = array<i32>} : memref<32x128xf32, #tpu.memory_space<vmem>>, vector<16xf32>,
          %mul3A_310 = vector.broadcast %mul3A_285 : f32 to vector<16xf32>
          %mul3A_311 = arith.mulf %add3A_220, %mul3A_310 : vector<16xf32>
          %swap3A_312 = arith.index_cast %squeeze3A : i32 to index
          %swap3A_313 = arith.constant 80 : index
          %swap3A_314 = tpu.vector_load %arg9[%swap3A_312, %swap3A_313] {strides = array<i32>} : memref<32x128xf32, #tpu.memory_space<vmem>>, vector<16xf32>,
          tpu.vector_store %arg9[%swap3A_312, %swap3A_313], %mul3A_311 {strides = array<i32>} : memref<32x128xf32, #tpu.memory_space<vmem>>, vector<16xf32>,
          %mul3A_315 = vector.broadcast %mul3A_285 : f32 to vector<16xf32>
          %mul3A_316 = arith.mulf %add3A_234, %mul3A_315 : vector<16xf32>
          %swap3A_317 = arith.index_cast %squeeze3A : i32 to index
          %swap3A_318 = arith.constant 96 : index
          %swap3A_319 = tpu.vector_load %arg9[%swap3A_317, %swap3A_318] {strides = array<i32>} : memref<32x128xf32, #tpu.memory_space<vmem>>, vector<16xf32>,
          tpu.vector_store %arg9[%swap3A_317, %swap3A_318], %mul3A_316 {strides = array<i32>} : memref<32x128xf32, #tpu.memory_space<vmem>>, vector<16xf32>,
          %mul3A_320 = vector.broadcast %mul3A_285 : f32 to vector<16xf32>
          %mul3A_321 = arith.mulf %add3A_248, %mul3A_320 : vector<16xf32>
          %swap3A_322 = arith.index_cast %squeeze3A : i32 to index
          %swap3A_323 = arith.constant 112 : index
          %swap3A_324 = tpu.vector_load %arg9[%swap3A_322, %swap3A_323] {strides = array<i32>} : memref<32x128xf32, #tpu.memory_space<vmem>>, vector<16xf32>,
          tpu.vector_store %arg9[%swap3A_322, %swap3A_323], %mul3A_321 {strides = array<i32>} : memref<32x128xf32, #tpu.memory_space<vmem>>, vector<16xf32>,
        }
      } else {
      }
      %add3A_70 = arith.constant 1 : i32
      %add3A_71 = arith.addi %mul3A_66, %add3A_70 : i32
      %lt3A_72 = arith.cmpi slt, %add3A_71, %select_n3A : i32
      %convert_element_type3A_73 = arith.extui %lt3A_72 : i1 to i32
      %cond3A_74 = arith.constant 0 : i32
      %cond3A_75 = arith.cmpi ne, %convert_element_type3A_73, %cond3A_74 : i32
      scf.if %cond3A_75 {
        %add3A_76 = arith.constant 2 : i32
        %add3A_77 = arith.addi %mul3A_66, %add3A_76 : i32
        %lt3A_78 = arith.cmpi slt, %add3A_77, %select_n3A : i32
        %convert_element_type3A_79 = arith.extui %lt3A_78 : i1 to i32
        %cond3A_80 = arith.constant 0 : i32
        %cond3A_81 = arith.cmpi ne, %convert_element_type3A_79, %cond3A_80 : i32
        scf.if %cond3A_81 {
          %add3A_137 = arith.constant 2 : i32
          %add3A_138 = arith.addi %mul3A_66, %add3A_137 : i32
          %mul3A_139 = arith.constant 128 : i32
          %mul3A_140 = arith.muli %add3A_138, %mul3A_139 : i32
          %add3A_141 = arith.constant 0 : i32
          %add3A_142 = arith.addi %mul3A_140, %add3A_141 : i32
          %get3A = arith.index_cast %add3A_142 : i32 to index
          %get3A_143 = tpu.vector_load %arg7[%get3A] {strides = array<i32>} : memref<16512xi32, #tpu.memory_space<vmem>>, vector<16xi32>,
          %add3A_144 = arith.constant 0 : i32
          %add3A_145 = arith.addi %mul3A_140, %add3A_144 : i32
          %add3A_146 = vector.broadcast %add3A_145 : i32 to vector<16xi32>
          %add3A_147 = arith.addi %add3A_146, %iota3A : vector<16xi32>
          %lt3A_148 = vector.broadcast %scan3A_7 : i32 to vector<16xi32>
          %lt3A_149 = arith.cmpi slt, %add3A_147, %lt3A_148 : vector<16xi32>
          %jit3A_150 = arith.constant 0 : i32
          %broadcast_in_dim3A = vector.broadcast %jit3A_150 : i32 to vector<16xi32>
          %select_n3A_151 = arith.select %lt3A_149, %get3A_143, %broadcast_in_dim3A : vector<16xi1>, vector<16xi32>
          %swap3A = arith.constant 0 : i32
          %swap3A_152 = arith.index_cast %swap3A : i32 to index
          %swap3A_153 = arith.constant 0 : index
          %swap3A_154 = tpu.vector_load %arg10[%swap3A_152, %swap3A_153] {strides = array<i32>} : memref<4x32xi32, #tpu.memory_space<vmem>>, vector<16xi32>,
          tpu.vector_store %arg10[%swap3A_152, %swap3A_153], %select_n3A_151 {strides = array<i32>} : memref<4x32xi32, #tpu.memory_space<vmem>>, vector<16xi32>,
          %add3A_155 = arith.constant 16 : i32
          %add3A_156 = arith.addi %mul3A_140, %add3A_155 : i32
          %get3A_157 = arith.index_cast %add3A_156 : i32 to index
          %get3A_158 = tpu.vector_load %arg7[%get3A_157] {strides = array<i32>} : memref<16512xi32, #tpu.memory_space<vmem>>, vector<16xi32>,
          %add3A_159 = arith.constant 16 : i32
          %add3A_160 = arith.addi %mul3A_140, %add3A_159 : i32
          %add3A_161 = vector.broadcast %add3A_160 : i32 to vector<16xi32>
          %add3A_162 = arith.addi %add3A_161, %iota3A : vector<16xi32>
          %lt3A_163 = vector.broadcast %scan3A_7 : i32 to vector<16xi32>
          %lt3A_164 = arith.cmpi slt, %add3A_162, %lt3A_163 : vector<16xi32>
          %jit3A_165 = arith.constant 0 : i32
          %broadcast_in_dim3A_166 = vector.broadcast %jit3A_165 : i32 to vector<16xi32>
          %select_n3A_167 = arith.select %lt3A_164, %get3A_158, %broadcast_in_dim3A_166 : vector<16xi1>, vector<16xi32>
          %swap3A_168 = arith.constant 0 : i32
          %swap3A_169 = arith.index_cast %swap3A_168 : i32 to index
          %swap3A_170 = arith.constant 16 : index
          %swap3A_171 = tpu.vector_load %arg10[%swap3A_169, %swap3A_170] {strides = array<i32>} : memref<4x32xi32, #tpu.memory_space<vmem>>, vector<16xi32>,
          tpu.vector_store %arg10[%swap3A_169, %swap3A_170], %select_n3A_167 {strides = array<i32>} : memref<4x32xi32, #tpu.memory_space<vmem>>, vector<16xi32>,
          %add3A_172 = arith.constant 32 : i32
          %add3A_173 = arith.addi %mul3A_140, %add3A_172 : i32
          %get3A_174 = arith.index_cast %add3A_173 : i32 to index
          %get3A_175 = tpu.vector_load %arg7[%get3A_174] {strides = array<i32>} : memref<16512xi32, #tpu.memory_space<vmem>>, vector<16xi32>,
          %add3A_176 = arith.constant 32 : i32
          %add3A_177 = arith.addi %mul3A_140, %add3A_176 : i32
          %add3A_178 = vector.broadcast %add3A_177 : i32 to vector<16xi32>
          %add3A_179 = arith.addi %add3A_178, %iota3A : vector<16xi32>
          %lt3A_180 = vector.broadcast %scan3A_7 : i32 to vector<16xi32>
          %lt3A_181 = arith.cmpi slt, %add3A_179, %lt3A_180 : vector<16xi32>
          %jit3A_182 = arith.constant 0 : i32
          %broadcast_in_dim3A_183 = vector.broadcast %jit3A_182 : i32 to vector<16xi32>
          %select_n3A_184 = arith.select %lt3A_181, %get3A_175, %broadcast_in_dim3A_183 : vector<16xi1>, vector<16xi32>
          %swap3A_185 = arith.constant 1 : i32
          %swap3A_186 = arith.index_cast %swap3A_185 : i32 to index
          %swap3A_187 = arith.constant 0 : index
          %swap3A_188 = tpu.vector_load %arg10[%swap3A_186, %swap3A_187] {strides = array<i32>} : memref<4x32xi32, #tpu.memory_space<vmem>>, vector<16xi32>,
          tpu.vector_store %arg10[%swap3A_186, %swap3A_187], %select_n3A_184 {strides = array<i32>} : memref<4x32xi32, #tpu.memory_space<vmem>>, vector<16xi32>,
          %add3A_189 = arith.constant 48 : i32
          %add3A_190 = arith.addi %mul3A_140, %add3A_189 : i32
          %get3A_191 = arith.index_cast %add3A_190 : i32 to index
          %get3A_192 = tpu.vector_load %arg7[%get3A_191] {strides = array<i32>} : memref<16512xi32, #tpu.memory_space<vmem>>, vector<16xi32>,
          %add3A_193 = arith.constant 48 : i32
          %add3A_194 = arith.addi %mul3A_140, %add3A_193 : i32
          %add3A_195 = vector.broadcast %add3A_194 : i32 to vector<16xi32>
          %add3A_196 = arith.addi %add3A_195, %iota3A : vector<16xi32>
          %lt3A_197 = vector.broadcast %scan3A_7 : i32 to vector<16xi32>
          %lt3A_198 = arith.cmpi slt, %add3A_196, %lt3A_197 : vector<16xi32>
          %jit3A_199 = arith.constant 0 : i32
          %broadcast_in_dim3A_200 = vector.broadcast %jit3A_199 : i32 to vector<16xi32>
          %select_n3A_201 = arith.select %lt3A_198, %get3A_192, %broadcast_in_dim3A_200 : vector<16xi1>, vector<16xi32>
          %swap3A_202 = arith.constant 1 : i32
          %swap3A_203 = arith.index_cast %swap3A_202 : i32 to index
          %swap3A_204 = arith.constant 16 : index
          %swap3A_205 = tpu.vector_load %arg10[%swap3A_203, %swap3A_204] {strides = array<i32>} : memref<4x32xi32, #tpu.memory_space<vmem>>, vector<16xi32>,
          tpu.vector_store %arg10[%swap3A_203, %swap3A_204], %select_n3A_201 {strides = array<i32>} : memref<4x32xi32, #tpu.memory_space<vmem>>, vector<16xi32>,
          %add3A_206 = arith.constant 64 : i32
          %add3A_207 = arith.addi %mul3A_140, %add3A_206 : i32
          %get3A_208 = arith.index_cast %add3A_207 : i32 to index
          %get3A_209 = tpu.vector_load %arg7[%get3A_208] {strides = array<i32>} : memref<16512xi32, #tpu.memory_space<vmem>>, vector<16xi32>,
          %add3A_210 = arith.constant 64 : i32
          %add3A_211 = arith.addi %mul3A_140, %add3A_210 : i32
          %add3A_212 = vector.broadcast %add3A_211 : i32 to vector<16xi32>
          %add3A_213 = arith.addi %add3A_212, %iota3A : vector<16xi32>
          %lt3A_214 = vector.broadcast %scan3A_7 : i32 to vector<16xi32>
          %lt3A_215 = arith.cmpi slt, %add3A_213, %lt3A_214 : vector<16xi32>
          %jit3A_216 = arith.constant 0 : i32
          %broadcast_in_dim3A_217 = vector.broadcast %jit3A_216 : i32 to vector<16xi32>
          %select_n3A_218 = arith.select %lt3A_215, %get3A_209, %broadcast_in_dim3A_217 : vector<16xi1>, vector<16xi32>
          %swap3A_219 = arith.constant 2 : i32
          %swap3A_220 = arith.index_cast %swap3A_219 : i32 to index
          %swap3A_221 = arith.constant 0 : index
          %swap3A_222 = tpu.vector_load %arg10[%swap3A_220, %swap3A_221] {strides = array<i32>} : memref<4x32xi32, #tpu.memory_space<vmem>>, vector<16xi32>,
          tpu.vector_store %arg10[%swap3A_220, %swap3A_221], %select_n3A_218 {strides = array<i32>} : memref<4x32xi32, #tpu.memory_space<vmem>>, vector<16xi32>,
          %add3A_223 = arith.constant 80 : i32
          %add3A_224 = arith.addi %mul3A_140, %add3A_223 : i32
          %get3A_225 = arith.index_cast %add3A_224 : i32 to index
          %get3A_226 = tpu.vector_load %arg7[%get3A_225] {strides = array<i32>} : memref<16512xi32, #tpu.memory_space<vmem>>, vector<16xi32>,
          %add3A_227 = arith.constant 80 : i32
          %add3A_228 = arith.addi %mul3A_140, %add3A_227 : i32
          %add3A_229 = vector.broadcast %add3A_228 : i32 to vector<16xi32>
          %add3A_230 = arith.addi %add3A_229, %iota3A : vector<16xi32>
          %lt3A_231 = vector.broadcast %scan3A_7 : i32 to vector<16xi32>
          %lt3A_232 = arith.cmpi slt, %add3A_230, %lt3A_231 : vector<16xi32>
          %jit3A_233 = arith.constant 0 : i32
          %broadcast_in_dim3A_234 = vector.broadcast %jit3A_233 : i32 to vector<16xi32>
          %select_n3A_235 = arith.select %lt3A_232, %get3A_226, %broadcast_in_dim3A_234 : vector<16xi1>, vector<16xi32>
          %swap3A_236 = arith.constant 2 : i32
          %swap3A_237 = arith.index_cast %swap3A_236 : i32 to index
          %swap3A_238 = arith.constant 16 : index
          %swap3A_239 = tpu.vector_load %arg10[%swap3A_237, %swap3A_238] {strides = array<i32>} : memref<4x32xi32, #tpu.memory_space<vmem>>, vector<16xi32>,
          tpu.vector_store %arg10[%swap3A_237, %swap3A_238], %select_n3A_235 {strides = array<i32>} : memref<4x32xi32, #tpu.memory_space<vmem>>, vector<16xi32>,
          %add3A_240 = arith.constant 96 : i32
          %add3A_241 = arith.addi %mul3A_140, %add3A_240 : i32
          %get3A_242 = arith.index_cast %add3A_241 : i32 to index
          %get3A_243 = tpu.vector_load %arg7[%get3A_242] {strides = array<i32>} : memref<16512xi32, #tpu.memory_space<vmem>>, vector<16xi32>,
          %add3A_244 = arith.constant 96 : i32
          %add3A_245 = arith.addi %mul3A_140, %add3A_244 : i32
          %add3A_246 = vector.broadcast %add3A_245 : i32 to vector<16xi32>
          %add3A_247 = arith.addi %add3A_246, %iota3A : vector<16xi32>
          %lt3A_248 = vector.broadcast %scan3A_7 : i32 to vector<16xi32>
          %lt3A_249 = arith.cmpi slt, %add3A_247, %lt3A_248 : vector<16xi32>
          %jit3A_250 = arith.constant 0 : i32
          %broadcast_in_dim3A_251 = vector.broadcast %jit3A_250 : i32 to vector<16xi32>
          %select_n3A_252 = arith.select %lt3A_249, %get3A_243, %broadcast_in_dim3A_251 : vector<16xi1>, vector<16xi32>
          %swap3A_253 = arith.constant 3 : i32
          %swap3A_254 = arith.index_cast %swap3A_253 : i32 to index
          %swap3A_255 = arith.constant 0 : index
          %swap3A_256 = tpu.vector_load %arg10[%swap3A_254, %swap3A_255] {strides = array<i32>} : memref<4x32xi32, #tpu.memory_space<vmem>>, vector<16xi32>,
          tpu.vector_store %arg10[%swap3A_254, %swap3A_255], %select_n3A_252 {strides = array<i32>} : memref<4x32xi32, #tpu.memory_space<vmem>>, vector<16xi32>,
          %add3A_257 = arith.constant 112 : i32
          %add3A_258 = arith.addi %mul3A_140, %add3A_257 : i32
          %get3A_259 = arith.index_cast %add3A_258 : i32 to index
          %get3A_260 = tpu.vector_load %arg7[%get3A_259] {strides = array<i32>} : memref<16512xi32, #tpu.memory_space<vmem>>, vector<16xi32>,
          %add3A_261 = arith.constant 112 : i32
          %add3A_262 = arith.addi %mul3A_140, %add3A_261 : i32
          %add3A_263 = vector.broadcast %add3A_262 : i32 to vector<16xi32>
          %add3A_264 = arith.addi %add3A_263, %iota3A : vector<16xi32>
          %lt3A_265 = vector.broadcast %scan3A_7 : i32 to vector<16xi32>
          %lt3A_266 = arith.cmpi slt, %add3A_264, %lt3A_265 : vector<16xi32>
          %jit3A_267 = arith.constant 0 : i32
          %broadcast_in_dim3A_268 = vector.broadcast %jit3A_267 : i32 to vector<16xi32>
          %select_n3A_269 = arith.select %lt3A_266, %get3A_260, %broadcast_in_dim3A_268 : vector<16xi1>, vector<16xi32>
          %swap3A_270 = arith.constant 3 : i32
          %swap3A_271 = arith.index_cast %swap3A_270 : i32 to index
          %swap3A_272 = arith.constant 16 : index
          %swap3A_273 = tpu.vector_load %arg10[%swap3A_271, %swap3A_272] {strides = array<i32>} : memref<4x32xi32, #tpu.memory_space<vmem>>, vector<16xi32>,
          tpu.vector_store %arg10[%swap3A_271, %swap3A_272], %select_n3A_269 {strides = array<i32>} : memref<4x32xi32, #tpu.memory_space<vmem>>, vector<16xi32>,
          %dma_start3A = arith.constant 0 : i32
          %dma_start3A_274 = arith.constant 0 : i32
          %dma_start3A_275 = arith.constant 0 : i32
          %dma_start3A_276 = tpu.memref_slice %arg12[%dma_start3A_274, %dma_start3A_275] : memref<128x128xf32, #tpu.memory_space<vmem>> -> memref<32x128xf32, #tpu.memory_space<vmem>>
          %dma_start3A_277 = arith.constant 0 : i32
          %dma_start3A_278 = tpu.memref_slice %arg10[%dma_start3A, %dma_start3A_277] : memref<4x32xi32, #tpu.memory_space<vmem>> -> memref<1x32xi32, #tpu.memory_space<vmem>>
          %dma_start3A_279 = tpu.memref_squeeze %dma_start3A_278 : memref<1x32xi32, #tpu.memory_space<vmem>> -> memref<32xi32, #tpu.memory_space<vmem>>
          %dma_start3A_280 = arith.constant 0 : i32
          %dma_start3A_281 = arith.constant 0 : i32
          %dma_start3A_282 = tpu.memref_slice %arg2[%dma_start3A_280, %dma_start3A_281] : memref<16384x128xf32, #tpu.memory_space<hbm>> -> memref<16384x128xf32, #tpu.memory_space<hbm>>
          tpu.enqueue_indirect_dma source(%dma_start3A_282 : memref<16384x128xf32, #tpu.memory_space<hbm>>) target(%dma_start3A_276 : memref<32x128xf32, #tpu.memory_space<vmem>>) offsets(%dma_start3A_279 : memref<32xi32, #tpu.memory_space<vmem>>) semaphore(%arg14 : memref<!tpu.dma_semaphore, #tpu.memory_space<semaphore_mem>>)
          %dma_start3A_283 = arith.constant 1 : i32
          %dma_start3A_284 = arith.constant 32 : i32
          %dma_start3A_285 = arith.constant 0 : i32
          %dma_start3A_286 = tpu.memref_slice %arg12[%dma_start3A_284, %dma_start3A_285] : memref<128x128xf32, #tpu.memory_space<vmem>> -> memref<32x128xf32, #tpu.memory_space<vmem>>
          %dma_start3A_287 = arith.constant 0 : i32
          %dma_start3A_288 = tpu.memref_slice %arg10[%dma_start3A_283, %dma_start3A_287] : memref<4x32xi32, #tpu.memory_space<vmem>> -> memref<1x32xi32, #tpu.memory_space<vmem>>
          %dma_start3A_289 = tpu.memref_squeeze %dma_start3A_288 : memref<1x32xi32, #tpu.memory_space<vmem>> -> memref<32xi32, #tpu.memory_space<vmem>>
          %dma_start3A_290 = arith.constant 0 : i32
          %dma_start3A_291 = arith.constant 0 : i32
          %dma_start3A_292 = tpu.memref_slice %arg2[%dma_start3A_290, %dma_start3A_291] : memref<16384x128xf32, #tpu.memory_space<hbm>> -> memref<16384x128xf32, #tpu.memory_space<hbm>>
          tpu.enqueue_indirect_dma source(%dma_start3A_292 : memref<16384x128xf32, #tpu.memory_space<hbm>>) target(%dma_start3A_286 : memref<32x128xf32, #tpu.memory_space<vmem>>) offsets(%dma_start3A_289 : memref<32xi32, #tpu.memory_space<vmem>>) semaphore(%arg14 : memref<!tpu.dma_semaphore, #tpu.memory_space<semaphore_mem>>)
          %dma_start3A_293 = arith.constant 2 : i32
          %dma_start3A_294 = arith.constant 64 : i32
          %dma_start3A_295 = arith.constant 0 : i32
          %dma_start3A_296 = tpu.memref_slice %arg12[%dma_start3A_294, %dma_start3A_295] : memref<128x128xf32, #tpu.memory_space<vmem>> -> memref<32x128xf32, #tpu.memory_space<vmem>>
          %dma_start3A_297 = arith.constant 0 : i32
          %dma_start3A_298 = tpu.memref_slice %arg10[%dma_start3A_293, %dma_start3A_297] : memref<4x32xi32, #tpu.memory_space<vmem>> -> memref<1x32xi32, #tpu.memory_space<vmem>>
          %dma_start3A_299 = tpu.memref_squeeze %dma_start3A_298 : memref<1x32xi32, #tpu.memory_space<vmem>> -> memref<32xi32, #tpu.memory_space<vmem>>
          %dma_start3A_300 = arith.constant 0 : i32
          %dma_start3A_301 = arith.constant 0 : i32
          %dma_start3A_302 = tpu.memref_slice %arg2[%dma_start3A_300, %dma_start3A_301] : memref<16384x128xf32, #tpu.memory_space<hbm>> -> memref<16384x128xf32, #tpu.memory_space<hbm>>
          tpu.enqueue_indirect_dma source(%dma_start3A_302 : memref<16384x128xf32, #tpu.memory_space<hbm>>) target(%dma_start3A_296 : memref<32x128xf32, #tpu.memory_space<vmem>>) offsets(%dma_start3A_299 : memref<32xi32, #tpu.memory_space<vmem>>) semaphore(%arg14 : memref<!tpu.dma_semaphore, #tpu.memory_space<semaphore_mem>>)
          %dma_start3A_303 = arith.constant 3 : i32
          %dma_start3A_304 = arith.constant 96 : i32
          %dma_start3A_305 = arith.constant 0 : i32
          %dma_start3A_306 = tpu.memref_slice %arg12[%dma_start3A_304, %dma_start3A_305] : memref<128x128xf32, #tpu.memory_space<vmem>> -> memref<32x128xf32, #tpu.memory_space<vmem>>
          %dma_start3A_307 = arith.constant 0 : i32
          %dma_start3A_308 = tpu.memref_slice %arg10[%dma_start3A_303, %dma_start3A_307] : memref<4x32xi32, #tpu.memory_space<vmem>> -> memref<1x32xi32, #tpu.memory_space<vmem>>
          %dma_start3A_309 = tpu.memref_squeeze %dma_start3A_308 : memref<1x32xi32, #tpu.memory_space<vmem>> -> memref<32xi32, #tpu.memory_space<vmem>>
          %dma_start3A_310 = arith.constant 0 : i32
          %dma_start3A_311 = arith.constant 0 : i32
          %dma_start3A_312 = tpu.memref_slice %arg2[%dma_start3A_310, %dma_start3A_311] : memref<16384x128xf32, #tpu.memory_space<hbm>> -> memref<16384x128xf32, #tpu.memory_space<hbm>>
          tpu.enqueue_indirect_dma source(%dma_start3A_312 : memref<16384x128xf32, #tpu.memory_space<hbm>>) target(%dma_start3A_306 : memref<32x128xf32, #tpu.memory_space<vmem>>) offsets(%dma_start3A_309 : memref<32xi32, #tpu.memory_space<vmem>>) semaphore(%arg14 : memref<!tpu.dma_semaphore, #tpu.memory_space<semaphore_mem>>)
        } else {
        }
        %dma_wait3A = arith.constant 0 : i32
        %dma_wait3A_82 = arith.constant 0 : i32
        %dma_wait3A_83 = arith.constant 0 : i32
        %dma_wait3A_84 = tpu.memref_slice %arg13[%dma_wait3A_82, %dma_wait3A_83] : memref<128x128xf32, #tpu.memory_space<vmem>> -> memref<32x128xf32, #tpu.memory_space<vmem>>
        %dma_wait3A_85 = arith.constant 0 : i32
        %dma_wait3A_86 = tpu.memref_slice %arg11[%dma_wait3A, %dma_wait3A_85] : memref<4x32xi32, #tpu.memory_space<vmem>> -> memref<1x32xi32, #tpu.memory_space<vmem>>
        %dma_wait3A_87 = tpu.memref_squeeze %dma_wait3A_86 : memref<1x32xi32, #tpu.memory_space<vmem>> -> memref<32xi32, #tpu.memory_space<vmem>>
        %dma_wait3A_88 = arith.constant 0 : i32
        %dma_wait3A_89 = arith.constant 0 : i32
        %dma_wait3A_90 = tpu.memref_slice %arg2[%dma_wait3A_88, %dma_wait3A_89] : memref<16384x128xf32, #tpu.memory_space<hbm>> -> memref<16384x128xf32, #tpu.memory_space<hbm>>
        tpu.wait_indirect_dma semaphore(%arg15 : memref<!tpu.dma_semaphore, #tpu.memory_space<semaphore_mem>>) src(%dma_wait3A_90 : memref<16384x128xf32, #tpu.memory_space<hbm>>) dst(%dma_wait3A_84 : memref<32x128xf32, #tpu.memory_space<vmem>>)
        %dma_wait3A_91 = arith.constant 1 : i32
        %dma_wait3A_92 = arith.constant 32 : i32
        %dma_wait3A_93 = arith.constant 0 : i32
        %dma_wait3A_94 = tpu.memref_slice %arg13[%dma_wait3A_92, %dma_wait3A_93] : memref<128x128xf32, #tpu.memory_space<vmem>> -> memref<32x128xf32, #tpu.memory_space<vmem>>
        %dma_wait3A_95 = arith.constant 0 : i32
        %dma_wait3A_96 = tpu.memref_slice %arg11[%dma_wait3A_91, %dma_wait3A_95] : memref<4x32xi32, #tpu.memory_space<vmem>> -> memref<1x32xi32, #tpu.memory_space<vmem>>
        %dma_wait3A_97 = tpu.memref_squeeze %dma_wait3A_96 : memref<1x32xi32, #tpu.memory_space<vmem>> -> memref<32xi32, #tpu.memory_space<vmem>>
        %dma_wait3A_98 = arith.constant 0 : i32
        %dma_wait3A_99 = arith.constant 0 : i32
        %dma_wait3A_100 = tpu.memref_slice %arg2[%dma_wait3A_98, %dma_wait3A_99] : memref<16384x128xf32, #tpu.memory_space<hbm>> -> memref<16384x128xf32, #tpu.memory_space<hbm>>
        tpu.wait_indirect_dma semaphore(%arg15 : memref<!tpu.dma_semaphore, #tpu.memory_space<semaphore_mem>>) src(%dma_wait3A_100 : memref<16384x128xf32, #tpu.memory_space<hbm>>) dst(%dma_wait3A_94 : memref<32x128xf32, #tpu.memory_space<vmem>>)
        %dma_wait3A_101 = arith.constant 2 : i32
        %dma_wait3A_102 = arith.constant 64 : i32
        %dma_wait3A_103 = arith.constant 0 : i32
        %dma_wait3A_104 = tpu.memref_slice %arg13[%dma_wait3A_102, %dma_wait3A_103] : memref<128x128xf32, #tpu.memory_space<vmem>> -> memref<32x128xf32, #tpu.memory_space<vmem>>
        %dma_wait3A_105 = arith.constant 0 : i32
        %dma_wait3A_106 = tpu.memref_slice %arg11[%dma_wait3A_101, %dma_wait3A_105] : memref<4x32xi32, #tpu.memory_space<vmem>> -> memref<1x32xi32, #tpu.memory_space<vmem>>
        %dma_wait3A_107 = tpu.memref_squeeze %dma_wait3A_106 : memref<1x32xi32, #tpu.memory_space<vmem>> -> memref<32xi32, #tpu.memory_space<vmem>>
        %dma_wait3A_108 = arith.constant 0 : i32
        %dma_wait3A_109 = arith.constant 0 : i32
        %dma_wait3A_110 = tpu.memref_slice %arg2[%dma_wait3A_108, %dma_wait3A_109] : memref<16384x128xf32, #tpu.memory_space<hbm>> -> memref<16384x128xf32, #tpu.memory_space<hbm>>
        tpu.wait_indirect_dma semaphore(%arg15 : memref<!tpu.dma_semaphore, #tpu.memory_space<semaphore_mem>>) src(%dma_wait3A_110 : memref<16384x128xf32, #tpu.memory_space<hbm>>) dst(%dma_wait3A_104 : memref<32x128xf32, #tpu.memory_space<vmem>>)
        %dma_wait3A_111 = arith.constant 3 : i32
        %dma_wait3A_112 = arith.constant 96 : i32
        %dma_wait3A_113 = arith.constant 0 : i32
        %dma_wait3A_114 = tpu.memref_slice %arg13[%dma_wait3A_112, %dma_wait3A_113] : memref<128x128xf32, #tpu.memory_space<vmem>> -> memref<32x128xf32, #tpu.memory_space<vmem>>
        %dma_wait3A_115 = arith.constant 0 : i32
        %dma_wait3A_116 = tpu.memref_slice %arg11[%dma_wait3A_111, %dma_wait3A_115] : memref<4x32xi32, #tpu.memory_space<vmem>> -> memref<1x32xi32, #tpu.memory_space<vmem>>
        %dma_wait3A_117 = tpu.memref_squeeze %dma_wait3A_116 : memref<1x32xi32, #tpu.memory_space<vmem>> -> memref<32xi32, #tpu.memory_space<vmem>>
        %dma_wait3A_118 = arith.constant 0 : i32
        %dma_wait3A_119 = arith.constant 0 : i32
        %dma_wait3A_120 = tpu.memref_slice %arg2[%dma_wait3A_118, %dma_wait3A_119] : memref<16384x128xf32, #tpu.memory_space<hbm>> -> memref<16384x128xf32, #tpu.memory_space<hbm>>
        tpu.wait_indirect_dma semaphore(%arg15 : memref<!tpu.dma_semaphore, #tpu.memory_space<semaphore_mem>>) src(%dma_wait3A_120 : memref<16384x128xf32, #tpu.memory_space<hbm>>) dst(%dma_wait3A_114 : memref<32x128xf32, #tpu.memory_space<vmem>>)
        %add3A_121 = arith.constant 1 : i32
        %add3A_122 = arith.addi %mul3A_66, %add3A_121 : i32
        %mul3A_123 = arith.constant 128 : i32
        %mul3A_124 = arith.muli %add3A_122, %mul3A_123 : i32
        %sub3A_125 = arith.subi %scan3A_7, %mul3A_124 : i32
        %min3A = arith.constant 128 : i32
        %min3A_126 = arith.minsi %min3A, %sub3A_125 : i32
        %while3A_127 = arith.constant 0 : i32
        %while3A_128 = arith.constant 0 : i32
        %while3A_129 = arith.subi %min3A_126, %while3A_128 : i32
        %while3A_130 = arith.addi %while3A_128, %while3A_129 : i32
        %while3A_131 = arith.constant 1 : i32
        %while3A_132 = arith.divsi %while3A_129, %while3A_131 : i32
        %while3A_133 = arith.muli %while3A_132, %while3A_131 : i32
        %while3A_134 = arith.addi %while3A_128, %while3A_133 : i32
        %while3A_135 = arith.constant 1 : i32
        scf.for %while3A_137 = %while3A_128 to %while3A_134 step %while3A_135  : i32 {
          %add3A_138 = arith.addi %mul3A_124, %while3A_137 : i32
          %get3A = arith.index_cast %add3A_138 : i32 to index
          %get3A_139 = tpu.vector_load %arg8[%get3A] {strides = array<i32>} : memref<16512xi32, #tpu.memory_space<vmem>>, vector<16xi32>,
          %slice3A = vector.extract_strided_slice %get3A_139 {offsets = [0], sizes = [1], strides = [1]} : vector<16xi32> to vector<1xi32>
          %squeeze3A = vector.extract %slice3A[0] : i32 from vector<1xi32>
          %get3A_140 = arith.index_cast %squeeze3A : i32 to index
          %get3A_141 = arith.constant 0 : index
          %get3A_142 = tpu.vector_load %arg9[%get3A_140, %get3A_141] {strides = array<i32>} : memref<32x128xf32, #tpu.memory_space<vmem>>, vector<16xf32>,
          %get3A_143 = arith.index_cast %while3A_137 : i32 to index
          %get3A_144 = arith.constant 0 : index
          %get3A_145 = tpu.vector_load %arg13[%get3A_143, %get3A_144] {strides = array<i32>} : memref<128x128xf32, #tpu.memory_space<vmem>>, vector<16xf32>,
          %mul3A_146 = arith.constant 9.900000e-01 : f32
          %mul3A_147 = vector.broadcast %mul3A_146 : f32 to vector<16xf32>
          %mul3A_148 = arith.mulf %get3A_142, %mul3A_147 : vector<16xf32>
          %mul3A_149 = arith.constant 0.00999999977 : f32
          %mul3A_150 = vector.broadcast %mul3A_149 : f32 to vector<16xf32>
          %mul3A_151 = arith.mulf %get3A_145, %mul3A_150 : vector<16xf32>
          %add3A_152 = arith.addf %mul3A_148, %mul3A_151 : vector<16xf32>
          %mul3A_153 = arith.mulf %add3A_152, %add3A_152 : vector<16xf32>
          %get3A_154 = arith.index_cast %squeeze3A : i32 to index
          %get3A_155 = arith.constant 16 : index
          %get3A_156 = tpu.vector_load %arg9[%get3A_154, %get3A_155] {strides = array<i32>} : memref<32x128xf32, #tpu.memory_space<vmem>>, vector<16xf32>,
          %get3A_157 = arith.index_cast %while3A_137 : i32 to index
          %get3A_158 = arith.constant 16 : index
          %get3A_159 = tpu.vector_load %arg13[%get3A_157, %get3A_158] {strides = array<i32>} : memref<128x128xf32, #tpu.memory_space<vmem>>, vector<16xf32>,
          %mul3A_160 = arith.constant 9.900000e-01 : f32
          %mul3A_161 = vector.broadcast %mul3A_160 : f32 to vector<16xf32>
          %mul3A_162 = arith.mulf %get3A_156, %mul3A_161 : vector<16xf32>
          %mul3A_163 = arith.constant 0.00999999977 : f32
          %mul3A_164 = vector.broadcast %mul3A_163 : f32 to vector<16xf32>
          %mul3A_165 = arith.mulf %get3A_159, %mul3A_164 : vector<16xf32>
          %add3A_166 = arith.addf %mul3A_162, %mul3A_165 : vector<16xf32>
          %mul3A_167 = arith.mulf %add3A_166, %add3A_166 : vector<16xf32>
          %get3A_168 = arith.index_cast %squeeze3A : i32 to index
          %get3A_169 = arith.constant 32 : index
          %get3A_170 = tpu.vector_load %arg9[%get3A_168, %get3A_169] {strides = array<i32>} : memref<32x128xf32, #tpu.memory_space<vmem>>, vector<16xf32>,
          %get3A_171 = arith.index_cast %while3A_137 : i32 to index
          %get3A_172 = arith.constant 32 : index
          %get3A_173 = tpu.vector_load %arg13[%get3A_171, %get3A_172] {strides = array<i32>} : memref<128x128xf32, #tpu.memory_space<vmem>>, vector<16xf32>,
          %mul3A_174 = arith.constant 9.900000e-01 : f32
          %mul3A_175 = vector.broadcast %mul3A_174 : f32 to vector<16xf32>
          %mul3A_176 = arith.mulf %get3A_170, %mul3A_175 : vector<16xf32>
          %mul3A_177 = arith.constant 0.00999999977 : f32
          %mul3A_178 = vector.broadcast %mul3A_177 : f32 to vector<16xf32>
          %mul3A_179 = arith.mulf %get3A_173, %mul3A_178 : vector<16xf32>
          %add3A_180 = arith.addf %mul3A_176, %mul3A_179 : vector<16xf32>
          %mul3A_181 = arith.mulf %add3A_180, %add3A_180 : vector<16xf32>
          %get3A_182 = arith.index_cast %squeeze3A : i32 to index
          %get3A_183 = arith.constant 48 : index
          %get3A_184 = tpu.vector_load %arg9[%get3A_182, %get3A_183] {strides = array<i32>} : memref<32x128xf32, #tpu.memory_space<vmem>>, vector<16xf32>,
          %get3A_185 = arith.index_cast %while3A_137 : i32 to index
          %get3A_186 = arith.constant 48 : index
          %get3A_187 = tpu.vector_load %arg13[%get3A_185, %get3A_186] {strides = array<i32>} : memref<128x128xf32, #tpu.memory_space<vmem>>, vector<16xf32>,
          %mul3A_188 = arith.constant 9.900000e-01 : f32
          %mul3A_189 = vector.broadcast %mul3A_188 : f32 to vector<16xf32>
          %mul3A_190 = arith.mulf %get3A_184, %mul3A_189 : vector<16xf32>
          %mul3A_191 = arith.constant 0.00999999977 : f32
          %mul3A_192 = vector.broadcast %mul3A_191 : f32 to vector<16xf32>
          %mul3A_193 = arith.mulf %get3A_187, %mul3A_192 : vector<16xf32>
          %add3A_194 = arith.addf %mul3A_190, %mul3A_193 : vector<16xf32>
          %mul3A_195 = arith.mulf %add3A_194, %add3A_194 : vector<16xf32>
          %get3A_196 = arith.index_cast %squeeze3A : i32 to index
          %get3A_197 = arith.constant 64 : index
          %get3A_198 = tpu.vector_load %arg9[%get3A_196, %get3A_197] {strides = array<i32>} : memref<32x128xf32, #tpu.memory_space<vmem>>, vector<16xf32>,
          %get3A_199 = arith.index_cast %while3A_137 : i32 to index
          %get3A_200 = arith.constant 64 : index
          %get3A_201 = tpu.vector_load %arg13[%get3A_199, %get3A_200] {strides = array<i32>} : memref<128x128xf32, #tpu.memory_space<vmem>>, vector<16xf32>,
          %mul3A_202 = arith.constant 9.900000e-01 : f32
          %mul3A_203 = vector.broadcast %mul3A_202 : f32 to vector<16xf32>
          %mul3A_204 = arith.mulf %get3A_198, %mul3A_203 : vector<16xf32>
          %mul3A_205 = arith.constant 0.00999999977 : f32
          %mul3A_206 = vector.broadcast %mul3A_205 : f32 to vector<16xf32>
          %mul3A_207 = arith.mulf %get3A_201, %mul3A_206 : vector<16xf32>
          %add3A_208 = arith.addf %mul3A_204, %mul3A_207 : vector<16xf32>
          %mul3A_209 = arith.mulf %add3A_208, %add3A_208 : vector<16xf32>
          %get3A_210 = arith.index_cast %squeeze3A : i32 to index
          %get3A_211 = arith.constant 80 : index
          %get3A_212 = tpu.vector_load %arg9[%get3A_210, %get3A_211] {strides = array<i32>} : memref<32x128xf32, #tpu.memory_space<vmem>>, vector<16xf32>,
          %get3A_213 = arith.index_cast %while3A_137 : i32 to index
          %get3A_214 = arith.constant 80 : index
          %get3A_215 = tpu.vector_load %arg13[%get3A_213, %get3A_214] {strides = array<i32>} : memref<128x128xf32, #tpu.memory_space<vmem>>, vector<16xf32>,
          %mul3A_216 = arith.constant 9.900000e-01 : f32
          %mul3A_217 = vector.broadcast %mul3A_216 : f32 to vector<16xf32>
          %mul3A_218 = arith.mulf %get3A_212, %mul3A_217 : vector<16xf32>
          %mul3A_219 = arith.constant 0.00999999977 : f32
          %mul3A_220 = vector.broadcast %mul3A_219 : f32 to vector<16xf32>
          %mul3A_221 = arith.mulf %get3A_215, %mul3A_220 : vector<16xf32>
          %add3A_222 = arith.addf %mul3A_218, %mul3A_221 : vector<16xf32>
          %mul3A_223 = arith.mulf %add3A_222, %add3A_222 : vector<16xf32>
          %get3A_224 = arith.index_cast %squeeze3A : i32 to index
          %get3A_225 = arith.constant 96 : index
          %get3A_226 = tpu.vector_load %arg9[%get3A_224, %get3A_225] {strides = array<i32>} : memref<32x128xf32, #tpu.memory_space<vmem>>, vector<16xf32>,
          %get3A_227 = arith.index_cast %while3A_137 : i32 to index
          %get3A_228 = arith.constant 96 : index
          %get3A_229 = tpu.vector_load %arg13[%get3A_227, %get3A_228] {strides = array<i32>} : memref<128x128xf32, #tpu.memory_space<vmem>>, vector<16xf32>,
          %mul3A_230 = arith.constant 9.900000e-01 : f32
          %mul3A_231 = vector.broadcast %mul3A_230 : f32 to vector<16xf32>
          %mul3A_232 = arith.mulf %get3A_226, %mul3A_231 : vector<16xf32>
          %mul3A_233 = arith.constant 0.00999999977 : f32
          %mul3A_234 = vector.broadcast %mul3A_233 : f32 to vector<16xf32>
          %mul3A_235 = arith.mulf %get3A_229, %mul3A_234 : vector<16xf32>
          %add3A_236 = arith.addf %mul3A_232, %mul3A_235 : vector<16xf32>
          %mul3A_237 = arith.mulf %add3A_236, %add3A_236 : vector<16xf32>
          %get3A_238 = arith.index_cast %squeeze3A : i32 to index
          %get3A_239 = arith.constant 112 : index
          %get3A_240 = tpu.vector_load %arg9[%get3A_238, %get3A_239] {strides = array<i32>} : memref<32x128xf32, #tpu.memory_space<vmem>>, vector<16xf32>,
          %get3A_241 = arith.index_cast %while3A_137 : i32 to index
          %get3A_242 = arith.constant 112 : index
          %get3A_243 = tpu.vector_load %arg13[%get3A_241, %get3A_242] {strides = array<i32>} : memref<128x128xf32, #tpu.memory_space<vmem>>, vector<16xf32>,
          %mul3A_244 = arith.constant 9.900000e-01 : f32
          %mul3A_245 = vector.broadcast %mul3A_244 : f32 to vector<16xf32>
          %mul3A_246 = arith.mulf %get3A_240, %mul3A_245 : vector<16xf32>
          %mul3A_247 = arith.constant 0.00999999977 : f32
          %mul3A_248 = vector.broadcast %mul3A_247 : f32 to vector<16xf32>
          %mul3A_249 = arith.mulf %get3A_243, %mul3A_248 : vector<16xf32>
          %add3A_250 = arith.addf %mul3A_246, %mul3A_249 : vector<16xf32>
          %mul3A_251 = arith.mulf %add3A_250, %add3A_250 : vector<16xf32>
          %add3A_252 = arith.addf %mul3A_153, %mul3A_167 : vector<16xf32>
          %add3A_253 = arith.addf %mul3A_181, %mul3A_195 : vector<16xf32>
          %add3A_254 = arith.addf %mul3A_209, %mul3A_223 : vector<16xf32>
          %add3A_255 = arith.addf %mul3A_237, %mul3A_251 : vector<16xf32>
          %add3A_256 = arith.addf %add3A_252, %add3A_253 : vector<16xf32>
          %add3A_257 = arith.addf %add3A_254, %add3A_255 : vector<16xf32>
          %add3A_258 = arith.addf %add3A_256, %add3A_257 : vector<16xf32>
          %reduce_sum3A = arith.constant true
          %reduce_sum3A_259 = vector.broadcast %reduce_sum3A : i1 to vector<16xi1>
          %reduce_sum3A_260 = tpu.scan <sum>, %add3A_258 masked %reduce_sum3A_259 : vector<16xf32>, vector<16xi1> -> vector<16xf32>
          %reduce_sum3A_261 = vector.extract %reduce_sum3A_260[15] : f32 from vector<16xf32>
          %max3A = arith.constant 1.000000e-24 : f32
          %max3A_262 = arith.maximumf %reduce_sum3A_261, %max3A : f32
          %bitcast_convert_type3A = arith.bitcast %max3A_262 : f32 to i32
          %shift_right_logical3A = arith.constant 1 : i32
          %shift_right_logical3A_263 = arith.shrui %bitcast_convert_type3A, %shift_right_logical3A : i32
          %sub3A_264 = arith.constant 1597463007 : i32
          %sub3A_265 = arith.subi %sub3A_264, %shift_right_logical3A_263 : i32
          %bitcast_convert_type3A_266 = arith.bitcast %sub3A_265 : i32 to f32
          %mul3A_267 = arith.constant 5.000000e-01 : f32
          %mul3A_268 = arith.mulf %mul3A_267, %max3A_262 : f32
          %mul3A_269 = arith.mulf %mul3A_268, %bitcast_convert_type3A_266 : f32
          %mul3A_270 = arith.mulf %mul3A_269, %bitcast_convert_type3A_266 : f32
          %sub3A_271 = arith.constant 1.500000e+00 : f32
          %sub3A_272 = arith.subf %sub3A_271, %mul3A_270 : f32
          %mul3A_273 = arith.mulf %bitcast_convert_type3A_266, %sub3A_272 : f32
          %mul3A_274 = arith.constant 5.000000e-01 : f32
          %mul3A_275 = arith.mulf %mul3A_274, %max3A_262 : f32
          %mul3A_276 = arith.mulf %mul3A_275, %mul3A_273 : f32
          %mul3A_277 = arith.mulf %mul3A_276, %mul3A_273 : f32
          %sub3A_278 = arith.constant 1.500000e+00 : f32
          %sub3A_279 = arith.subf %sub3A_278, %mul3A_277 : f32
          %mul3A_280 = arith.mulf %mul3A_273, %sub3A_279 : f32
          %mul3A_281 = arith.constant 5.000000e-01 : f32
          %mul3A_282 = arith.mulf %mul3A_281, %max3A_262 : f32
          %mul3A_283 = arith.mulf %mul3A_282, %mul3A_280 : f32
          %mul3A_284 = arith.mulf %mul3A_283, %mul3A_280 : f32
          %sub3A_285 = arith.constant 1.500000e+00 : f32
          %sub3A_286 = arith.subf %sub3A_285, %mul3A_284 : f32
          %mul3A_287 = arith.mulf %mul3A_280, %sub3A_286 : f32
          %mul3A_288 = vector.broadcast %mul3A_287 : f32 to vector<16xf32>
          %mul3A_289 = arith.mulf %add3A_152, %mul3A_288 : vector<16xf32>
          %swap3A = arith.index_cast %squeeze3A : i32 to index
          %swap3A_290 = arith.constant 0 : index
          %swap3A_291 = tpu.vector_load %arg9[%swap3A, %swap3A_290] {strides = array<i32>} : memref<32x128xf32, #tpu.memory_space<vmem>>, vector<16xf32>,
          tpu.vector_store %arg9[%swap3A, %swap3A_290], %mul3A_289 {strides = array<i32>} : memref<32x128xf32, #tpu.memory_space<vmem>>, vector<16xf32>,
          %mul3A_292 = vector.broadcast %mul3A_287 : f32 to vector<16xf32>
          %mul3A_293 = arith.mulf %add3A_166, %mul3A_292 : vector<16xf32>
          %swap3A_294 = arith.index_cast %squeeze3A : i32 to index
          %swap3A_295 = arith.constant 16 : index
          %swap3A_296 = tpu.vector_load %arg9[%swap3A_294, %swap3A_295] {strides = array<i32>} : memref<32x128xf32, #tpu.memory_space<vmem>>, vector<16xf32>,
          tpu.vector_store %arg9[%swap3A_294, %swap3A_295], %mul3A_293 {strides = array<i32>} : memref<32x128xf32, #tpu.memory_space<vmem>>, vector<16xf32>,
          %mul3A_297 = vector.broadcast %mul3A_287 : f32 to vector<16xf32>
          %mul3A_298 = arith.mulf %add3A_180, %mul3A_297 : vector<16xf32>
          %swap3A_299 = arith.index_cast %squeeze3A : i32 to index
          %swap3A_300 = arith.constant 32 : index
          %swap3A_301 = tpu.vector_load %arg9[%swap3A_299, %swap3A_300] {strides = array<i32>} : memref<32x128xf32, #tpu.memory_space<vmem>>, vector<16xf32>,
          tpu.vector_store %arg9[%swap3A_299, %swap3A_300], %mul3A_298 {strides = array<i32>} : memref<32x128xf32, #tpu.memory_space<vmem>>, vector<16xf32>,
          %mul3A_302 = vector.broadcast %mul3A_287 : f32 to vector<16xf32>
          %mul3A_303 = arith.mulf %add3A_194, %mul3A_302 : vector<16xf32>
          %swap3A_304 = arith.index_cast %squeeze3A : i32 to index
          %swap3A_305 = arith.constant 48 : index
          %swap3A_306 = tpu.vector_load %arg9[%swap3A_304, %swap3A_305] {strides = array<i32>} : memref<32x128xf32, #tpu.memory_space<vmem>>, vector<16xf32>,
          tpu.vector_store %arg9[%swap3A_304, %swap3A_305], %mul3A_303 {strides = array<i32>} : memref<32x128xf32, #tpu.memory_space<vmem>>, vector<16xf32>,
          %mul3A_307 = vector.broadcast %mul3A_287 : f32 to vector<16xf32>
          %mul3A_308 = arith.mulf %add3A_208, %mul3A_307 : vector<16xf32>
          %swap3A_309 = arith.index_cast %squeeze3A : i32 to index
          %swap3A_310 = arith.constant 64 : index
          %swap3A_311 = tpu.vector_load %arg9[%swap3A_309, %swap3A_310] {strides = array<i32>} : memref<32x128xf32, #tpu.memory_space<vmem>>, vector<16xf32>,
          tpu.vector_store %arg9[%swap3A_309, %swap3A_310], %mul3A_308 {strides = array<i32>} : memref<32x128xf32, #tpu.memory_space<vmem>>, vector<16xf32>,
          %mul3A_312 = vector.broadcast %mul3A_287 : f32 to vector<16xf32>
          %mul3A_313 = arith.mulf %add3A_222, %mul3A_312 : vector<16xf32>
          %swap3A_314 = arith.index_cast %squeeze3A : i32 to index
          %swap3A_315 = arith.constant 80 : index
          %swap3A_316 = tpu.vector_load %arg9[%swap3A_314, %swap3A_315] {strides = array<i32>} : memref<32x128xf32, #tpu.memory_space<vmem>>, vector<16xf32>,
          tpu.vector_store %arg9[%swap3A_314, %swap3A_315], %mul3A_313 {strides = array<i32>} : memref<32x128xf32, #tpu.memory_space<vmem>>, vector<16xf32>,
          %mul3A_317 = vector.broadcast %mul3A_287 : f32 to vector<16xf32>
          %mul3A_318 = arith.mulf %add3A_236, %mul3A_317 : vector<16xf32>
          %swap3A_319 = arith.index_cast %squeeze3A : i32 to index
          %swap3A_320 = arith.constant 96 : index
          %swap3A_321 = tpu.vector_load %arg9[%swap3A_319, %swap3A_320] {strides = array<i32>} : memref<32x128xf32, #tpu.memory_space<vmem>>, vector<16xf32>,
          tpu.vector_store %arg9[%swap3A_319, %swap3A_320], %mul3A_318 {strides = array<i32>} : memref<32x128xf32, #tpu.memory_space<vmem>>, vector<16xf32>,
          %mul3A_322 = vector.broadcast %mul3A_287 : f32 to vector<16xf32>
          %mul3A_323 = arith.mulf %add3A_250, %mul3A_322 : vector<16xf32>
          %swap3A_324 = arith.index_cast %squeeze3A : i32 to index
          %swap3A_325 = arith.constant 112 : index
          %swap3A_326 = tpu.vector_load %arg9[%swap3A_324, %swap3A_325] {strides = array<i32>} : memref<32x128xf32, #tpu.memory_space<vmem>>, vector<16xf32>,
          tpu.vector_store %arg9[%swap3A_324, %swap3A_325], %mul3A_323 {strides = array<i32>} : memref<32x128xf32, #tpu.memory_space<vmem>>, vector<16xf32>,
        }
        %while3A_136 = arith.constant 1 : i32
        scf.for %while3A_137 = %while3A_134 to %while3A_130 step %while3A_136  : i32 {
          %add3A_138 = arith.addi %mul3A_124, %while3A_137 : i32
          %get3A = arith.index_cast %add3A_138 : i32 to index
          %get3A_139 = tpu.vector_load %arg8[%get3A] {strides = array<i32>} : memref<16512xi32, #tpu.memory_space<vmem>>, vector<16xi32>,
          %slice3A = vector.extract_strided_slice %get3A_139 {offsets = [0], sizes = [1], strides = [1]} : vector<16xi32> to vector<1xi32>
          %squeeze3A = vector.extract %slice3A[0] : i32 from vector<1xi32>
          %get3A_140 = arith.index_cast %squeeze3A : i32 to index
          %get3A_141 = arith.constant 0 : index
          %get3A_142 = tpu.vector_load %arg9[%get3A_140, %get3A_141] {strides = array<i32>} : memref<32x128xf32, #tpu.memory_space<vmem>>, vector<16xf32>,
          %get3A_143 = arith.index_cast %while3A_137 : i32 to index
          %get3A_144 = arith.constant 0 : index
          %get3A_145 = tpu.vector_load %arg13[%get3A_143, %get3A_144] {strides = array<i32>} : memref<128x128xf32, #tpu.memory_space<vmem>>, vector<16xf32>,
          %mul3A_146 = arith.constant 9.900000e-01 : f32
          %mul3A_147 = vector.broadcast %mul3A_146 : f32 to vector<16xf32>
          %mul3A_148 = arith.mulf %get3A_142, %mul3A_147 : vector<16xf32>
          %mul3A_149 = arith.constant 0.00999999977 : f32
          %mul3A_150 = vector.broadcast %mul3A_149 : f32 to vector<16xf32>
          %mul3A_151 = arith.mulf %get3A_145, %mul3A_150 : vector<16xf32>
          %add3A_152 = arith.addf %mul3A_148, %mul3A_151 : vector<16xf32>
          %mul3A_153 = arith.mulf %add3A_152, %add3A_152 : vector<16xf32>
          %get3A_154 = arith.index_cast %squeeze3A : i32 to index
          %get3A_155 = arith.constant 16 : index
          %get3A_156 = tpu.vector_load %arg9[%get3A_154, %get3A_155] {strides = array<i32>} : memref<32x128xf32, #tpu.memory_space<vmem>>, vector<16xf32>,
          %get3A_157 = arith.index_cast %while3A_137 : i32 to index
          %get3A_158 = arith.constant 16 : index
          %get3A_159 = tpu.vector_load %arg13[%get3A_157, %get3A_158] {strides = array<i32>} : memref<128x128xf32, #tpu.memory_space<vmem>>, vector<16xf32>,
          %mul3A_160 = arith.constant 9.900000e-01 : f32
          %mul3A_161 = vector.broadcast %mul3A_160 : f32 to vector<16xf32>
          %mul3A_162 = arith.mulf %get3A_156, %mul3A_161 : vector<16xf32>
          %mul3A_163 = arith.constant 0.00999999977 : f32
          %mul3A_164 = vector.broadcast %mul3A_163 : f32 to vector<16xf32>
          %mul3A_165 = arith.mulf %get3A_159, %mul3A_164 : vector<16xf32>
          %add3A_166 = arith.addf %mul3A_162, %mul3A_165 : vector<16xf32>
          %mul3A_167 = arith.mulf %add3A_166, %add3A_166 : vector<16xf32>
          %get3A_168 = arith.index_cast %squeeze3A : i32 to index
          %get3A_169 = arith.constant 32 : index
          %get3A_170 = tpu.vector_load %arg9[%get3A_168, %get3A_169] {strides = array<i32>} : memref<32x128xf32, #tpu.memory_space<vmem>>, vector<16xf32>,
          %get3A_171 = arith.index_cast %while3A_137 : i32 to index
          %get3A_172 = arith.constant 32 : index
          %get3A_173 = tpu.vector_load %arg13[%get3A_171, %get3A_172] {strides = array<i32>} : memref<128x128xf32, #tpu.memory_space<vmem>>, vector<16xf32>,
          %mul3A_174 = arith.constant 9.900000e-01 : f32
          %mul3A_175 = vector.broadcast %mul3A_174 : f32 to vector<16xf32>
          %mul3A_176 = arith.mulf %get3A_170, %mul3A_175 : vector<16xf32>
          %mul3A_177 = arith.constant 0.00999999977 : f32
          %mul3A_178 = vector.broadcast %mul3A_177 : f32 to vector<16xf32>
          %mul3A_179 = arith.mulf %get3A_173, %mul3A_178 : vector<16xf32>
          %add3A_180 = arith.addf %mul3A_176, %mul3A_179 : vector<16xf32>
          %mul3A_181 = arith.mulf %add3A_180, %add3A_180 : vector<16xf32>
          %get3A_182 = arith.index_cast %squeeze3A : i32 to index
          %get3A_183 = arith.constant 48 : index
          %get3A_184 = tpu.vector_load %arg9[%get3A_182, %get3A_183] {strides = array<i32>} : memref<32x128xf32, #tpu.memory_space<vmem>>, vector<16xf32>,
          %get3A_185 = arith.index_cast %while3A_137 : i32 to index
          %get3A_186 = arith.constant 48 : index
          %get3A_187 = tpu.vector_load %arg13[%get3A_185, %get3A_186] {strides = array<i32>} : memref<128x128xf32, #tpu.memory_space<vmem>>, vector<16xf32>,
          %mul3A_188 = arith.constant 9.900000e-01 : f32
          %mul3A_189 = vector.broadcast %mul3A_188 : f32 to vector<16xf32>
          %mul3A_190 = arith.mulf %get3A_184, %mul3A_189 : vector<16xf32>
          %mul3A_191 = arith.constant 0.00999999977 : f32
          %mul3A_192 = vector.broadcast %mul3A_191 : f32 to vector<16xf32>
          %mul3A_193 = arith.mulf %get3A_187, %mul3A_192 : vector<16xf32>
          %add3A_194 = arith.addf %mul3A_190, %mul3A_193 : vector<16xf32>
          %mul3A_195 = arith.mulf %add3A_194, %add3A_194 : vector<16xf32>
          %get3A_196 = arith.index_cast %squeeze3A : i32 to index
          %get3A_197 = arith.constant 64 : index
          %get3A_198 = tpu.vector_load %arg9[%get3A_196, %get3A_197] {strides = array<i32>} : memref<32x128xf32, #tpu.memory_space<vmem>>, vector<16xf32>,
          %get3A_199 = arith.index_cast %while3A_137 : i32 to index
          %get3A_200 = arith.constant 64 : index
          %get3A_201 = tpu.vector_load %arg13[%get3A_199, %get3A_200] {strides = array<i32>} : memref<128x128xf32, #tpu.memory_space<vmem>>, vector<16xf32>,
          %mul3A_202 = arith.constant 9.900000e-01 : f32
          %mul3A_203 = vector.broadcast %mul3A_202 : f32 to vector<16xf32>
          %mul3A_204 = arith.mulf %get3A_198, %mul3A_203 : vector<16xf32>
          %mul3A_205 = arith.constant 0.00999999977 : f32
          %mul3A_206 = vector.broadcast %mul3A_205 : f32 to vector<16xf32>
          %mul3A_207 = arith.mulf %get3A_201, %mul3A_206 : vector<16xf32>
          %add3A_208 = arith.addf %mul3A_204, %mul3A_207 : vector<16xf32>
          %mul3A_209 = arith.mulf %add3A_208, %add3A_208 : vector<16xf32>
          %get3A_210 = arith.index_cast %squeeze3A : i32 to index
          %get3A_211 = arith.constant 80 : index
          %get3A_212 = tpu.vector_load %arg9[%get3A_210, %get3A_211] {strides = array<i32>} : memref<32x128xf32, #tpu.memory_space<vmem>>, vector<16xf32>,
          %get3A_213 = arith.index_cast %while3A_137 : i32 to index
          %get3A_214 = arith.constant 80 : index
          %get3A_215 = tpu.vector_load %arg13[%get3A_213, %get3A_214] {strides = array<i32>} : memref<128x128xf32, #tpu.memory_space<vmem>>, vector<16xf32>,
          %mul3A_216 = arith.constant 9.900000e-01 : f32
          %mul3A_217 = vector.broadcast %mul3A_216 : f32 to vector<16xf32>
          %mul3A_218 = arith.mulf %get3A_212, %mul3A_217 : vector<16xf32>
          %mul3A_219 = arith.constant 0.00999999977 : f32
          %mul3A_220 = vector.broadcast %mul3A_219 : f32 to vector<16xf32>
          %mul3A_221 = arith.mulf %get3A_215, %mul3A_220 : vector<16xf32>
          %add3A_222 = arith.addf %mul3A_218, %mul3A_221 : vector<16xf32>
          %mul3A_223 = arith.mulf %add3A_222, %add3A_222 : vector<16xf32>
          %get3A_224 = arith.index_cast %squeeze3A : i32 to index
          %get3A_225 = arith.constant 96 : index
          %get3A_226 = tpu.vector_load %arg9[%get3A_224, %get3A_225] {strides = array<i32>} : memref<32x128xf32, #tpu.memory_space<vmem>>, vector<16xf32>,
          %get3A_227 = arith.index_cast %while3A_137 : i32 to index
          %get3A_228 = arith.constant 96 : index
          %get3A_229 = tpu.vector_load %arg13[%get3A_227, %get3A_228] {strides = array<i32>} : memref<128x128xf32, #tpu.memory_space<vmem>>, vector<16xf32>,
          %mul3A_230 = arith.constant 9.900000e-01 : f32
          %mul3A_231 = vector.broadcast %mul3A_230 : f32 to vector<16xf32>
          %mul3A_232 = arith.mulf %get3A_226, %mul3A_231 : vector<16xf32>
          %mul3A_233 = arith.constant 0.00999999977 : f32
          %mul3A_234 = vector.broadcast %mul3A_233 : f32 to vector<16xf32>
          %mul3A_235 = arith.mulf %get3A_229, %mul3A_234 : vector<16xf32>
          %add3A_236 = arith.addf %mul3A_232, %mul3A_235 : vector<16xf32>
          %mul3A_237 = arith.mulf %add3A_236, %add3A_236 : vector<16xf32>
          %get3A_238 = arith.index_cast %squeeze3A : i32 to index
          %get3A_239 = arith.constant 112 : index
          %get3A_240 = tpu.vector_load %arg9[%get3A_238, %get3A_239] {strides = array<i32>} : memref<32x128xf32, #tpu.memory_space<vmem>>, vector<16xf32>,
          %get3A_241 = arith.index_cast %while3A_137 : i32 to index
          %get3A_242 = arith.constant 112 : index
          %get3A_243 = tpu.vector_load %arg13[%get3A_241, %get3A_242] {strides = array<i32>} : memref<128x128xf32, #tpu.memory_space<vmem>>, vector<16xf32>,
          %mul3A_244 = arith.constant 9.900000e-01 : f32
          %mul3A_245 = vector.broadcast %mul3A_244 : f32 to vector<16xf32>
          %mul3A_246 = arith.mulf %get3A_240, %mul3A_245 : vector<16xf32>
          %mul3A_247 = arith.constant 0.00999999977 : f32
          %mul3A_248 = vector.broadcast %mul3A_247 : f32 to vector<16xf32>
          %mul3A_249 = arith.mulf %get3A_243, %mul3A_248 : vector<16xf32>
          %add3A_250 = arith.addf %mul3A_246, %mul3A_249 : vector<16xf32>
          %mul3A_251 = arith.mulf %add3A_250, %add3A_250 : vector<16xf32>
          %add3A_252 = arith.addf %mul3A_153, %mul3A_167 : vector<16xf32>
          %add3A_253 = arith.addf %mul3A_181, %mul3A_195 : vector<16xf32>
          %add3A_254 = arith.addf %mul3A_209, %mul3A_223 : vector<16xf32>
          %add3A_255 = arith.addf %mul3A_237, %mul3A_251 : vector<16xf32>
          %add3A_256 = arith.addf %add3A_252, %add3A_253 : vector<16xf32>
          %add3A_257 = arith.addf %add3A_254, %add3A_255 : vector<16xf32>
          %add3A_258 = arith.addf %add3A_256, %add3A_257 : vector<16xf32>
          %reduce_sum3A = arith.constant true
          %reduce_sum3A_259 = vector.broadcast %reduce_sum3A : i1 to vector<16xi1>
          %reduce_sum3A_260 = tpu.scan <sum>, %add3A_258 masked %reduce_sum3A_259 : vector<16xf32>, vector<16xi1> -> vector<16xf32>
          %reduce_sum3A_261 = vector.extract %reduce_sum3A_260[15] : f32 from vector<16xf32>
          %max3A = arith.constant 1.000000e-24 : f32
          %max3A_262 = arith.maximumf %reduce_sum3A_261, %max3A : f32
          %bitcast_convert_type3A = arith.bitcast %max3A_262 : f32 to i32
          %shift_right_logical3A = arith.constant 1 : i32
          %shift_right_logical3A_263 = arith.shrui %bitcast_convert_type3A, %shift_right_logical3A : i32
          %sub3A_264 = arith.constant 1597463007 : i32
          %sub3A_265 = arith.subi %sub3A_264, %shift_right_logical3A_263 : i32
          %bitcast_convert_type3A_266 = arith.bitcast %sub3A_265 : i32 to f32
          %mul3A_267 = arith.constant 5.000000e-01 : f32
          %mul3A_268 = arith.mulf %mul3A_267, %max3A_262 : f32
          %mul3A_269 = arith.mulf %mul3A_268, %bitcast_convert_type3A_266 : f32
          %mul3A_270 = arith.mulf %mul3A_269, %bitcast_convert_type3A_266 : f32
          %sub3A_271 = arith.constant 1.500000e+00 : f32
          %sub3A_272 = arith.subf %sub3A_271, %mul3A_270 : f32
          %mul3A_273 = arith.mulf %bitcast_convert_type3A_266, %sub3A_272 : f32
          %mul3A_274 = arith.constant 5.000000e-01 : f32
          %mul3A_275 = arith.mulf %mul3A_274, %max3A_262 : f32
          %mul3A_276 = arith.mulf %mul3A_275, %mul3A_273 : f32
          %mul3A_277 = arith.mulf %mul3A_276, %mul3A_273 : f32
          %sub3A_278 = arith.constant 1.500000e+00 : f32
          %sub3A_279 = arith.subf %sub3A_278, %mul3A_277 : f32
          %mul3A_280 = arith.mulf %mul3A_273, %sub3A_279 : f32
          %mul3A_281 = arith.constant 5.000000e-01 : f32
          %mul3A_282 = arith.mulf %mul3A_281, %max3A_262 : f32
          %mul3A_283 = arith.mulf %mul3A_282, %mul3A_280 : f32
          %mul3A_284 = arith.mulf %mul3A_283, %mul3A_280 : f32
          %sub3A_285 = arith.constant 1.500000e+00 : f32
          %sub3A_286 = arith.subf %sub3A_285, %mul3A_284 : f32
          %mul3A_287 = arith.mulf %mul3A_280, %sub3A_286 : f32
          %mul3A_288 = vector.broadcast %mul3A_287 : f32 to vector<16xf32>
          %mul3A_289 = arith.mulf %add3A_152, %mul3A_288 : vector<16xf32>
          %swap3A = arith.index_cast %squeeze3A : i32 to index
          %swap3A_290 = arith.constant 0 : index
          %swap3A_291 = tpu.vector_load %arg9[%swap3A, %swap3A_290] {strides = array<i32>} : memref<32x128xf32, #tpu.memory_space<vmem>>, vector<16xf32>,
          tpu.vector_store %arg9[%swap3A, %swap3A_290], %mul3A_289 {strides = array<i32>} : memref<32x128xf32, #tpu.memory_space<vmem>>, vector<16xf32>,
          %mul3A_292 = vector.broadcast %mul3A_287 : f32 to vector<16xf32>
          %mul3A_293 = arith.mulf %add3A_166, %mul3A_292 : vector<16xf32>
          %swap3A_294 = arith.index_cast %squeeze3A : i32 to index
          %swap3A_295 = arith.constant 16 : index
          %swap3A_296 = tpu.vector_load %arg9[%swap3A_294, %swap3A_295] {strides = array<i32>} : memref<32x128xf32, #tpu.memory_space<vmem>>, vector<16xf32>,
          tpu.vector_store %arg9[%swap3A_294, %swap3A_295], %mul3A_293 {strides = array<i32>} : memref<32x128xf32, #tpu.memory_space<vmem>>, vector<16xf32>,
          %mul3A_297 = vector.broadcast %mul3A_287 : f32 to vector<16xf32>
          %mul3A_298 = arith.mulf %add3A_180, %mul3A_297 : vector<16xf32>
          %swap3A_299 = arith.index_cast %squeeze3A : i32 to index
          %swap3A_300 = arith.constant 32 : index
          %swap3A_301 = tpu.vector_load %arg9[%swap3A_299, %swap3A_300] {strides = array<i32>} : memref<32x128xf32, #tpu.memory_space<vmem>>, vector<16xf32>,
          tpu.vector_store %arg9[%swap3A_299, %swap3A_300], %mul3A_298 {strides = array<i32>} : memref<32x128xf32, #tpu.memory_space<vmem>>, vector<16xf32>,
          %mul3A_302 = vector.broadcast %mul3A_287 : f32 to vector<16xf32>
          %mul3A_303 = arith.mulf %add3A_194, %mul3A_302 : vector<16xf32>
          %swap3A_304 = arith.index_cast %squeeze3A : i32 to index
          %swap3A_305 = arith.constant 48 : index
          %swap3A_306 = tpu.vector_load %arg9[%swap3A_304, %swap3A_305] {strides = array<i32>} : memref<32x128xf32, #tpu.memory_space<vmem>>, vector<16xf32>,
          tpu.vector_store %arg9[%swap3A_304, %swap3A_305], %mul3A_303 {strides = array<i32>} : memref<32x128xf32, #tpu.memory_space<vmem>>, vector<16xf32>,
          %mul3A_307 = vector.broadcast %mul3A_287 : f32 to vector<16xf32>
          %mul3A_308 = arith.mulf %add3A_208, %mul3A_307 : vector<16xf32>
          %swap3A_309 = arith.index_cast %squeeze3A : i32 to index
          %swap3A_310 = arith.constant 64 : index
          %swap3A_311 = tpu.vector_load %arg9[%swap3A_309, %swap3A_310] {strides = array<i32>} : memref<32x128xf32, #tpu.memory_space<vmem>>, vector<16xf32>,
          tpu.vector_store %arg9[%swap3A_309, %swap3A_310], %mul3A_308 {strides = array<i32>} : memref<32x128xf32, #tpu.memory_space<vmem>>, vector<16xf32>,
          %mul3A_312 = vector.broadcast %mul3A_287 : f32 to vector<16xf32>
          %mul3A_313 = arith.mulf %add3A_222, %mul3A_312 : vector<16xf32>
          %swap3A_314 = arith.index_cast %squeeze3A : i32 to index
          %swap3A_315 = arith.constant 80 : index
          %swap3A_316 = tpu.vector_load %arg9[%swap3A_314, %swap3A_315] {strides = array<i32>} : memref<32x128xf32, #tpu.memory_space<vmem>>, vector<16xf32>,
          tpu.vector_store %arg9[%swap3A_314, %swap3A_315], %mul3A_313 {strides = array<i32>} : memref<32x128xf32, #tpu.memory_space<vmem>>, vector<16xf32>,
          %mul3A_317 = vector.broadcast %mul3A_287 : f32 to vector<16xf32>
          %mul3A_318 = arith.mulf %add3A_236, %mul3A_317 : vector<16xf32>
          %swap3A_319 = arith.index_cast %squeeze3A : i32 to index
          %swap3A_320 = arith.constant 96 : index
          %swap3A_321 = tpu.vector_load %arg9[%swap3A_319, %swap3A_320] {strides = array<i32>} : memref<32x128xf32, #tpu.memory_space<vmem>>, vector<16xf32>,
          tpu.vector_store %arg9[%swap3A_319, %swap3A_320], %mul3A_318 {strides = array<i32>} : memref<32x128xf32, #tpu.memory_space<vmem>>, vector<16xf32>,
          %mul3A_322 = vector.broadcast %mul3A_287 : f32 to vector<16xf32>
          %mul3A_323 = arith.mulf %add3A_250, %mul3A_322 : vector<16xf32>
          %swap3A_324 = arith.index_cast %squeeze3A : i32 to index
          %swap3A_325 = arith.constant 112 : index
          %swap3A_326 = tpu.vector_load %arg9[%swap3A_324, %swap3A_325] {strides = array<i32>} : memref<32x128xf32, #tpu.memory_space<vmem>>, vector<16xf32>,
          tpu.vector_store %arg9[%swap3A_324, %swap3A_325], %mul3A_323 {strides = array<i32>} : memref<32x128xf32, #tpu.memory_space<vmem>>, vector<16xf32>,
        }
      } else {
      }
    }
    "tpu.region"() ({
      %run_scoped3A = tpu.sem_alloc : memref<!tpu.dma_semaphore, #tpu.memory_space<semaphore_mem>>
      %dma_start3A = arith.constant 0 : i32
      %dma_start3A_64 = tpu.memref_slice %arg5[%mul3A_2, %dma_start3A] : memref<1024x128xf32, #tpu.memory_space<hbm>> -> memref<32x128xf32, #tpu.memory_space<hbm>>
      %dma_start3A_65 = arith.constant 0 : i32
      %dma_start3A_66 = tpu.memref_slice %arg5[%mul3A_2, %dma_start3A_65] : memref<1024x128xf32, #tpu.memory_space<hbm>> -> memref<32x128xf32, #tpu.memory_space<hbm>>
      tpu.enqueue_dma source(%arg9 : memref<32x128xf32, #tpu.memory_space<vmem>>) target(%dma_start3A_66 : memref<32x128xf32, #tpu.memory_space<hbm>>) target_semaphore(%run_scoped3A : memref<!tpu.dma_semaphore, #tpu.memory_space<semaphore_mem>>)
      %dma_wait3A = arith.constant 0 : i32
      %dma_wait3A_67 = tpu.memref_slice %arg5[%mul3A_2, %dma_wait3A] : memref<1024x128xf32, #tpu.memory_space<hbm>> -> memref<32x128xf32, #tpu.memory_space<hbm>>
      %dma_wait3A_68 = arith.constant 0 : i32
      %dma_wait3A_69 = tpu.memref_slice %arg5[%mul3A_2, %dma_wait3A_68] : memref<1024x128xf32, #tpu.memory_space<hbm>> -> memref<32x128xf32, #tpu.memory_space<hbm>>
      tpu.wait_dma2 semaphore(%run_scoped3A : memref<!tpu.dma_semaphore, #tpu.memory_space<semaphore_mem>>) src(%arg9 : memref<32x128xf32, #tpu.memory_space<vmem>>) dst(%dma_wait3A_69 : memref<32x128xf32, #tpu.memory_space<hbm>>)
      tpu.yield
    }) : () -> ()
    return
  }
}

module attributes {stable_mosaic.version = 14 : i64} {
  func.func @_loss_body(%arg0: i32, %arg1: memref<256x128xf32, #tpu.memory_space<vmem>>, %arg2: memref<1024x128xf32, #tpu.memory_space<vmem>>, %arg3: memref<1x1xf32, #tpu.memory_space<smem>>, %arg4: memref<2xf32, #tpu.memory_space<smem>>) attributes {dimension_semantics = [#tpu.dimension_semantics<arbitrary>], iteration_bounds = array<i64: 4>, scalar_prefetch = 0 : i64, scratch_operands = 1 : i64, tpu.core_type = #tpu.core_type<tc>, window_params = [{transform_indices = @transform_0, window_bounds = array<i64: 256, 128>}, {pipeline_mode = #tpu.pipeline_mode<synchronous>, transform_indices = @transform_1, window_bounds = array<i64: 1024, 128>}, {transform_indices = @transform_2, window_bounds = array<i64: 1, 1>}]} {
    %get3A = arith.constant 0 : index
    %get3A_0 = arith.constant 0 : index
    %get3A_1 = vector.load %arg1[%get3A, %get3A_0] : memref<256x128xf32, #tpu.memory_space<vmem>>, vector<256x128xf32>
    %get3A_2 = arith.constant 0 : index
    %get3A_3 = arith.constant 0 : index
    %get3A_4 = vector.load %arg2[%get3A_2, %get3A_3] : memref<1024x128xf32, #tpu.memory_space<vmem>>, vector<1024x128xf32>
    %dot_general3A = arith.constant dense<0.000000e+00> : vector<256x1024xf32>
    %dot_general3A_5 = tpu.matmul %get3A_1, %get3A_4, %dot_general3A {dimension_numbers = #tpu.dot_dimension_numbers<[1], [1], [0], [0], [0, 0, 1, 0], [], []>, transpose_lhs_hint = false} : vector<256x128xf32>, vector<1024x128xf32>, vector<256x1024xf32> -> vector<256x1024xf32>
    %mul3A = arith.constant 1.000000e+01 : f32
    %mul3A_6 = vector.broadcast %mul3A : f32 to vector<256x1024xf32>
    %mul3A_7 = arith.mulf %dot_general3A_5, %mul3A_6 : vector<256x1024xf32>
    %exp3A = math.exp %mul3A_7 : vector<256x1024xf32>
    %mul3A_8 = arith.constant 256 : i32
    %mul3A_9 = arith.muli %arg0, %mul3A_8 : i32
    %iota3A = tpu.iota {dimensions = array<i32: 0>} : vector<256x1024xi32>
    %add3A = vector.broadcast %mul3A_9 : i32 to vector<256x1024xi32>
    %add3A_10 = arith.addi %add3A, %iota3A : vector<256x1024xi32>
    %iota3A_11 = tpu.iota {dimensions = array<i32: 1>} : vector<256x1024xi32>
    %eq3A = arith.cmpi eq, %add3A_10, %iota3A_11 : vector<256x1024xi32>
    %ge3A = arith.constant 1000 : i32
    %ge3A_12 = vector.broadcast %ge3A : i32 to vector<256x1024xi32>
    %ge3A_13 = arith.cmpi sge, %iota3A_11, %ge3A_12 : vector<256x1024xi32>
    %or3A = arith.ori %eq3A, %ge3A_13 : vector<256x1024xi1>
    %jit3A = arith.constant 0.000000e+00 : f32
    %broadcast_in_dim3A = vector.broadcast %jit3A : f32 to vector<256x1024xf32>
    %select_n3A = arith.select %or3A, %broadcast_in_dim3A, %exp3A : vector<256x1024xi1>, vector<256x1024xf32>
    %reduce_sum3A = arith.constant dense<0.000000e+00> : vector<256xf32>
    %reduce_sum3A_14 = vector.multi_reduction <add>, %select_n3A, %reduce_sum3A [1] : vector<256x1024xf32> to vector<256xf32>
    %broadcast_in_dim3A_15 = vector.shape_cast %reduce_sum3A_14 : vector<256xf32> to vector<256x1xf32>
    %div3A = arith.constant 9.990000e+02 : f32
    %div3A_16 = vector.broadcast %div3A : f32 to vector<256x1xf32>
    %div3A_17 = arith.divf %broadcast_in_dim3A_15, %div3A_16 : vector<256x1xf32>
    %log3A = math.log %div3A_17 : vector<256x1xf32>
    %mul3A_18 = arith.constant 256 : i32
    %mul3A_19 = arith.muli %arg0, %mul3A_18 : i32
    %iota3A_20 = tpu.iota {dimensions = array<i32: 0>} : vector<256x1xi32>
    %add3A_21 = vector.broadcast %mul3A_19 : i32 to vector<256x1xi32>
    %add3A_22 = arith.addi %add3A_21, %iota3A_20 : vector<256x1xi32>
    %ne3A = arith.cmpf one, %log3A, %log3A : vector<256x1xf32>
    %not3A = arith.constant dense<true> : vector<256x1xi1>
    %not3A_23 = arith.xori %ne3A, %not3A : vector<256x1xi1>
    %lt3A = arith.constant 1000 : i32
    %lt3A_24 = vector.broadcast %lt3A : i32 to vector<256x1xi32>
    %lt3A_25 = arith.cmpi slt, %add3A_22, %lt3A_24 : vector<256x1xi32>
    %and3A = arith.andi %not3A_23, %lt3A_25 : vector<256x1xi1>
    %jit3A_26 = arith.constant 0.000000e+00 : f32
    %broadcast_in_dim3A_27 = vector.broadcast %jit3A_26 : f32 to vector<256x1xf32>
    %select_n3A_28 = arith.select %and3A, %log3A, %broadcast_in_dim3A_27 : vector<256x1xi1>, vector<256x1xf32>
    %reduce_sum3A_29 = vector.shape_cast %select_n3A_28 : vector<256x1xf32> to vector<1x256x1xf32>
    %reduce_sum3A_30 = arith.constant dense<0.000000e+00> : vector<1xf32>
    %reduce_sum3A_31 = vector.multi_reduction <add>, %reduce_sum3A_29, %reduce_sum3A_30 [1, 2] : vector<1x256x1xf32> to vector<1xf32>
    %reduce_sum3A_32 = vector.shape_cast %reduce_sum3A_31 : vector<1xf32> to vector<1x1x1xf32>
    %reduce_sum3A_33 = vector.extract %reduce_sum3A_32[0, 0, 0] : f32 from vector<1x1x1xf32>
    %convert_element_type3A = arith.extui %and3A : vector<256x1xi1> to vector<256x1xi32>
    %convert_element_type3A_34 = arith.sitofp %convert_element_type3A : vector<256x1xi32> to vector<256x1xf32>
    %reduce_sum3A_35 = vector.shape_cast %convert_element_type3A_34 : vector<256x1xf32> to vector<1x256x1xf32>
    %reduce_sum3A_36 = arith.constant dense<0.000000e+00> : vector<1xf32>
    %reduce_sum3A_37 = vector.multi_reduction <add>, %reduce_sum3A_35, %reduce_sum3A_36 [1, 2] : vector<1x256x1xf32> to vector<1xf32>
    %reduce_sum3A_38 = vector.shape_cast %reduce_sum3A_37 : vector<1xf32> to vector<1x1x1xf32>
    %reduce_sum3A_39 = vector.extract %reduce_sum3A_38[0, 0, 0] : f32 from vector<1x1x1xf32>
    %eq3A_40 = arith.constant 0 : i32
    %eq3A_41 = arith.cmpi eq, %arg0, %eq3A_40 : i32
    %convert_element_type3A_42 = arith.extui %eq3A_41 : i1 to i32
    %cond3A = arith.constant 0 : i32
    %cond3A_43 = arith.cmpi ne, %convert_element_type3A_42, %cond3A : i32
    scf.if %cond3A_43 {
      %swap3A_58 = arith.constant 0.000000e+00 : f32
      %swap3A_59 = arith.constant 0 : index
      %swap3A_60 = memref.load %arg4[%swap3A_59] : memref<2xf32, #tpu.memory_space<smem>>
      memref.store %swap3A_58, %arg4[%swap3A_59] : memref<2xf32, #tpu.memory_space<smem>>
      %swap3A_61 = arith.constant 0.000000e+00 : f32
      %swap3A_62 = arith.constant 1 : index
      %swap3A_63 = memref.load %arg4[%swap3A_62] : memref<2xf32, #tpu.memory_space<smem>>
      memref.store %swap3A_61, %arg4[%swap3A_62] : memref<2xf32, #tpu.memory_space<smem>>
    } else {
    }
    %get3A_44 = arith.constant 0 : index
    %get3A_45 = memref.load %arg4[%get3A_44] : memref<2xf32, #tpu.memory_space<smem>>
    %add3A_46 = arith.addf %get3A_45, %reduce_sum3A_33 : f32
    %swap3A = arith.constant 0 : index
    %swap3A_47 = memref.load %arg4[%swap3A] : memref<2xf32, #tpu.memory_space<smem>>
    memref.store %add3A_46, %arg4[%swap3A] : memref<2xf32, #tpu.memory_space<smem>>
    %get3A_48 = arith.constant 1 : index
    %get3A_49 = memref.load %arg4[%get3A_48] : memref<2xf32, #tpu.memory_space<smem>>
    %add3A_50 = arith.addf %get3A_49, %reduce_sum3A_39 : f32
    %swap3A_51 = arith.constant 1 : index
    %swap3A_52 = memref.load %arg4[%swap3A_51] : memref<2xf32, #tpu.memory_space<smem>>
    memref.store %add3A_50, %arg4[%swap3A_51] : memref<2xf32, #tpu.memory_space<smem>>
    %eq3A_53 = arith.constant 3 : i32
    %eq3A_54 = arith.cmpi eq, %arg0, %eq3A_53 : i32
    %convert_element_type3A_55 = arith.extui %eq3A_54 : i1 to i32
    %cond3A_56 = arith.constant 0 : i32
    %cond3A_57 = arith.cmpi ne, %convert_element_type3A_55, %cond3A_56 : i32
    scf.if %cond3A_57 {
      %get3A_58 = arith.constant 0 : index
      %get3A_59 = memref.load %arg4[%get3A_58] : memref<2xf32, #tpu.memory_space<smem>>
      %get3A_60 = arith.constant 1 : index
      %get3A_61 = memref.load %arg4[%get3A_60] : memref<2xf32, #tpu.memory_space<smem>>
      %max3A = arith.constant 1.000000e+00 : f32
      %max3A_62 = arith.maximumf %get3A_61, %max3A : f32
      %div3A_63 = arith.divf %get3A_59, %max3A_62 : f32
      %swap3A_64 = arith.constant 0 : index
      %swap3A_65 = arith.constant 0 : index
      %swap3A_66 = memref.load %arg3[%swap3A_64, %swap3A_65] : memref<1x1xf32, #tpu.memory_space<smem>>
      memref.store %div3A_63, %arg3[%swap3A_64, %swap3A_65] : memref<1x1xf32, #tpu.memory_space<smem>>
    } else {
    }
    return
  }
  func.func @transform_0(%arg0: i32) -> (i32, i32) {
    %c0_i32 = arith.constant 0 : i32
    %c0_i32_0 = arith.constant 0 : i32
    return %arg0, %c0_i32 : i32, i32
  }
  func.func @transform_1(%arg0: i32) -> (i32, i32) {
    %c0_i32 = arith.constant 0 : i32
    %c0_i32_0 = arith.constant 0 : i32
    %c0_i32_1 = arith.constant 0 : i32
    return %c0_i32, %c0_i32_0 : i32, i32
  }
  func.func @transform_2(%arg0: i32) -> (i32, i32) {
    %c0_i32 = arith.constant 0 : i32
    %c0_i32_0 = arith.constant 0 : i32
    %c0_i32_1 = arith.constant 0 : i32
    return %c0_i32, %c0_i32_0 : i32, i32
  }
}

</mosaic_0001>

<sc_bundles>
// kernel: kernel.4.cloned.1.call-start
scs
__scs_entry_jumppad:
0x0: {  	(pc) =	sbr.rel $0x88, $3  }
0x1: {  	(tag) =	ssettag $0x0;
	lr =	simm.s32 $0x1  }
0x2: {  	[smem:$0x3F9E] =	sst lr;
	_ =	strace $0xD0000000  }
0x3: {  	_ = 	snop  }
0x4: {  	_ = 	snop  }
0x5: {  	_ = 	snop  }
0x6: {  	_ = 	snop  }
0x7: {  	_ = 	snop  }
__scs_overlays_trampoline_lowered:
0x8: {  	[smem:$0x3FAD] =	sst s0  }
0x9: {  	[smem:$0x3FAE] =	sst s1  }
0xa: {  	[smem:$0x3FAF] =	sst s2  }
0xb: {  	[smem:$0x3FB0] =	sst s3  }
0xc: {  	[smem:$0x3FB1] =	sst s4  }
0xd: {  	[smem:$0x3FB2] =	sst s5  }
0xe: {  	[smem:$0x3FB3] =	sst s6  }
0xf: {  	[smem:$0x3FB4] =	sst s7  }
0x10: {  	[smem:$0x3FB5] =	sst s8  }
0x11: {  	[smem:$0x3FB6] =	sst s9;
	s0 =	simm.s32 @!p0 $0x0  }
0x12: {  	s1 =	sld [smem:$0x3F9C];
	s0 =	simm.s32 @p0 $0x1  }
0x13: {  	[smem:$0x3FB7] =	sst s0;
	s0 =	simm.s32 @!p1 $0x0  }
0x14: {  	s2 =	sld [smem:$0x3F9B];
	s0 =	simm.s32 @p1 $0x1  }
0x15: {  	[smem:$0x3FB8] =	sst s0;
	s0 =	simm.s32 @!p2 $0x0  }
0x16: {  	s3 =	sld [smem:$0x3FDB];
	s0 =	simm.s32 @p2 $0x1  }
0x17: {  	s4 =	simm.s32 $0x1BF5;
	[smem:$0x3FBA] =	sst s0  }
0x18: {  	s0 =	sld [smem:$0x3F9D];
	_ =	swait.ge [sflag:s4], $0x0  }
0x19: {  	s7 =	sld [smem:$0x3F9E]  }
0x1a: {  	s8 =	sadd.s32 $0xFFFFE003, lr  }
0x1b: {  	s9 =	sadd.s32 $0xFFFFFEF7, lr;
	s5 =	simm.s32 $0xFFFFFFFF;
	p2 =	slt.u32 s8, $0xFFFFF086  }
0x1c: {  	p1 =	slt.u32 s9, $0xF7A;
	s5 =	simm.s32 @!p2 $0x0  }
0x1d: {  	s5 =	simm.s32 @p1 $0x1;
	p0 =	seq.s32 s7, s2  }
0x1e: {  	s7 =	smul.u32 @!p0 $0xF7A, s2;
	p2 =	seq.s32 @!p0 s5, $0x0  }
0x1f: {  	s9 =	smul.u32 $0xF7A, s1;
	s8 =	simm.s32 @!p0 $0x1BF5;
	p2 =	por !p2, p0  }
0x20: {  	[sflag:s8] =	ssyncset.s32 @!p0 $0xFFFFF086;
	s6 =	sadd.s32 @!p0 s3, s7;
	s7 =	simm.s32 @!p0 $0x108  }
0x21: {  	s3 =	sadd.s32 s3, s9;
	s6 =	sadd.s32 @!p0 $0x88, s6;
	s7 =	simm.s32 @p2 $0x1082  }
0x22: {  	[simem:s7], [sflag:s8] =	dma.local @!p0 [hbm:s6], $0xF7A  }
0x23: {  	s9 =	sor.u32 $0xD0000000, s2;
	s6 =	simm.s32 $0x108;
	_ =	swait.ge @!p0 [sflag:s8], $0x0  }
0x24: {  	s3 =	sadd.s32 $0x88, s3;
	s6 =	simm.s32 @!p1 $0x1082;
	[sflag:s4] =	ssyncset.s32 $0xFFFFF086  }
0x25: {  	[simem:s6], [sflag:s4] =	dma.local [hbm:s3], $0xF7A  }
0x26: {  	[smem:$0x3F9E] =	sst s1;
	(tag) =	ssettag s2;
	_ =	strace s9  }
0x27: {  	s1 =	sld [smem:$0x3FAE]  }
0x28: {  	s2 =	sld [smem:$0x3FAF]  }
0x29: {  	s4 =	sld [smem:$0x3FB1]  }
0x2a: {  	p0 =	seq.s32 s5, $0x0;
	s5 =	sld [smem:$0x3FB2]  }
0x2b: {  	s6 =	sld [smem:$0x3FB3]  }
0x2c: {  	s7 =	sld [smem:$0x3FB4]  }
0x2d: {  	s3 =	simm.s32 $0x108;
	s8 =	sld [smem:$0x3FB5]  }
0x2e: {  	s3 =	simm.s32 @!p0 $0x1082;
	s9 =	sld [smem:$0x3FB6]  }
0x2f: {  	lr =	sadd.s32 s0, s3;
	s0 =	sld [smem:$0x3FAD]  }
0x30: {  	s3 =	sld [smem:$0x3FB0]  }
0x31: {  	[smem:$0x3FB9] =	sst s10  }
0x32: {  	s10 =	sld [smem:$0x3FB7];
	_ =	sdelay $0x3  }
0x33: {  	p0 =	seq.s32 s10, $0x1;
	s10 =	sld [smem:$0x3FB9];
	_ =	sdelay $0x3  }
0x34: {  	[smem:$0x3FB9] =	sst s10  }
0x35: {  	s10 =	sld [smem:$0x3FB8];
	_ =	sdelay $0x3  }
0x36: {  	p1 =	seq.s32 s10, $0x1;
	s10 =	sld [smem:$0x3FB9];
	_ =	sdelay $0x3  }
0x37: {  	[smem:$0x3FB9] =	sst s10  }
0x38: {  	s10 =	sld [smem:$0x3FBA]  }
0x39: {  	_ = 	snop;
	(pc) =	sbr.ind lr, $3  }
0x3a: {  	_ = 	snop  }
0x3b: {  	_ = 	snop  }
0x3c: {  	p2 =	seq.s32 s10, $0x1;
	s10 =	sld [smem:$0x3FB9]  }
0x3d: {  	_ =	shalt  }
0x3e: {  	_ =	shalt  }
0x3f: {  	_ =	shalt  }
0x40: {  	_ =	shalt  }
0x41: {  	_ =	shalt  }
0x42: {  	_ =	shalt  }
0x43: {  	_ =	shalt  }
0x44: {  	_ =	shalt  }
0x45: {  	_ =	shalt  }
0x46: {  	_ =	shalt  }
0x47: {  	_ =	shalt  }
0x48: {  	_ =	shalt  }
0x49: {  	_ =	shalt  }
0x4a: {  	_ =	shalt  }
0x4b: {  	_ =	shalt  }
0x4c: {  	_ =	shalt  }
0x4d: {  	_ =	shalt  }
0x4e: {  	_ =	shalt  }
0x4f: {  	_ =	shalt  }
0x50: {  	_ =	shalt  }
0x51: {  	_ =	shalt  }
0x52: {  	_ =	shalt  }
0x53: {  	_ =	shalt  }
0x54: {  	_ =	shalt  }
0x55: {  	_ =	shalt  }
0x56: {  	_ =	shalt  }
0x57: {  	_ =	shalt  }
0x58: {  	_ =	shalt  }
0x59: {  	_ =	shalt  }
0x5a: {  	_ =	shalt  }
0x5b: {  	_ =	shalt  }
0x5c: {  	_ =	shalt  }
0x5d: {  	_ =	shalt  }
0x5e: {  	_ =	shalt  }
0x5f: {  	_ =	shalt  }
0x60: {  	_ =	shalt  }
0x61: {  	_ =	shalt  }
0x62: {  	_ =	shalt  }
0x63: {  	_ =	shalt  }
0x64: {  	_ =	shalt  }
0x65: {  	_ =	shalt  }
0x66: {  	_ =	shalt  }
0x67: {  	_ =	shalt  }
0x68: {  	_ =	shalt  }
0x69: {  	_ =	shalt  }
0x6a: {  	_ =	shalt  }
0x6b: {  	_ =	shalt  }
0x6c: {  	_ =	shalt  }
0x6d: {  	_ =	shalt  }
0x6e: {  	_ =	shalt  }
0x6f: {  	_ =	shalt  }
0x70: {  	_ =	shalt  }
0x71: {  	_ =	shalt  }
0x72: {  	_ =	shalt  }
0x73: {  	_ =	shalt  }
0x74: {  	_ =	shalt  }
0x75: {  	_ =	shalt  }
0x76: {  	_ =	shalt  }
0x77: {  	_ =	shalt  }
0x78: {  	_ =	shalt  }
0x79: {  	_ =	shalt  }
0x7a: {  	_ =	shalt  }
0x7b: {  	_ =	shalt  }
0x7c: {  	_ =	shalt  }
0x7d: {  	_ =	shalt  }
0x7e: {  	_ =	shalt  }
0x7f: {  	_ =	shalt  }
0x80: {  	_ =	shalt  }
0x81: {  	_ =	shalt  }
0x82: {  	_ =	shalt  }
0x83: {  	_ =	shalt  }
0x84: {  	_ =	shalt  }
0x85: {  	_ =	shalt  }
0x86: {  	_ =	shalt  }
0x87: {  	_ =	shalt  }
.Lfunc_end0:
.L_simem_size_0:
called_computation_lowered:
.L_overlay_start_0:
0x88: {  	s2 =	sld [smem:$0x3FD9]  }
0x89: {  	s3 =	sld [smem:$0x3FFE];
	_ =	sdelay $0x1  }
0x8a: {  	s1 =	srdreg.scid  }
0x8b: {  	s0 =	sand.u32 $0x1, s1  }
0x8c: {  	s17 =	sshll.u32 s0, $0xA;
	s2 =	sadd.s32 s3, s2  }
0x8d: {  	s2 =	sadd.s32 s2, s17  }
0x8e: {  	[smem:$0x3FC5] =	sst s2  }
0x8f: {  	_ = 	snop  }
0x90: {  	s2 =	sld [smem:$0x3FC9]  }
0x91: {  	s18 =	sld [smem:$0x3FC8];
	(tm) =	ssettm $0x1  }
0x92: {  	s4 =	sld [smem:$0x3FFB];
	_ =	sdelay $0x3  }
0x93: {  	_ =	strace s4  }
0x94: {  	s4 =	sld [smem:$0x3FFC];
	_ =	sdelay $0x3  }
0x95: {  	_ =	strace s4  }
0x96: {  	s4 =	sld [smem:$0x3FFD];
	_ =	sdelay $0x3  }
0x97: {  	_ =	strace s4  }
0x98: {  	_ =	strace $0x8FFFFFFF  }
0x99: {  	s19 =	sld [smem:$0x3FDB];
	_ =	sdelay $0x1  }
0x9a: {  	s5 =	simm.s32 $_scs_section_size  }
0x9b: {  	s6 =	simm.s32 $_size__tile_overlayer_lowered;
	s7 =	simm.s32 $_tile_overlayer_lowered  }
0x9c: {  	s22 =	simm.s32 $0x1BFF;
	s21 =	sshll.u32 s7, $0x1;
	s4 =	sadd.s32 s5, s19  }
0x9d: {  	s8 =	simm.s32 $0x0;
	s20 =	sshll.u32 s6, $0x1;
	s6 =	sadd.s32 s21, s4  }
0x9e: {  	[timem:s8], [sflag:s22] =	dma.local [hbm:s6], s20  }
0x9f: {  	_ =	swait.ge [sflag:s22], s20  }
0xa0: {  	s5 =	ssub.s32 $0x0, s20;
	[sflag:s22] =	ssyncset.done $0x0  }
0xa1: {  	[sflag:s22] =	ssyncadd.s32 s5;
	_ =	sdelay $0x1  }
0xa2: {  	s23 =	simm.s32 $0x1B8B  }
0xa3: {  	_ =	swait.ge [sflag:s23], $0x1  }
0xa4: {  	[sflag:s23] =	ssyncset.done $0x0  }
0xa5: {  	s25 =	simm.s32 $0x1B8E;
	s24 =	sld [smem:$0x3FFE];
	[sflag:s23] =	ssyncadd.s32 $0xFFFFFFFF  }
0xa6: {  	s26 =	simm.s32 $execute0_lowered;
	[smem:$0x3FD2] =	sst s25  }
0xa7: {  	s6 =	sshll.u32 s26, $0x1;
	_ =	strace $0x80000046;
	[dreg:$0x1] =	wrdreg $0xFFFFFFFF  }
0xa8: {  	s28 =	simm.s32 $_size_execute0_lowered;
	s4 =	sadd.s32 s4, s6;
	[dreg:$0x0] =	wrdreg $0x0  }
0xa9: {  	s6 =	sshll.u32 s28, $0x1;
	[dreg:$0x2] =	wrdreg s4  }
0xaa: {  	[dreg:$0x3] =	wrdreg s6  }
0xab: {  	[dreg:$0x4] =	wrdreg $0xC0  }
0xac: {  	_ =	task [dreg:s8], $0x5FFFF  }
0xad: {  	[dreg:$0x1] =	wrdreg $0xFFFFFFFF  }
0xae: {  	[dreg:$0x0] =	wrdreg $0x60  }
0xaf: {  	[dreg:$0x2] =	wrdreg s2  }
0xb0: {  	[dreg:$0x3] =	wrdreg s18  }
0xb1: {  	[dreg:$0x4] =	wrdreg s24  }
0xb2: {  	[dreg:$0x5] =	wrdreg $0x9  }
0xb3: {  	_ =	task.clear_ibuf [dreg:s8], $0x6FFFF;
	_ =	strace $0x90000046  }
0xb4: {  	s29 =	simm.s32 $0x9;
	_ =	strace $0x80000048  }
0xb5: {  	_ =	swait.ge [sflag:s29], $0x1  }
0xb6: {  	[sflag:s29] =	ssyncadd.s32 $0xFFFFFFFF  }
0xb7: {  	_ =	strace $0x90000048  }
0xb8: {  	_ =	sfence  }
0xb9: {  	s30 =	sld [smem:$0x0];
	_ =	sdelay $0x2  }
0xba: {  	s31 =	sshll.u32 s1, $0xD;
	s1 =	sshrl.u32 s1, $0x2  }
0xbb: {  	s3 =	sand.u32 $0x4000, s31;
	s1 =	sadd.s32 s1, s30  }
0xbc: {  	s0 =	sor.u32 s3, s0;
	s1 =	sshll.u32 s1, $0x11  }
0xbd: {  	s0 =	sor.u32 s1, s0  }
0xbe: {  	s0 =	sadd.s32 $0x8F2B, s0  }
0xbf: {  	[sflag:s0] =	ssyncadd.remote.s32 $0x1  }
0xc0: {  	_ =	sfence.sel $0xFFFF  }
0xc1: {  	[dreg:$0x0] =	wrdreg $0xFFFFFFFF;
	(pc) =	sbr.abs _section_cstart, $3  }
0xc2: {  	[dreg:$0x1] =	wrdreg $0xFFFFFFFF  }
0xc3: {  	_ =	task.clear_ibuf [dreg:s8], $0x2FFFF;
	_ =	strace $0x9FFFFFFF  }
0xc4: {  	(tm) =	ssettm $0x7FFFFFFF  }
0xc5: {  	_ =	shalt  }
tec
execute0_lowered:
.L_overlay_start_1:
0x0: {  	(tag) =	ssettag $0x1  }
0x1: {  	s2 =	rddreg [dreg:$0x0]  }
0x2: {  	s3 =	rddreg [dreg:$0x1]  }
0x3: {  	s0 =	srdreg.scid;
	s5 =	rddreg [dreg:$0x2]  }
0x4: {  	s1 =	stileid.u32;
	s4 =	simm.s32 $0x0;
	s11 =	simm.s32 $0x8080  }
0x5: {  	s12 =	simm.s32 $0x0;
	s6 =	sand.u32 $0x1, s0;
	s0 =	rddreg [dreg:$0x3]  }
0x6: {  	s8 =	sshll.u32 s1, $0x5;
	[smem:$0x7FF] =	sst s4;
	s7 =	sshll.u32 s6, $0x9  }
.Ltmp0:
0x7: {  	s6 =	ssub.s32 $0x2, s6;
	s7 =	sor.u32 s8, s7;
	(pc) =	sbr.rel .LBB2_1-.Ltmp0, $4  }
0x8: {  	_ =	strace $0x80000047;
	s9 =	sshrl.u32 s6, $0x1;
	s8 =	sshll.u32 s7, $0x4  }
0x9: {  	s9 =	ssub.s32 s6, s9;
	s10 =	sadd.s32 $0x20, s7;
	s8 =	sadd.s32 s8, s5  }
0xa: {  	v0 =	vmov s7;
	s7 =	smax.u32 s9, $0x1;
	s9 =	simm.s32 $0xC100;
	v1 =	vmov s10;
	s10 =	simm.s32 $0x4000  }
0xb: {  	v2 =	vimm.s32 $0x0;
	v3 =	vlaneseq.u32;
	s5 =	sadd.s32 $0x600, s8;
	s6 =	sadd.s32 $0x4600, s8;
	s8 =	simm.s32 $0x3  }
.LBB2_14:
0xc: {  	s12 =	sadd.s32 $0x1, s12  }
0xd: {  	p0 =	sne.s32 s12, s7  }
.Ltmp1:
0xe: {  	_ = 	snop;
	(pc) =	sbr.rel @!p0 .LBB2_15-.Ltmp1, $4  }
0xf: {  	[hbm4b:s6+s4] =	stream.linear.scatter [tilespmem:s9], [sflag:$0x3], $0x1000, $0x38;
	[tilespmem:$0x15500] =	vst v63  }
0x10: {  	_ =	swait.ge [sflag:s8], $0x1000  }
0x11: {  	[sflag:s8] =	ssyncset.done $0x0  }
0x12: {  	[sflag:s8] =	ssyncadd.s32 $0xFFFFF000  }
.LBB2_1:
0x13: {  	[tilespmem:s4], [sflag:$0x3] =	stream.linear.gather [hbm4b:s3+s4], $0x4000, $0x38;
	[tilespmem:$0x15500] =	vst v63  }
0x14: {  	_ =	swait.ge [sflag:s8], $0x4000  }
0x15: {  	[sflag:s8] =	ssyncset.done $0x0  }
0x16: {  	[sflag:s8] =	ssyncadd.s32 $0xFFFFC000  }
0x17: {  	[tilespmem:s9], [sflag:$0x3] =	stream.linear.gather [hbm4b:s5+s4], $0x1000, $0x38;
	[tilespmem:$0x15500] =	vst v63  }
0x18: {  	_ =	swait.ge [sflag:s8], $0x1000  }
0x19: {  	[sflag:s8] =	ssyncset.done $0x0  }
0x1a: {  	s13 =	simm.s32 $0x10;
	[sflag:s8] =	ssyncadd.s32 $0xFFFFF000  }
0x1b: {  	v4 =	vld [tilespmem:s13+$0xFFFFFFF0];
	_ =	sdelay $0x4  }
0x1c: {  	vm0 =	vge.s32 v4, v0;
	vm1 =	vlt.s32 v4, v1  }
0x1d: {  	vm0 =	vmand vm0, vm1  }
0x1e: {  	v5 =	vsel vm0, $0x1, v2  }
0x1f: {  	(xrf0) =	vadd.scan.msk.s32 $0xffff, v5;
	_ =	sdelay $0x5  }
0x20: {  	v5, _, _ =	vpop (xrf0)  }
0x21: {  	(v2sf) =	vpush v5, $0xF;
	_ =	sdelay $0x5  }
0x22: {  	v6 =	vld [tilespmem:s13+$0x0];
	_ =	sdelay $0x4  }
0x23: {  	vm15 =	vge.s32 v6, v0;
	vm2 =	vlt.s32 v6, v1  }
0x24: {  	vm1 =	vmand vm15, vm2  }
0x25: {  	v7 =	vsel vm1, $0x1, v2  }
0x26: {  	(xrf0) =	vadd.scan.msk.s32 $0xffff, v7  }
0x27: {  	v7 =	vmov s4;
	s31 =	spop (v2sf)  }
0x28: {  	v7 =	vadd.s32 $0xFFFFFFFF, v7;
	s13 =	sadd.s32 $0x0, s31  }
0x29: {  	v7 =	vbroadcast v7, $0x0;
	v8 =	vmov s13  }
0x2a: {  	v8 =	vadd.s32 $0xFFFFFFFF, v8  }
0x2b: {  	v5 =	vadd.s32 v5, v7;
	v7 =	vbroadcast v8, $0x0  }
0x2c: {  	v63, _, _ =	vpop (xrf0)  }
0x2d: {  	(v2sf) =	vpush v63, $0xF;
	v7 =	vadd.s32 v63, v7;
	_ =	sdelay $0x1  }
0x2e: {  	v9 =	vor.u32 s4, v3  }
0x2f: {  	s14 =	simm.s32 $0x10;
	v4 =	vsub.s32 v4, v0;
	[tilespmem:v5+s10+$0x0] =	vst.idx.msk vm0, v9  }
0x30: {  	[tilespmem:v5+s11+$0x0] =	vst.idx.msk vm0, v4;
	v4 =	vor.u32 s14, v3  }
0x31: {  	[tilespmem:v7+s10+$0x0] =	vst.idx.msk vm1, v4;
	v4 =	vsub.s32 v6, v0  }
0x32: {  	s15 =	simm.s32 $0x30;
	[tilespmem:v7+s11+$0x0] =	vst.idx.msk vm1, v4  }
0x33: {  	v5 =	vld [tilespmem:s15+$0xFFFFFFF0]  }
0x34: {  	s16 =	simm.s32 $0x40;
	s14 =	simm.s32 $0x20;
	v4 =	vld [tilespmem:s15+$0x0]  }
.LBB2_2:
0x35: {  	p0 =	sne.s32 s16, $0x3FE0;
	_ =	sdelay $0x2  }
0x36: {  	vm0 =	vge.s32 v5, v0;
	vm1 =	vlt.s32 v5, v1;
	v5 =	vsub.s32 v5, v0  }
0x37: {  	vm0 =	vmand vm0, vm1  }
0x38: {  	v6 =	vsel vm0, $0x1, v2  }
0x39: {  	(xrf0) =	vadd.scan.msk.s32 $0xffff, v6;
	s17 =	spop (v2sf)  }
0x3a: {  	s13 =	sadd.s32 s17, s13;
	_ =	sdelay $0x4  }
0x3b: {  	v6, _, _ =	vpop (xrf0)  }
0x3c: {  	(v2sf) =	vpush v6, $0xF;
	_ =	sdelay $0xa  }
0x3d: {  	vm1 =	vge.s32 v4, v0;
	vm2 =	vlt.s32 v4, v1  }
0x3e: {  	vm1 =	vmand vm1, vm2  }
0x3f: {  	v7 =	vsel vm1, $0x1, v2  }
0x40: {  	(xrf0) =	vadd.scan.msk.s32 $0xffff, v7  }
0x41: {  	v7 =	vmov s13;
	s17 =	spop (v2sf)  }
0x42: {  	v7 =	vadd.s32 $0xFFFFFFFF, v7;
	s13 =	sadd.s32 s13, s17  }
0x43: {  	v7 =	vbroadcast v7, $0x0;
	v8 =	vmov s13  }
0x44: {  	v9 =	vadd.s32 $0xFFFFFFFF, v8  }
0x45: {  	v6 =	vadd.s32 v6, v7;
	v7 =	vbroadcast v9, $0x0  }
0x46: {  	v8, _, _ =	vpop (xrf0)  }
0x47: {  	v7 =	vadd.s32 v8, v7;
	(v2sf) =	vpush v8, $0xF;
	_ =	sdelay $0x1  }
0x48: {  	v8 =	vor.u32 s14, v3  }
0x49: {  	s17 =	sadd.s32 $0x10, s14;
	s14 =	smov.u32 s16;
	[tilespmem:v6+s10+$0x0] =	vst.idx.msk vm0, v8  }
.Ltmp2:
0x4a: {  	[tilespmem:v6+s11+$0x0] =	vst.idx.msk vm0, v5;
	v5 =	vor.u32 s17, v3;
	(pc) =	sbr.rel @p0 .LBB2_2-.Ltmp2, $4  }
0x4b: {  	v4 =	vsub.s32 v4, v0;
	[tilespmem:v7+s10+$0x0] =	vst.idx.msk vm1, v5  }
0x4c: {  	s15 =	sadd.s32 $0x20, s15;
	[tilespmem:v7+s11+$0x0] =	vst.idx.msk vm1, v4  }
0x4d: {  	v5 =	vld [tilespmem:s15+$0xFFFFFFF0]  }
0x4e: {  	s16 =	sadd.s32 $0x20, s16;
	v4 =	vld [tilespmem:s15+$0x0]  }
0x4f: {  	_ =	sdelay $0x2  }
0x50: {  	vm0 =	vge.s32 v5, v0;
	vm1 =	vlt.s32 v5, v1  }
0x51: {  	vm1 =	vmand vm0, vm1  }
0x52: {  	v6 =	vsel vm1, $0x1, v2  }
0x53: {  	vm15 =	vge.s32 v4, v0;
	vm2 =	vlt.s32 v4, v1;
	(xrf0) =	vadd.scan.msk.s32 $0xffff, v6  }
0x54: {  	vm0 =	vmand vm15, vm2  }
0x55: {  	v60 =	vsel vm0, $0x1, v2  }
0x56: {  	(xrf0) =	vadd.scan.msk.s32 $0xffff, v60;
	_ =	sdelay $0x2  }
0x57: {  	v61, _, _ =	vpop (xrf0)  }
0x58: {  	(v2sf) =	vpush v61, $0xF;
	_ =	sdelay $0x1  }
0x59: {  	v7, _, _ =	vpop (xrf0)  }
0x5a: {  	(v2sf) =	vpush v7, $0xF;
	_ =	sdelay $0x9  }
0x5b: {  	s15 =	spop (v2sf)  }
0x5c: {  	s16 =	sadd.s32 s15, s13  }
0x5d: {  	v8 =	vmov s16;
	s17 =	spop (v2sf)  }
0x5e: {  	v8 =	vadd.s32 $0xFFFFFFFF, v8;
	s13 =	sadd.s32 s16, s17  }
0x5f: {  	v8 =	vbroadcast v8, $0x0;
	v9 =	vmov s13  }
0x60: {  	s18 =	spop (v2sf);
	v9 =	vadd.s32 $0xFFFFFFFF, v9  }
0x61: {  	v6 =	vadd.s32 v61, v8;
	s13 =	sadd.s32 s18, s13;
	v62 =	vbroadcast v9, $0x0  }
0x62: {  	s24 =	sadd.s32 $0x7F, s13  }
0x63: {  	s19 =	sand.u32 $0x7F, s24;
	v7 =	vadd.s32 v7, v62  }
0x64: {  	s20 =	sshra.s32 s24, $0x1F;
	p0 =	slt.s32 s24, $0x1;
	p1 =	sne.s32 s19, $0x0  }
0x65: {  	v63 =	vor.u32 s14, v3;
	s25 =	sadd.s32 $0x10, s14;
	s26 =	sshrl.u32 s20, $0x19;
	p0 =	por !p0, !p1  }
0x66: {  	v5 =	vsub.s32 v5, v0;
	[tilespmem:v6+s10+$0x0] =	vst.idx.msk vm1, v63;
	s19 =	simm.s32 $0x1;
	s15 =	sadd.s32 s26, s24;
	p0 =	por !p0, !p0  }
0x67: {  	[tilespmem:v6+s11+$0x0] =	vst.idx.msk vm1, v5;
	v5 =	vor.u32 s25, v3;
	s28 =	sshra.s32 s15, $0x7;
	s19 =	simm.s32 @!p0 $0x0  }
0x68: {  	v4 =	vsub.s32 v4, v0;
	s14 =	ssub.s32 s28, s19;
	[tilespmem:v7+s10+$0x0] =	vst.idx.msk vm0, v5  }
0x69: {  	p0 =	slt.s32 s14, $0x1;
	[tilespmem:v7+s11+$0x0] =	vst.idx.msk vm0, v4  }
0x6a: {  	v4 =	vld @!p0 [tilespmem:$0x4000]  }
0x6b: {  	v5 =	vld @!p0 [tilespmem:$0x4010]  }
0x6c: {  	v6 =	vld @!p0 [tilespmem:$0x4020]  }
0x6d: {  	v8 =	vlaneseq.u32 @!p0;
	v7 =	vmov @!p0 s13;
	v9 =	vld @!p0 [tilespmem:$0x4030]  }
0x6e: {  	v10 =	vor.u32 @!p0 $0x10, v8;
	vm0 =	vgt.s32 @!p0 v7, v8;
	v11 =	vld @!p0 [tilespmem:$0x4040]  }
0x6f: {  	v12 =	vld @!p0 [tilespmem:$0x4050];
	v4 =	vnsel @!p0 vm0, $0x0, v4;
	vm0 =	vgt.s32 @!p0 v7, v10;
	v10 =	vor.u32 @!p0 $0x20, v8  }
0x70: {  	[tilespmem:$0xD100] =	vst @!p0 v4;
	v4 =	vnsel @!p0 vm0, $0x0, v5;
	vm0 =	vgt.s32 @!p0 v7, v10;
	v5 =	vor.u32 @!p0 $0x30, v8;
	v10 =	vld @!p0 [tilespmem:$0x4060]  }
0x71: {  	[tilespmem:$0xD110] =	vst @!p0 v4;
	v4 =	vnsel @!p0 vm0, $0x0, v6;
	vm0 =	vgt.s32 @!p0 v7, v5;
	v5 =	vor.u32 @!p0 $0x40, v8;
	v6 =	vld @!p0 [tilespmem:$0x4070]  }
0x72: {  	[tilespmem:$0xD180] =	vst @!p0 v4;
	v4 =	vnsel @!p0 vm0, $0x0, v9;
	vm0 =	vgt.s32 @!p0 v7, v5;
	v5 =	vor.u32 @!p0 $0x50, v8  }
0x73: {  	[tilespmem:$0xD190] =	vst @!p0 v4;
	v4 =	vnsel @!p0 vm0, $0x0, v11;
	vm0 =	vgt.s32 @!p0 v7, v5;
	v5 =	vor.u32 @!p0 $0x60, v8  }
0x74: {  	[tilespmem:$0xD200] =	vst @!p0 v4;
	vm1 =	vgt.s32 @!p0 v7, v5;
	v4 =	vnsel @!p0 vm0, $0x0, v12;
	v5 =	vor.u32 @!p0 $0x70, v8  }
0x75: {  	[tilespmem:$0xD210] =	vst @!p0 v4;
	v4 =	vnsel @!p0 vm1, $0x0, v10;
	vm0 =	vgt.s32 @!p0 v7, v5  }
0x76: {  	s29 =	sadd.s32 $0x1, s14;
	[tilespmem:$0xD280] =	vst @!p0 v4;
	v4 =	vnsel @!p0 vm0, $0x0, v6  }
0x77: {  	s15 =	simm.s32 @!p0 $0x20;
	s19 =	simm.s32 @!p0 $0xD100;
	s20 =	simm.s32 @!p0 $0xD500;
	[tilespmem:$0xD290] =	vst @!p0 v4  }
0x78: {  	[tilespmem:s20], [sflag:$0x1] =	stream.indirect.gather @!p0 [hbm4b:s2+s15], $0x80, s19, s15, $0xb8;
	[tilespmem:$0x15500] =	vst v63  }
0x79: {  	p5 =	slt.s32 s14, $0x0;
	s19 =	simm.s32 @!p0 $0xD180;
	s20 =	simm.s32 @!p0 $0xE500  }
0x7a: {  	[tilespmem:s20], [sflag:$0x1] =	stream.indirect.gather @!p0 [hbm4b:s2+s15], $0x80, s19, s15, $0xb8;
	[tilespmem:$0x15500] =	vst v63  }
0x7b: {  	s30 =	sand.u32 $0x1, s29;
	s19 =	simm.s32 @!p0 $0xD200;
	s20 =	simm.s32 @!p0 $0xF500  }
0x7c: {  	[tilespmem:s20], [sflag:$0x1] =	stream.indirect.gather @!p0 [hbm4b:s2+s15], $0x80, s19, s15, $0xb8;
	[tilespmem:$0x15500] =	vst v63  }
0x7d: {  	p6 =	seq.s32 s30, $0x1;
	s19 =	simm.s32 @!p0 $0xD280;
	s20 =	simm.s32 @!p0 $0x10500  }
0x7e: {  	[tilespmem:s20], [sflag:$0x1] =	stream.indirect.gather @!p0 [hbm4b:s2+s15], $0x80, s19, s15, $0xb8;
	[tilespmem:$0x15500] =	vst v63  }
0x7f: {  	s31 =	sshrl.u32 s29, $0x1F;
	p0 =	por !p5, !p6  }
0x80: {  	s15 =	sadd.s32 s31, s29;
	s19 =	simm.s32 $0x1;
	p0 =	por !p0, !p0  }
0x81: {  	s15 =	sshra.s32 s15, $0x1;
	s19 =	simm.s32 @!p0 $0x0  }
0x82: {  	s15 =	ssub.s32 s15, s19  }
0x83: {  	p0 =	slt.s32 s15, $0x1  }
.Ltmp3:
0x84: {  	_ = 	snop;
	(pc) =	sbr.rel @p0 .LBB2_14-.Ltmp3, $1  }
0x85: {  	_ =	sdelay $0x3  }
.Ltmp4:
0x86: {  	(pc) =	sbr.rel .LBB2_5-.Ltmp4, $4  }
0x87: {  	_ = 	snop  }
0x88: {  	s17 =	sadd.s32 s18, s17  }
0x89: {  	s18 =	simm.s32 $0x8080;
	s19 =	simm.s32 $0x8100;
	s16 =	sadd.s32 s16, s17  }
0x8a: {  	v4 =	vmov s13;
	s20 =	smov.u32 s13;
	s17 =	simm.s32 $0x0;
	s16 =	sadd.s32 $0xFFFFFF80, s16  }
.LBB2_12:
0x8b: {  	s21 =	smul.f32 s26, s25;
	_ =	sdelay $0x1  }
0x8c: {  	s21 =	smul.f32 s21, s26;
	_ =	sdelay $0x1  }
0x8d: {  	s21 =	ssub.f32 $1.500000000e+00, s21;
	_ =	sdelay $0x1  }
0x8e: {  	s21 =	smul.f32 s21, s26;
	_ =	sdelay $0x1  }
0x8f: {  	v6 =	vmul.f32 s21, v6  }
0x90: {  	v8 =	vmul.f32 s21, v8  }
0x91: {  	v12 =	vmul.f32 s21, v12;
	[tilespmem:s22+$0xC170] =	vst v6  }
0x92: {  	v7 =	vmul.f32 s21, v7;
	[tilespmem:s22+$0xC110] =	vst v8  }
0x93: {  	v5 =	vmul.f32 s21, v5;
	[tilespmem:s22+$0xC120] =	vst v12  }
0x94: {  	v6 =	vmul.f32 s21, v10;
	[tilespmem:s22+$0xC140] =	vst v7  }
0x95: {  	v7 =	vmul.f32 s21, v11;
	[tilespmem:s22+$0xC150] =	vst v5  }
0x96: {  	[tilespmem:s22+$0xC130] =	vst v6;
	v6 =	vmul.f32 s21, v9  }
0x97: {  	[tilespmem:s22+$0xC100] =	vst v7  }
0x98: {  	[tilespmem:s22+$0xC160] =	vst v6  }
.LBB2_13:
0x99: {  	s17 =	sadd.s32 $0x1, s17  }
0x9a: {  	p0 =	sne.s32 s17, s15  }
.Ltmp5:
0x9b: {  	_ = 	snop;
	(pc) =	sbr.rel @!p0 .LBB2_14-.Ltmp5, $3  }
0x9c: {  	_ =	sdelay $0x1  }
0x9d: {  	s20 =	sadd.s32 $0xFFFFFF00, s20  }
0x9e: {  	s16 =	sadd.s32 $0xFFFFFF00, s16;
	s18 =	sadd.s32 $0x100, s18;
	s19 =	sadd.s32 $0x100, s19  }
.LBB2_5:
0x9f: {  	s22 =	sshll.u32 s17, $0x1  }
0xa0: {  	s21 =	sshllo.u32 s17, $0x1;
	p0 =	sge.s32 s22, s14  }
0xa1: {  	p1 =	sge.s32 @!p0 s21, s14  }
0xa2: {  	p1 =	por p1, p0  }
0xa3: {  	s23 =	sshll.u32 @!p1 s21, $0x9  }
0xa4: {  	s23 =	sshra.s32 @!p1 s23, $0x2  }
0xa5: {  	v5 =	vld @!p1 [tilespmem:s23+$0x4000];
	_ =	sdelay $0x1  }
0xa6: {  	s24 =	sshll.u32 @!p1 s21, $0x7;
	v6 =	vlaneseq.u32 @!p1  }
0xa7: {  	v7 =	vor.u32 @!p1 s24, v6  }
0xa8: {  	vm0 =	vlt.s32 @!p1 v7, v4  }
0xa9: {  	v5 =	vnsel @!p1 vm0, $0x0, v5  }
0xaa: {  	[tilespmem:$0xD300] =	vst @!p1 v5  }
0xab: {  	v5 =	vld @!p1 [tilespmem:s23+$0x4010];
	_ =	sdelay $0x1  }
0xac: {  	s25 =	sor.u32 @!p1 $0x10, s24  }
0xad: {  	v7 =	vor.u32 @!p1 s25, v6  }
0xae: {  	vm0 =	vlt.s32 @!p1 v7, v4  }
0xaf: {  	v5 =	vnsel @!p1 vm0, $0x0, v5  }
0xb0: {  	[tilespmem:$0xD310] =	vst @!p1 v5  }
0xb1: {  	v5 =	vld @!p1 [tilespmem:s23+$0x4020];
	_ =	sdelay $0x1  }
0xb2: {  	s25 =	sor.u32 @!p1 $0x20, s24  }
0xb3: {  	v7 =	vor.u32 @!p1 s25, v6  }
0xb4: {  	vm0 =	vlt.s32 @!p1 v7, v4  }
0xb5: {  	v5 =	vnsel @!p1 vm0, $0x0, v5  }
0xb6: {  	[tilespmem:$0xD380] =	vst @!p1 v5  }
0xb7: {  	v5 =	vld @!p1 [tilespmem:s23+$0x4030];
	_ =	sdelay $0x1  }
0xb8: {  	s25 =	sor.u32 @!p1 $0x30, s24  }
0xb9: {  	v7 =	vor.u32 @!p1 s25, v6  }
0xba: {  	vm0 =	vlt.s32 @!p1 v7, v4  }
0xbb: {  	v5 =	vnsel @!p1 vm0, $0x0, v5  }
0xbc: {  	[tilespmem:$0xD390] =	vst @!p1 v5  }
0xbd: {  	v5 =	vld @!p1 [tilespmem:s23+$0x4040];
	_ =	sdelay $0x1  }
0xbe: {  	s25 =	sor.u32 @!p1 $0x40, s24  }
0xbf: {  	v7 =	vor.u32 @!p1 s25, v6  }
0xc0: {  	vm0 =	vlt.s32 @!p1 v7, v4  }
0xc1: {  	v5 =	vnsel @!p1 vm0, $0x0, v5  }
0xc2: {  	[tilespmem:$0xD400] =	vst @!p1 v5  }
0xc3: {  	v5 =	vld @!p1 [tilespmem:s23+$0x4050];
	_ =	sdelay $0x1  }
0xc4: {  	s25 =	sor.u32 @!p1 $0x50, s24  }
0xc5: {  	v7 =	vor.u32 @!p1 s25, v6  }
0xc6: {  	vm0 =	vlt.s32 @!p1 v7, v4  }
0xc7: {  	v5 =	vnsel @!p1 vm0, $0x0, v5  }
0xc8: {  	[tilespmem:$0xD410] =	vst @!p1 v5  }
0xc9: {  	v5 =	vld @!p1 [tilespmem:s23+$0x4060];
	_ =	sdelay $0x1  }
0xca: {  	s25 =	sor.u32 @!p1 $0x60, s24  }
0xcb: {  	v7 =	vor.u32 @!p1 s25, v6  }
0xcc: {  	vm0 =	vlt.s32 @!p1 v7, v4  }
0xcd: {  	v5 =	vnsel @!p1 vm0, $0x0, v5  }
0xce: {  	[tilespmem:$0xD480] =	vst @!p1 v5  }
0xcf: {  	v5 =	vld @!p1 [tilespmem:s23+$0x4070];
	_ =	sdelay $0x1  }
0xd0: {  	s23 =	sor.u32 @!p1 $0x70, s24  }
0xd1: {  	v6 =	vor.u32 @!p1 s23, v6  }
0xd2: {  	vm0 =	vlt.s32 @!p1 v6, v4  }
0xd3: {  	v5 =	vnsel @!p1 vm0, $0x0, v5  }
0xd4: {  	s25 =	simm.s32 @!p1 $0x11500;
	s24 =	simm.s32 @!p1 $0xD300;
	s23 =	simm.s32 @!p1 $0x20;
	[tilespmem:$0xD490] =	vst @!p1 v5  }
0xd5: {  	[tilespmem:s25], [sflag:$0x2] =	stream.indirect.gather @!p1 [hbm4b:s2+s23], $0x80, s24, s23, $0xb8;
	[tilespmem:$0x15500] =	vst v63  }
0xd6: {  	s24 =	simm.s32 @!p1 $0xD380;
	s25 =	simm.s32 @!p1 $0x12500  }
0xd7: {  	[tilespmem:s25], [sflag:$0x2] =	stream.indirect.gather @!p1 [hbm4b:s2+s23], $0x80, s24, s23, $0xb8;
	[tilespmem:$0x15500] =	vst v63  }
0xd8: {  	s24 =	simm.s32 @!p1 $0xD400;
	s25 =	simm.s32 @!p1 $0x13500  }
0xd9: {  	[tilespmem:s25], [sflag:$0x2] =	stream.indirect.gather @!p1 [hbm4b:s2+s23], $0x80, s24, s23, $0xb8;
	[tilespmem:$0x15500] =	vst v63  }
0xda: {  	s24 =	simm.s32 @!p1 $0xD480;
	s25 =	simm.s32 @!p1 $0x14500  }
0xdb: {  	[tilespmem:s25], [sflag:$0x2] =	stream.indirect.gather @!p1 [hbm4b:s2+s23], $0x80, s24, s23, $0xb8;
	[tilespmem:$0x15500] =	vst v63  }
0xdc: {  	s23 =	simm.s32 @!p0 $0x1  }
0xdd: {  	_ =	swait.ge @!p0 [sflag:s23], $0x1000  }
0xde: {  	[sflag:s23] =	ssyncset.done @!p0 $0x0  }
0xdf: {  	[sflag:s23] =	ssyncadd.s32 @!p0 $0xFFFFF000  }
0xe0: {  	s24 =	sshll.u32 @!p0 s17, $0x8;
	_ =	swait.ge @!p0 [sflag:s23], $0x1000  }
0xe1: {  	s24 =	ssub.s32 @!p0 s13, s24;
	[sflag:s23] =	ssyncset.done @!p0 $0x0  }
0xe2: {  	p1 =	slt.s32 @!p0 s24, $0x1;
	[sflag:s23] =	ssyncadd.s32 @!p0 $0xFFFFF000  }
0xe3: {  	p1 =	por p0, p1;
	_ =	swait.ge @!p0 [sflag:s23], $0x1000  }
.Ltmp6:
0xe4: {  	[sflag:s23] =	ssyncset.done @!p0 $0x0;
	(pc) =	sbr.rel @p1 .LBB2_9-.Ltmp6, $4  }
0xe5: {  	[sflag:s23] =	ssyncadd.s32 @!p0 $0xFFFFF000  }
0xe6: {  	_ =	swait.ge @!p0 [sflag:s23], $0x1000  }
0xe7: {  	[sflag:s23] =	ssyncset.done @!p0 $0x0  }
0xe8: {  	[sflag:s23] =	ssyncadd.s32 @!p0 $0xFFFFF000  }
0xe9: {  	v5 =	vld [tilespmem:s18+$0x0];
	_ =	sdelay $0x4  }
0xea: {  	(v2sf) =	vpush v5, $0x0;
	_ =	sdelay $0x8  }
0xeb: {  	s23 =	simm.s32 @!p0 $0xD540  }
0xec: {  	v6 =	vld [tilespmem:s23+$0x20]  }
0xed: {  	v7 =	vld [tilespmem:s23+$0xFFFFFFE0]  }
0xee: {  	v9 =	vld [tilespmem:s23+$0xFFFFFFF0]  }
0xef: {  	v8 =	vld [tilespmem:s23+$0x0]  }
0xf0: {  	v10 =	vld [tilespmem:s23+$0xFFFFFFD0]  }
0xf1: {  	v11 =	vld [tilespmem:s23+$0x10];
	s24 =	spop (v2sf)  }
0xf2: {  	v12 =	vld [tilespmem:s23+$0x30];
	s24 =	sshll.u32 s24, $0x9  }
0xf3: {  	v5 =	vld [tilespmem:s23+$0xFFFFFFC0];
	s24 =	sshra.s32 s24, $0x2  }
0xf4: {  	v13 =	vld [tilespmem:s24+$0xC170]  }
0xf5: {  	v14 =	vld [tilespmem:s24+$0xC150]  }
0xf6: {  	v15 =	vld [tilespmem:s24+$0xC110]  }
0xf7: {  	v16 =	vld [tilespmem:s24+$0xC140]  }
0xf8: {  	v19 =	vmul.f32 $9.999999770e-03, v7;
	v20 =	vmul.f32 $9.999999770e-03, v6;
	v18 =	vld [tilespmem:s24+$0xC130]  }
0xf9: {  	v6 =	vmul.f32 $9.999999770e-03, v12;
	v11 =	vmul.f32 $9.999999770e-03, v11;
	v12 =	vld [tilespmem:s24+$0xC120]  }
0xfa: {  	v10 =	vmul.f32 $9.999999770e-03, v10;
	v58 =	vmul.f32 $9.999999770e-03, v8;
	v21 =	vld [tilespmem:s24+$0xC160]  }
0xfb: {  	v17 =	vmul.f32 $9.999999770e-03, v5;
	v5 =	vmul.f32 $9.900000090e-01, v13;
	v13 =	vld [tilespmem:s24+$0xC100]  }
0xfc: {  	v7 =	vmul.f32 $9.900000090e-01, v14;
	v14 =	vmul.f32 $9.900000090e-01, v15  }
0xfd: {  	v9 =	vmul.f32 $9.999999770e-03, v9;
	v15 =	vmul.f32 $9.900000090e-01, v16;
	v6 =	vadd.f32 v6, v5  }
0xfe: {  	v12 =	vmul.f32 $9.900000090e-01, v12;
	v5 =	vadd.f32 v11, v7;
	v8 =	vadd.f32 v10, v14  }
0xff: {  	v10 =	vmul.f32 $9.900000090e-01, v18;
	v7 =	vadd.f32 v58, v15;
	v11 =	vmul.f32 $9.900000090e-01, v21  }
0x100: {  	v12 =	vadd.f32 v19, v12;
	v14 =	vmul.f32 v5, v5;
	v13 =	vmul.f32 $9.900000090e-01, v13  }
0x101: {  	v10 =	vadd.f32 v9, v10;
	v15 =	vmul.f32 v8, v8;
	v9 =	vadd.f32 v20, v11  }
0x102: {  	v16 =	vmul.f32 v7, v7;
	v60 =	vmul.f32 v6, v6;
	v11 =	vadd.f32 v17, v13  }
0x103: {  	v62 =	vmul.f32 v12, v12;
	v59 =	vmul.f32 v9, v9  }
0x104: {  	v13 =	vmul.f32 v10, v10;
	v61 =	vmul.f32 v11, v11  }
0x105: {  	v14 =	vadd.f32 v14, v16;
	v63 =	vadd.f32 v60, v59  }
0x106: {  	v13 =	vadd.f32 v13, v62;
	v15 =	vadd.f32 v15, v61;
	_ =	sdelay $0x1  }
0x107: {  	v14 =	vadd.f32 v63, v14;
	v13 =	vadd.f32 v13, v15;
	_ =	sdelay $0x1  }
0x108: {  	v13 =	vadd.f32 v14, v13;
	_ =	sdelay $0x1  }
0x109: {  	(xrf2) =	vadd.scan.msk.f32 $0xffff, v13;
	_ =	sdelay $0x9  }
0x10a: {  	v13, _, _ =	vpop (xrf2)  }
0x10b: {  	(v2sf) =	vpush v13, $0xF;
	_ =	sdelay $0xe  }
0x10c: {  	s25 =	spop (v2sf)  }
0x10d: {  	s25 =	smax.f32 s25, $1.000000020e-24  }
0x10e: {  	s26 =	sshrl.u32 s25, $0x1;
	s28 =	smul.f32 $5.000000000e-01, s25  }
0x10f: {  	s31 =	ssub.s32 $0x5F3759DF, s26  }
0x110: {  	s26 =	smul.f32 s31, s28;
	_ =	sdelay $0x1  }
0x111: {  	s26 =	smul.f32 s31, s26;
	_ =	sdelay $0x1  }
0x112: {  	s26 =	ssub.f32 $1.500000000e+00, s26;
	_ =	sdelay $0x1  }
0x113: {  	s26 =	smul.f32 s31, s26  }
0x114: {  	p0 =	sgt.s32 s20, $0x1;
	s29 =	smov.u32 s20  }
0x115: {  	s29 =	simm.s32 @!p0 $0x1;
	s25 =	smul.f32 s26, s28  }
0x116: {  	s29 =	smin.u32 s29, $0x80  }
0x117: {  	p0 =	sne.s32 s29, $0x1;
	s25 =	smul.f32 s25, s26  }
.Ltmp7:
0x118: {  	_ = 	snop;
	(pc) =	sbr.rel @!p0 .LBB2_8-.Ltmp7, $3  }
0x119: {  	_ = 	snop  }
0x11a: {  	s30 =	ssub.f32 $1.500000000e+00, s25;
	_ =	sdelay $0x1  }
0x11b: {  	s25 =	sadd.s32 $0xFFFFFFFF, s29;
	s29 =	smul.f32 s30, s26;
	s26 =	smov.u32 s18  }
.LBB2_7:
0x11c: {  	_ = 	snop  }
0x11d: {  	s26 =	sadd.s32 $0x1, s26;
	s23 =	sadd.s32 $0x80, s23;
	s28 =	smul.f32 s29, s28  }
0x11e: {  	p0 =	sne.s32 s25, $0x1;
	s25 =	sadd.s32 $0xFFFFFFFF, s25  }
0x11f: {  	s28 =	smul.f32 s28, s29;
	_ =	sdelay $0x1  }
0x120: {  	s28 =	ssub.f32 $1.500000000e+00, s28;
	_ =	sdelay $0x1  }
0x121: {  	s28 =	smul.f32 s28, s29;
	_ =	sdelay $0x1  }
0x122: {  	v11 =	vmul.f32 s28, v11;
	v6 =	vmul.f32 s28, v6  }
0x123: {  	v8 =	vmul.f32 s28, v8;
	v12 =	vmul.f32 s28, v12  }
0x124: {  	v10 =	vmul.f32 s28, v10;
	v7 =	vmul.f32 s28, v7;
	[tilespmem:s24+$0xC170] =	vst v6  }
0x125: {  	v5 =	vmul.f32 s28, v5;
	v6 =	vmul.f32 s28, v9;
	[tilespmem:s24+$0xC110] =	vst v8  }
0x126: {  	[tilespmem:s24+$0xC120] =	vst v12  }
0x127: {  	[tilespmem:s24+$0xC130] =	vst v10  }
0x128: {  	[tilespmem:s24+$0xC140] =	vst v7  }
0x129: {  	[tilespmem:s24+$0xC150] =	vst v5  }
0x12a: {  	[tilespmem:s24+$0xC160] =	vst v6  }
0x12b: {  	[tilespmem:s24+$0xC100] =	vst v11  }
0x12c: {  	v5 =	vld [tilespmem:s26+$0x0];
	_ =	sdelay $0x4  }
0x12d: {  	(v2sf) =	vpush v5, $0x0;
	_ =	sdelay $0x9  }
0x12e: {  	v5 =	vld [tilespmem:s23+$0xFFFFFFC0]  }
0x12f: {  	v6 =	vld [tilespmem:s23+$0x20]  }
0x130: {  	v7 =	vld [tilespmem:s23+$0xFFFFFFE0]  }
0x131: {  	v9 =	vld [tilespmem:s23+$0xFFFFFFF0]  }
0x132: {  	v8 =	vld [tilespmem:s23+$0x0]  }
0x133: {  	v10 =	vld [tilespmem:s23+$0xFFFFFFD0];
	s24 =	spop (v2sf)  }
0x134: {  	s24 =	sshll.u32 s24, $0x9;
	v11 =	vld [tilespmem:s23+$0x10]  }
0x135: {  	s24 =	sshra.s32 s24, $0x2;
	v12 =	vld [tilespmem:s23+$0x30]  }
0x136: {  	v13 =	vld [tilespmem:s24+$0xC170]  }
0x137: {  	v14 =	vld [tilespmem:s24+$0xC150]  }
0x138: {  	v15 =	vld [tilespmem:s24+$0xC110]  }
0x139: {  	v16 =	vmul.f32 $9.999999770e-03, v5;
	v5 =	vld [tilespmem:s24+$0xC140]  }
0x13a: {  	v18 =	vmul.f32 $9.999999770e-03, v6;
	v17 =	vmul.f32 $9.999999770e-03, v7;
	v7 =	vld [tilespmem:s24+$0xC130]  }
0x13b: {  	v12 =	vmul.f32 $9.999999770e-03, v12;
	v19 =	vld [tilespmem:s24+$0xC160];
	v6 =	vmul.f32 $9.900000090e-01, v13  }
0x13c: {  	v11 =	vmul.f32 $9.999999770e-03, v11;
	v13 =	vld [tilespmem:s24+$0xC120];
	v14 =	vmul.f32 $9.900000090e-01, v14  }
0x13d: {  	v10 =	vmul.f32 $9.999999770e-03, v10;
	v20 =	vld [tilespmem:s24+$0xC100];
	v15 =	vmul.f32 $9.900000090e-01, v15;
	v6 =	vadd.f32 v12, v6  }
0x13e: {  	v21 =	vmul.f32 $9.999999770e-03, v8;
	v12 =	vmul.f32 $9.900000090e-01, v5;
	v5 =	vadd.f32 v11, v14  }
0x13f: {  	v9 =	vmul.f32 $9.999999770e-03, v9;
	v8 =	vadd.f32 v10, v15;
	v10 =	vmul.f32 $9.900000090e-01, v7  }
0x140: {  	v7 =	vadd.f32 v21, v12;
	v14 =	vmul.f32 v5, v5;
	v11 =	vmul.f32 $9.900000090e-01, v19  }
0x141: {  	v15 =	vmul.f32 v8, v8;
	v12 =	vmul.f32 $9.900000090e-01, v13  }
0x142: {  	v10 =	vadd.f32 v9, v10;
	v13 =	vmul.f32 $9.900000090e-01, v20;
	v19 =	vmul.f32 v7, v7  }
0x143: {  	v9 =	vadd.f32 v18, v11;
	v12 =	vadd.f32 v17, v12  }
0x144: {  	v11 =	vadd.f32 v16, v13;
	v13 =	vmul.f32 v10, v10;
	v14 =	vadd.f32 v14, v19  }
0x145: {  	v17 =	vmul.f32 v6, v6;
	v16 =	vmul.f32 v9, v9  }
0x146: {  	v19 =	vmul.f32 v12, v12;
	v18 =	vmul.f32 v11, v11  }
0x147: {  	v16 =	vadd.f32 v17, v16  }
0x148: {  	v13 =	vadd.f32 v13, v19;
	v15 =	vadd.f32 v15, v18  }
0x149: {  	v14 =	vadd.f32 v16, v14  }
0x14a: {  	v13 =	vadd.f32 v13, v15;
	_ =	sdelay $0x1  }
0x14b: {  	v13 =	vadd.f32 v14, v13;
	_ =	sdelay $0x1  }
0x14c: {  	(xrf2) =	vadd.scan.msk.f32 $0xffff, v13;
	_ =	sdelay $0x9  }
0x14d: {  	v13, _, _ =	vpop (xrf2)  }
0x14e: {  	(v2sf) =	vpush v13, $0xF;
	_ =	sdelay $0xe  }
0x14f: {  	s28 =	spop (v2sf)  }
0x150: {  	s28 =	smax.f32 s28, $1.000000020e-24  }
0x151: {  	s29 =	sshrl.u32 s28, $0x1;
	s28 =	smul.f32 $5.000000000e-01, s28  }
0x152: {  	s29 =	ssub.s32 $0x5F3759DF, s29  }
0x153: {  	s30 =	smul.f32 s29, s28;
	_ =	sdelay $0x1  }
0x154: {  	s30 =	smul.f32 s29, s30;
	_ =	sdelay $0x1  }
0x155: {  	s30 =	ssub.f32 $1.500000000e+00, s30;
	_ =	sdelay $0x1  }
0x156: {  	s29 =	smul.f32 s29, s30;
	_ =	sdelay $0x1  }
0x157: {  	s30 =	smul.f32 s29, s28;
	_ =	sdelay $0x1  }
0x158: {  	s30 =	smul.f32 s30, s29  }
.Ltmp8:
0x159: {  	(pc) =	sbr.rel @p0 .LBB2_7-.Ltmp8, $3  }
0x15a: {  	_ = 	snop  }
0x15b: {  	s30 =	ssub.f32 $1.500000000e+00, s30;
	_ =	sdelay $0x1  }
0x15c: {  	s29 =	smul.f32 s30, s29  }
.LBB2_8:
0x15d: {  	_ = 	snop  }
0x15e: {  	s23 =	smul.f32 s29, s28;
	_ =	sdelay $0x1  }
0x15f: {  	s23 =	smul.f32 s23, s29;
	_ =	sdelay $0x1  }
0x160: {  	s23 =	ssub.f32 $1.500000000e+00, s23;
	_ =	sdelay $0x1  }
0x161: {  	s23 =	smul.f32 s23, s29;
	_ =	sdelay $0x1  }
0x162: {  	v6 =	vmul.f32 s23, v6  }
0x163: {  	v8 =	vmul.f32 s23, v8  }
0x164: {  	v12 =	vmul.f32 s23, v12;
	[tilespmem:s24+$0xC170] =	vst v6  }
0x165: {  	v7 =	vmul.f32 s23, v7;
	[tilespmem:s24+$0xC110] =	vst v8  }
0x166: {  	v5 =	vmul.f32 s23, v5;
	[tilespmem:s24+$0xC120] =	vst v12  }
0x167: {  	v6 =	vmul.f32 s23, v10;
	[tilespmem:s24+$0xC140] =	vst v7  }
0x168: {  	v7 =	vmul.f32 s23, v11;
	[tilespmem:s24+$0xC150] =	vst v5  }
0x169: {  	[tilespmem:s24+$0xC130] =	vst v6;
	v6 =	vmul.f32 s23, v9  }
0x16a: {  	[tilespmem:s24+$0xC100] =	vst v7  }
0x16b: {  	[tilespmem:s24+$0xC160] =	vst v6  }
.LBB2_9:
0x16c: {  	p0 =	sge.s32 s21, s14  }
0x16d: {  	s22 =	sadd.s32 @!p0 $0x2, s22  }
0x16e: {  	p1 =	sge.s32 @!p0 s22, s14  }
0x16f: {  	p1 =	por p1, p0  }
0x170: {  	s23 =	sshll.u32 @!p1 s22, $0x9  }
0x171: {  	s23 =	sshra.s32 @!p1 s23, $0x2  }
0x172: {  	v5 =	vld @!p1 [tilespmem:s23+$0x4000];
	_ =	sdelay $0x1  }
0x173: {  	s22 =	sshll.u32 @!p1 s22, $0x7;
	v6 =	vlaneseq.u32 @!p1  }
0x174: {  	v7 =	vor.u32 @!p1 s22, v6  }
0x175: {  	vm0 =	vlt.s32 @!p1 v7, v4  }
0x176: {  	v5 =	vnsel @!p1 vm0, $0x0, v5  }
0x177: {  	[tilespmem:$0xD100] =	vst @!p1 v5  }
0x178: {  	v5 =	vld @!p1 [tilespmem:s23+$0x4010];
	_ =	sdelay $0x1  }
0x179: {  	s24 =	sor.u32 @!p1 $0x10, s22  }
0x17a: {  	v7 =	vor.u32 @!p1 s24, v6  }
0x17b: {  	vm0 =	vlt.s32 @!p1 v7, v4  }
0x17c: {  	v5 =	vnsel @!p1 vm0, $0x0, v5  }
0x17d: {  	[tilespmem:$0xD110] =	vst @!p1 v5  }
0x17e: {  	v5 =	vld @!p1 [tilespmem:s23+$0x4020];
	_ =	sdelay $0x1  }
0x17f: {  	s24 =	sor.u32 @!p1 $0x20, s22  }
0x180: {  	v7 =	vor.u32 @!p1 s24, v6  }
0x181: {  	vm0 =	vlt.s32 @!p1 v7, v4  }
0x182: {  	v5 =	vnsel @!p1 vm0, $0x0, v5  }
0x183: {  	[tilespmem:$0xD180] =	vst @!p1 v5  }
0x184: {  	v5 =	vld @!p1 [tilespmem:s23+$0x4030];
	_ =	sdelay $0x1  }
0x185: {  	s24 =	sor.u32 @!p1 $0x30, s22  }
0x186: {  	v7 =	vor.u32 @!p1 s24, v6  }
0x187: {  	vm0 =	vlt.s32 @!p1 v7, v4  }
0x188: {  	v5 =	vnsel @!p1 vm0, $0x0, v5  }
0x189: {  	[tilespmem:$0xD190] =	vst @!p1 v5  }
0x18a: {  	v5 =	vld @!p1 [tilespmem:s23+$0x4040];
	_ =	sdelay $0x1  }
0x18b: {  	s24 =	sor.u32 @!p1 $0x40, s22  }
0x18c: {  	v7 =	vor.u32 @!p1 s24, v6  }
0x18d: {  	vm0 =	vlt.s32 @!p1 v7, v4  }
0x18e: {  	v5 =	vnsel @!p1 vm0, $0x0, v5  }
0x18f: {  	[tilespmem:$0xD200] =	vst @!p1 v5  }
0x190: {  	v5 =	vld @!p1 [tilespmem:s23+$0x4050];
	_ =	sdelay $0x1  }
0x191: {  	s24 =	sor.u32 @!p1 $0x50, s22  }
0x192: {  	v7 =	vor.u32 @!p1 s24, v6  }
0x193: {  	vm0 =	vlt.s32 @!p1 v7, v4  }
0x194: {  	v5 =	vnsel @!p1 vm0, $0x0, v5  }
0x195: {  	[tilespmem:$0xD210] =	vst @!p1 v5  }
0x196: {  	v5 =	vld @!p1 [tilespmem:s23+$0x4060];
	_ =	sdelay $0x1  }
0x197: {  	s24 =	sor.u32 @!p1 $0x60, s22  }
0x198: {  	v7 =	vor.u32 @!p1 s24, v6  }
0x199: {  	vm0 =	vlt.s32 @!p1 v7, v4  }
0x19a: {  	v5 =	vnsel @!p1 vm0, $0x0, v5  }
0x19b: {  	[tilespmem:$0xD280] =	vst @!p1 v5  }
0x19c: {  	v5 =	vld @!p1 [tilespmem:s23+$0x4070];
	_ =	sdelay $0x1  }
0x19d: {  	s22 =	sor.u32 @!p1 $0x70, s22  }
0x19e: {  	v6 =	vor.u32 @!p1 s22, v6  }
0x19f: {  	vm0 =	vlt.s32 @!p1 v6, v4  }
0x1a0: {  	v5 =	vnsel @!p1 vm0, $0x0, v5  }
0x1a1: {  	s22 =	simm.s32 @!p1 $0x20;
	s24 =	simm.s32 @!p1 $0xD500;
	s23 =	simm.s32 @!p1 $0xD100;
	[tilespmem:$0xD290] =	vst @!p1 v5  }
0x1a2: {  	[tilespmem:s24], [sflag:$0x1] =	stream.indirect.gather @!p1 [hbm4b:s2+s22], $0x80, s23, s22, $0xb8;
	[tilespmem:$0x15500] =	vst v63  }
0x1a3: {  	s23 =	simm.s32 @!p1 $0xD180;
	s24 =	simm.s32 @!p1 $0xE500  }
0x1a4: {  	[tilespmem:s24], [sflag:$0x1] =	stream.indirect.gather @!p1 [hbm4b:s2+s22], $0x80, s23, s22, $0xb8;
	[tilespmem:$0x15500] =	vst v63  }
0x1a5: {  	s23 =	simm.s32 @!p1 $0xD200;
	s24 =	simm.s32 @!p1 $0xF500  }
0x1a6: {  	[tilespmem:s24], [sflag:$0x1] =	stream.indirect.gather @!p1 [hbm4b:s2+s22], $0x80, s23, s22, $0xb8;
	[tilespmem:$0x15500] =	vst v63  }
0x1a7: {  	s23 =	simm.s32 @!p1 $0xD280;
	s24 =	simm.s32 @!p1 $0x10500  }
0x1a8: {  	[tilespmem:s24], [sflag:$0x1] =	stream.indirect.gather @!p1 [hbm4b:s2+s22], $0x80, s23, s22, $0xb8;
	[tilespmem:$0x15500] =	vst v63  }
0x1a9: {  	s22 =	simm.s32 @!p0 $0x2  }
0x1aa: {  	_ =	swait.ge @!p0 [sflag:s22], $0x1000  }
0x1ab: {  	[sflag:s22] =	ssyncset.done @!p0 $0x0  }
0x1ac: {  	[sflag:s22] =	ssyncadd.s32 @!p0 $0xFFFFF000  }
0x1ad: {  	s21 =	sshll.u32 @!p0 s21, $0x7;
	_ =	swait.ge @!p0 [sflag:s22], $0x1000  }
0x1ae: {  	s21 =	ssub.s32 @!p0 s13, s21;
	[sflag:s22] =	ssyncset.done @!p0 $0x0  }
0x1af: {  	p1 =	slt.s32 @!p0 s21, $0x1;
	[sflag:s22] =	ssyncadd.s32 @!p0 $0xFFFFF000  }
0x1b0: {  	p1 =	por p0, p1;
	_ =	swait.ge @!p0 [sflag:s22], $0x1000  }
.Ltmp9:
0x1b1: {  	[sflag:s22] =	ssyncset.done @!p0 $0x0;
	(pc) =	sbr.rel @p1 .LBB2_13-.Ltmp9, $4  }
0x1b2: {  	[sflag:s22] =	ssyncadd.s32 @!p0 $0xFFFFF000  }
0x1b3: {  	_ =	swait.ge @!p0 [sflag:s22], $0x1000  }
0x1b4: {  	[sflag:s22] =	ssyncset.done @!p0 $0x0  }
0x1b5: {  	[sflag:s22] =	ssyncadd.s32 @!p0 $0xFFFFF000  }
0x1b6: {  	v5 =	vld [tilespmem:s19+$0x0];
	_ =	sdelay $0x4  }
0x1b7: {  	(v2sf) =	vpush v5, $0x0;
	_ =	sdelay $0x8  }
0x1b8: {  	s21 =	simm.s32 @!p0 $0x11540  }
0x1b9: {  	v6 =	vld [tilespmem:s21+$0x20]  }
0x1ba: {  	v7 =	vld [tilespmem:s21+$0xFFFFFFE0]  }
0x1bb: {  	v9 =	vld [tilespmem:s21+$0xFFFFFFF0]  }
0x1bc: {  	v8 =	vld [tilespmem:s21+$0x0]  }
0x1bd: {  	v10 =	vld [tilespmem:s21+$0xFFFFFFD0]  }
0x1be: {  	v11 =	vld [tilespmem:s21+$0x10];
	s22 =	spop (v2sf)  }
0x1bf: {  	v12 =	vld [tilespmem:s21+$0x30];
	s22 =	sshll.u32 s22, $0x9  }
0x1c0: {  	v5 =	vld [tilespmem:s21+$0xFFFFFFC0];
	s22 =	sshra.s32 s22, $0x2  }
0x1c1: {  	v13 =	vld [tilespmem:s22+$0xC170]  }
0x1c2: {  	v14 =	vld [tilespmem:s22+$0xC150]  }
0x1c3: {  	v15 =	vld [tilespmem:s22+$0xC110]  }
0x1c4: {  	v16 =	vld [tilespmem:s22+$0xC140]  }
0x1c5: {  	v19 =	vmul.f32 $9.999999770e-03, v7;
	v20 =	vmul.f32 $9.999999770e-03, v6;
	v18 =	vld [tilespmem:s22+$0xC130]  }
0x1c6: {  	v6 =	vmul.f32 $9.999999770e-03, v12;
	v11 =	vmul.f32 $9.999999770e-03, v11;
	v12 =	vld [tilespmem:s22+$0xC120]  }
0x1c7: {  	v10 =	vmul.f32 $9.999999770e-03, v10;
	v58 =	vmul.f32 $9.999999770e-03, v8;
	v21 =	vld [tilespmem:s22+$0xC160]  }
0x1c8: {  	v17 =	vmul.f32 $9.999999770e-03, v5;
	v5 =	vmul.f32 $9.900000090e-01, v13;
	v13 =	vld [tilespmem:s22+$0xC100]  }
0x1c9: {  	v7 =	vmul.f32 $9.900000090e-01, v14;
	v14 =	vmul.f32 $9.900000090e-01, v15  }
0x1ca: {  	v9 =	vmul.f32 $9.999999770e-03, v9;
	v15 =	vmul.f32 $9.900000090e-01, v16;
	v6 =	vadd.f32 v6, v5  }
0x1cb: {  	v12 =	vmul.f32 $9.900000090e-01, v12;
	v5 =	vadd.f32 v11, v7;
	v8 =	vadd.f32 v10, v14  }
0x1cc: {  	v10 =	vmul.f32 $9.900000090e-01, v18;
	v7 =	vadd.f32 v58, v15;
	v11 =	vmul.f32 $9.900000090e-01, v21  }
0x1cd: {  	v12 =	vadd.f32 v19, v12;
	v14 =	vmul.f32 v5, v5;
	v13 =	vmul.f32 $9.900000090e-01, v13  }
0x1ce: {  	v10 =	vadd.f32 v9, v10;
	v15 =	vmul.f32 v8, v8;
	v9 =	vadd.f32 v20, v11  }
0x1cf: {  	v16 =	vmul.f32 v7, v7;
	v60 =	vmul.f32 v6, v6;
	v11 =	vadd.f32 v17, v13  }
0x1d0: {  	v62 =	vmul.f32 v12, v12;
	v59 =	vmul.f32 v9, v9  }
0x1d1: {  	v13 =	vmul.f32 v10, v10;
	v61 =	vmul.f32 v11, v11  }
0x1d2: {  	v14 =	vadd.f32 v14, v16;
	v63 =	vadd.f32 v60, v59  }
0x1d3: {  	v13 =	vadd.f32 v13, v62;
	v15 =	vadd.f32 v15, v61;
	_ =	sdelay $0x1  }
0x1d4: {  	v14 =	vadd.f32 v63, v14;
	v13 =	vadd.f32 v13, v15;
	_ =	sdelay $0x1  }
0x1d5: {  	v13 =	vadd.f32 v14, v13;
	_ =	sdelay $0x1  }
0x1d6: {  	(xrf2) =	vadd.scan.msk.f32 $0xffff, v13;
	_ =	sdelay $0x9  }
0x1d7: {  	v13, _, _ =	vpop (xrf2)  }
0x1d8: {  	(v2sf) =	vpush v13, $0xF;
	_ =	sdelay $0xe  }
0x1d9: {  	s23 =	spop (v2sf)  }
0x1da: {  	s23 =	smax.f32 s23, $1.000000020e-24  }
0x1db: {  	s24 =	sshrl.u32 s23, $0x1;
	s25 =	smul.f32 $5.000000000e-01, s23  }
0x1dc: {  	s31 =	ssub.s32 $0x5F3759DF, s24  }
0x1dd: {  	s24 =	smul.f32 s31, s25;
	_ =	sdelay $0x1  }
0x1de: {  	s24 =	smul.f32 s31, s24;
	_ =	sdelay $0x1  }
0x1df: {  	s24 =	ssub.f32 $1.500000000e+00, s24;
	_ =	sdelay $0x1  }
0x1e0: {  	s24 =	smul.f32 s31, s24  }
0x1e1: {  	p0 =	sgt.s32 s16, $0x1;
	s26 =	smov.u32 s16  }
0x1e2: {  	s26 =	simm.s32 @!p0 $0x1;
	s23 =	smul.f32 s24, s25  }
0x1e3: {  	s26 =	smin.u32 s26, $0x80  }
0x1e4: {  	p0 =	sne.s32 s26, $0x1;
	s23 =	smul.f32 s23, s24  }
.Ltmp10:
0x1e5: {  	_ = 	snop;
	(pc) =	sbr.rel @!p0 .LBB2_12-.Ltmp10, $3  }
0x1e6: {  	s28 =	ssub.f32 $1.500000000e+00, s23;
	_ =	sdelay $0x1  }
0x1e7: {  	s23 =	sadd.s32 $0xFFFFFFFF, s26;
	s26 =	smul.f32 s28, s24  }
0x1e8: {  	s24 =	smov.u32 s19  }
.LBB2_11:
0x1e9: {  	s25 =	smul.f32 s26, s25;
	s24 =	sadd.s32 $0x1, s24;
	s21 =	sadd.s32 $0x80, s21  }
0x1ea: {  	p0 =	sne.s32 s23, $0x1;
	s23 =	sadd.s32 $0xFFFFFFFF, s23  }
0x1eb: {  	s25 =	smul.f32 s25, s26;
	_ =	sdelay $0x1  }
0x1ec: {  	s25 =	ssub.f32 $1.500000000e+00, s25;
	_ =	sdelay $0x1  }
0x1ed: {  	s25 =	smul.f32 s25, s26;
	_ =	sdelay $0x1  }
0x1ee: {  	v11 =	vmul.f32 s25, v11;
	v6 =	vmul.f32 s25, v6  }
0x1ef: {  	v8 =	vmul.f32 s25, v8;
	v12 =	vmul.f32 s25, v12  }
0x1f0: {  	v10 =	vmul.f32 s25, v10;
	v7 =	vmul.f32 s25, v7;
	[tilespmem:s22+$0xC170] =	vst v6  }
0x1f1: {  	v5 =	vmul.f32 s25, v5;
	v6 =	vmul.f32 s25, v9;
	[tilespmem:s22+$0xC110] =	vst v8  }
0x1f2: {  	[tilespmem:s22+$0xC120] =	vst v12  }
0x1f3: {  	[tilespmem:s22+$0xC130] =	vst v10  }
0x1f4: {  	[tilespmem:s22+$0xC140] =	vst v7  }
0x1f5: {  	[tilespmem:s22+$0xC150] =	vst v5  }
0x1f6: {  	[tilespmem:s22+$0xC160] =	vst v6  }
0x1f7: {  	[tilespmem:s22+$0xC100] =	vst v11  }
0x1f8: {  	v5 =	vld [tilespmem:s24+$0x0];
	_ =	sdelay $0x4  }
0x1f9: {  	(v2sf) =	vpush v5, $0x0;
	_ =	sdelay $0x9  }
0x1fa: {  	v5 =	vld [tilespmem:s21+$0xFFFFFFC0]  }
0x1fb: {  	v6 =	vld [tilespmem:s21+$0x20]  }
0x1fc: {  	v7 =	vld [tilespmem:s21+$0xFFFFFFE0]  }
0x1fd: {  	v9 =	vld [tilespmem:s21+$0xFFFFFFF0]  }
0x1fe: {  	v8 =	vld [tilespmem:s21+$0x0]  }
0x1ff: {  	v10 =	vld [tilespmem:s21+$0xFFFFFFD0];
	s22 =	spop (v2sf)  }
0x200: {  	s22 =	sshll.u32 s22, $0x9;
	v11 =	vld [tilespmem:s21+$0x10]  }
0x201: {  	s22 =	sshra.s32 s22, $0x2;
	v12 =	vld [tilespmem:s21+$0x30]  }
0x202: {  	v13 =	vld [tilespmem:s22+$0xC170]  }
0x203: {  	v14 =	vld [tilespmem:s22+$0xC150]  }
0x204: {  	v15 =	vld [tilespmem:s22+$0xC110]  }
0x205: {  	v16 =	vmul.f32 $9.999999770e-03, v5;
	v5 =	vld [tilespmem:s22+$0xC140]  }
0x206: {  	v18 =	vmul.f32 $9.999999770e-03, v6;
	v17 =	vmul.f32 $9.999999770e-03, v7;
	v7 =	vld [tilespmem:s22+$0xC130]  }
0x207: {  	v12 =	vmul.f32 $9.999999770e-03, v12;
	v19 =	vld [tilespmem:s22+$0xC160];
	v6 =	vmul.f32 $9.900000090e-01, v13  }
0x208: {  	v11 =	vmul.f32 $9.999999770e-03, v11;
	v13 =	vld [tilespmem:s22+$0xC120];
	v14 =	vmul.f32 $9.900000090e-01, v14  }
0x209: {  	v10 =	vmul.f32 $9.999999770e-03, v10;
	v20 =	vld [tilespmem:s22+$0xC100];
	v15 =	vmul.f32 $9.900000090e-01, v15;
	v6 =	vadd.f32 v12, v6  }
0x20a: {  	v21 =	vmul.f32 $9.999999770e-03, v8;
	v12 =	vmul.f32 $9.900000090e-01, v5;
	v5 =	vadd.f32 v11, v14  }
0x20b: {  	v9 =	vmul.f32 $9.999999770e-03, v9;
	v8 =	vadd.f32 v10, v15;
	v10 =	vmul.f32 $9.900000090e-01, v7  }
0x20c: {  	v7 =	vadd.f32 v21, v12;
	v14 =	vmul.f32 v5, v5;
	v11 =	vmul.f32 $9.900000090e-01, v19  }
0x20d: {  	v15 =	vmul.f32 v8, v8;
	v12 =	vmul.f32 $9.900000090e-01, v13  }
0x20e: {  	v10 =	vadd.f32 v9, v10;
	v13 =	vmul.f32 $9.900000090e-01, v20;
	v19 =	vmul.f32 v7, v7  }
0x20f: {  	v9 =	vadd.f32 v18, v11;
	v12 =	vadd.f32 v17, v12  }
0x210: {  	v11 =	vadd.f32 v16, v13;
	v13 =	vmul.f32 v10, v10;
	v14 =	vadd.f32 v14, v19  }
0x211: {  	v17 =	vmul.f32 v6, v6;
	v16 =	vmul.f32 v9, v9  }
0x212: {  	v19 =	vmul.f32 v12, v12;
	v18 =	vmul.f32 v11, v11  }
0x213: {  	v16 =	vadd.f32 v17, v16  }
0x214: {  	v13 =	vadd.f32 v13, v19;
	v15 =	vadd.f32 v15, v18  }
0x215: {  	v14 =	vadd.f32 v16, v14  }
0x216: {  	v13 =	vadd.f32 v13, v15;
	_ =	sdelay $0x1  }
0x217: {  	v13 =	vadd.f32 v14, v13;
	_ =	sdelay $0x1  }
0x218: {  	(xrf2) =	vadd.scan.msk.f32 $0xffff, v13;
	_ =	sdelay $0x9  }
0x219: {  	v13, _, _ =	vpop (xrf2)  }
0x21a: {  	(v2sf) =	vpush v13, $0xF;
	_ =	sdelay $0xe  }
0x21b: {  	s25 =	spop (v2sf)  }
0x21c: {  	s25 =	smax.f32 s25, $1.000000020e-24  }
0x21d: {  	s26 =	sshrl.u32 s25, $0x1;
	s25 =	smul.f32 $5.000000000e-01, s25  }
0x21e: {  	s26 =	ssub.s32 $0x5F3759DF, s26  }
0x21f: {  	s28 =	smul.f32 s26, s25;
	_ =	sdelay $0x1  }
0x220: {  	s28 =	smul.f32 s26, s28;
	_ =	sdelay $0x1  }
0x221: {  	s28 =	ssub.f32 $1.500000000e+00, s28;
	_ =	sdelay $0x1  }
0x222: {  	s26 =	smul.f32 s26, s28;
	_ =	sdelay $0x1  }
0x223: {  	s28 =	smul.f32 s26, s25;
	_ =	sdelay $0x1  }
0x224: {  	s28 =	smul.f32 s28, s26  }
.Ltmp11:
0x225: {  	(pc) =	sbr.rel @p0 .LBB2_11-.Ltmp11, $3  }
0x226: {  	_ = 	snop  }
0x227: {  	s28 =	ssub.f32 $1.500000000e+00, s28;
	_ =	sdelay $0x1  }
0x228: {  	s26 =	smul.f32 s28, s26  }
.Ltmp12:
0x229: {  	_ = 	snop;
	(pc) =	sbr.rel .LBB2_12-.Ltmp12, $1  }
0x22a: {  	_ =	sdelay $0x3  }
.LBB2_15:
0x22b: {  	_ =	sfence.sel $0x180000  }
0x22c: {  	[bflag:$0x0] =	sbarrier.arrive $0xFFFF  }
0x22d: {  	p0 =	sne.s32 s1, $0x0;
	_ =	strace $0x90000047  }
0x22e: {  	s0 =	sadd.s32 @!p0 $0x100000, s0;
	[bflag:$0x2] =	sbarrier.arrive $0xFFFF  }
0x22f: {  	[sflag:s0] =	ssyncadd.tile.s32 @!p0 $0x1;
	_ =	shalt  }
.Lfunc_end2:
_tile_overlayer_lowered:
.L_overlay_start_2:
0x230: {  	(tag) =	ssettag $0x2  }
0x231: {  	s0 =	rddreg [dreg:$0x0];
	s2 =	stileid.u32  }
0x232: {  	s1 =	rddreg [dreg:$0x1];
	p0 =	sne.s32 s2, $0x0  }
0x233: {  	s3 =	rddreg [dreg:$0x2];
	[bflag:$0x3] =	sbarrier.arrive $0xFFFF;
	s2 =	simm.s32 @!p0 $0x1C03  }
0x234: {  	[timem:s3], [sflag:s2] =	dma.local @!p0 [hbm:s0], s1  }
0x235: {  	s0 =	simm.s32 @!p0 $0x3  }
0x236: {  	_ =	swait.ge @!p0 [sflag:s0], s1  }
0x237: {  	s1 =	ssub.s32 @!p0 $0x0, s1;
	[sflag:s0] =	ssyncset.done @!p0 $0x0  }
0x238: {  	[sflag:s0] =	ssyncadd.s32 @!p0 s1  }
0x239: {  	[bflag:$0x3] =	sbarrier.arrive $0xFFFF  }
0x23a: {  	_ =	shalt  }

</sc_bundles>
